<compile_context>
chip_gen: v7x
topology: tpu7x:2x2x1
jax: 0.10.2.dev20260603
libtpu: 0.0.44.dev20260713+nightly
codegen_flags: <defaults>
</compile_context>

<pallas_src>
import functools

import jax
import jax.numpy as jnp
from jax import lax
from jax.experimental import pallas as pl
from jax.experimental.pallas import tpu as pltpu
from jax.experimental.pallas import tpu_sc as plsc

N = 10000
D = 128
DE = 16
E = 320000

NC = 2
NS = 16
NW = NC * NS
EPW = E // NW
K = 40
NCHUNK = EPW // K
NP = 10240
ROWS_PER_TILE = NP // NS


def _pqr_body(ea_ref, wc_ref, b1_ref, x_ref, wa_ref, wb_ref,
              r_ref, p_ref, q_ref):
    r_ref[...] = (
        jnp.dot(ea_ref[...], wc_ref[...], preferred_element_type=jnp.float32)
        + b1_ref[...]
    )

    @pl.when(pl.program_id(0) == 0)
    def _():
        xv = x_ref[...]
        p_ref[...] = jnp.dot(xv, wa_ref[...],
                             preferred_element_type=jnp.float32)
        q_ref[...] = jnp.dot(xv, wb_ref[...],
                             preferred_element_type=jnp.float32)


def _edge_body(row_hbm, col_hbm, p_hbm, q_hbm, r_hbm, out_hbm, deg_hbm,
               rowi_a, coli_a, rowi_b, coli_b, pb_a, qb_a, rb_a,
               pb_b, qb_b, rb_b, degb, s_shared,
               sp_a, sq_a, sr_a, sp_b, sq_b, sr_b, si_a, si_b):
    cid = lax.axis_index("c")
    sid = lax.axis_index("s")
    wid = sid * NC + cid
    base = wid * EPW

    zrow = jnp.zeros((16,), jnp.float32)

    def dzfill(i, _):
        degb[pl.ds(i * 16, 16)] = zrow
        return 0
    lax.fori_loop(0, NP // 16, dzfill, 0)

    def zfill(i, _):
        for j in range(D // 16):
            pb_a[i, pl.ds(j * 16, 16)] = zrow
        return 0
    lax.fori_loop(0, K, zfill, 0)
    for t in range(ROWS_PER_TILE // K):
        pltpu.sync_copy(pb_a, s_shared.at[pl.ds(sid * ROWS_PER_TILE + t * K, K)])
    plsc.subcore_barrier()

    lane = lax.iota(jnp.int32, 16)
    base_cnt, _ = plsc.scan_count(lane)
    one_minus_base = 1 - base_cnt
    tail_elig = lane >= 8

    bufs = ((rowi_a, coli_a, pb_a, qb_a, rb_a, sp_a, sq_a, sr_a, si_a),
            (rowi_b, coli_b, pb_b, qb_b, rb_b, sp_b, sq_b, sr_b, si_b))

    def issue_gathers(b, e0):
        rowi, coli, pb, qb, rb, sp, sq, sr, _ = bufs[b]
        pltpu.async_copy(p_hbm.at[rowi], pb, sp)
        pltpu.async_copy(q_hbm.at[coli], qb, sq)
        pltpu.async_copy(r_hbm.at[pl.ds(e0, K)], rb, sr)

    def wait_gathers(b):
        rowi, coli, pb, qb, rb, sp, sq, sr, _ = bufs[b]
        pltpu.make_async_copy(p_hbm.at[rowi], pb, sp).wait()
        pltpu.make_async_copy(q_hbm.at[coli], qb, sq).wait()
        pltpu.make_async_copy(r_hbm.at[pl.ds(0, K)], rb, sr).wait()

    def issue_idx(b, e0):
        rowi, coli = bufs[b][0], bufs[b][1]
        si = bufs[b][8]
        pltpu.async_copy(row_hbm.at[pl.ds(e0, K)], rowi, si)
        pltpu.async_copy(col_hbm.at[pl.ds(e0, K)], coli, si)

    def wait_idx(b):
        rowi, coli = bufs[b][0], bufs[b][1]
        si = bufs[b][8]
        pltpu.make_async_copy(row_hbm.at[pl.ds(0, K)], rowi, si).wait()
        pltpu.make_async_copy(col_hbm.at[pl.ds(0, K)], coli, si).wait()

    def deg_update(b):
        rowi = bufs[b][0]
        for off, elig in ((0, None), (16, None), (24, tail_elig)):
            idxv = rowi[pl.ds(off, 16)]
            cnt, lastm = plsc.scan_count(idxv, elig)
            if elig is not None:
                lastm = jnp.logical_and(lastm, elig)
            inc = (cnt + one_minus_base).astype(jnp.float32)
            plsc.addupdate_scatter(degb, [idxv], inc, mask=lastm)

    def compute_scatter(b):
        rowi, coli, pb, qb, rb = bufs[b][:5]

        @plsc.parallel_loop(0, K, unroll=4)
        def _(i):
            for j in range(D // 16):
                s = pl.ds(j * 16, 16)
                pb[i, s] = jnp.maximum(pb[i, s] + qb[i, s] + rb[i, s], 0.0)
        pltpu.sync_copy(pb, s_shared.at[rowi], add=True)

    pltpu.sync_copy(row_hbm.at[pl.ds(base, K)], rowi_a)
    pltpu.sync_copy(col_hbm.at[pl.ds(base, K)], coli_a)
    issue_gathers(0, base)
    issue_idx(1, base + K)

    def pipe(t, _):
        wait_idx(1)
        issue_gathers(1, base + (2 * t + 1) * K)
        deg_update(0)
        wait_gathers(0)
        compute_scatter(0)

        @pl.when(t < NCHUNK // 2 - 1)
        def _():
            issue_idx(0, base + (2 * t + 2) * K)

        @pl.when(t < NCHUNK // 2 - 1)
        def _():
            wait_idx(0)
            issue_gathers(0, base + (2 * t + 2) * K)
        deg_update(1)
        wait_gathers(1)
        compute_scatter(1)

        @pl.when(t < NCHUNK // 2 - 1)
        def _():
            issue_idx(1, base + (2 * t + 3) * K)
        return 0

    lax.fori_loop(0, NCHUNK // 2, pipe, 0)
    plsc.subcore_barrier()

    r0 = sid * ROWS_PER_TILE
    pltpu.sync_copy(s_shared.at[pl.ds(r0, ROWS_PER_TILE)],
                    out_hbm.at[cid, pl.ds(r0, ROWS_PER_TILE)])
    pltpu.sync_copy(degb, deg_hbm.at[wid])


@functools.cache
def _build_edge_kernel():
    return functools.partial(
        pl.kernel,
        out_type=[
            jax.ShapeDtypeStruct((NC, NP, D), jnp.float32),
            jax.ShapeDtypeStruct((NW, NP), jnp.float32),
        ],
        mesh=plsc.VectorSubcoreMesh(core_axis_name="c", subcore_axis_name="s",
                                    num_cores=NC, num_subcores=NS),
        compiler_params=pltpu.CompilerParams(needs_layout_passes=False),
        scratch_types=[
            pltpu.VMEM((K,), jnp.int32),
            pltpu.VMEM((K,), jnp.int32),
            pltpu.VMEM((K,), jnp.int32),
            pltpu.VMEM((K,), jnp.int32),
            pltpu.VMEM((K, D), jnp.float32),
            pltpu.VMEM((K, D), jnp.float32),
            pltpu.VMEM((K, D), jnp.float32),
            pltpu.VMEM((K, D), jnp.float32),
            pltpu.VMEM((K, D), jnp.float32),
            pltpu.VMEM((K, D), jnp.float32),
            pltpu.VMEM((NP,), jnp.float32),
            pltpu.VMEM_SHARED((NP, D), jnp.float32),
        ] + [pltpu.SemaphoreType.DMA] * 8,
    )(_edge_body)


def _gru_body(s0_ref, s1_ref, dp_ref, x_ref, w2_ref, b2_ref, wih_ref, whh_ref,
              bih_ref, bhh_ref, out_ref):
    sm = s0_ref[0] + s1_ref[0]
    ones_nw = jnp.ones((NW, 1), jnp.float32)
    deg = lax.dot_general(dp_ref[...], ones_nw, (((0,), (0,)), ((), ())),
                          preferred_element_type=jnp.float32)
    agg = (jnp.dot(sm, w2_ref[...], preferred_element_type=jnp.float32)
           + deg * b2_ref[...])
    gi = lax.dot_general(agg, wih_ref[...], (((1,), (1,)), ((), ())),
                         preferred_element_type=jnp.float32) + bih_ref[...]
    xv = x_ref[...]
    gh = lax.dot_general(xv, whh_ref[...], (((1,), (1,)), ((), ())),
                         preferred_element_type=jnp.float32) + bhh_ref[...]
    r = jax.nn.sigmoid(gi[:, :D] + gh[:, :D])
    z = jax.nn.sigmoid(gi[:, D:2 * D] + gh[:, D:2 * D])
    n = jnp.tanh(gi[:, 2 * D:] + r * gh[:, 2 * D:])
    out_ref[...] = (1.0 - z) * n + z * xv


def kernel(x, edge_index, edge_attr, W1, b1, W2, b2, Wih, Whh, bih, bhh):
    row = edge_index[0]
    col = edge_index[1]
    w1a = W1[:D]
    w1b = W1[D:2 * D]
    w1c = W1[2 * D:]

    RB = 32
    r_arr, p_arr, q_arr = pl.pallas_call(
        _pqr_body,
        grid=(RB,),
        in_specs=[
            pl.BlockSpec((E // RB, DE), lambda i: (i, 0)),
            pl.BlockSpec((DE, D), lambda i: (0, 0)),
            pl.BlockSpec((1, D), lambda i: (0, 0)),
            pl.BlockSpec((N, D), lambda i: (0, 0)),
            pl.BlockSpec((D, D), lambda i: (0, 0)),
            pl.BlockSpec((D, D), lambda i: (0, 0)),
        ],
        out_specs=[
            pl.BlockSpec((E // RB, D), lambda i: (i, 0)),
            pl.BlockSpec((N, D), lambda i: (0, 0)),
            pl.BlockSpec((N, D), lambda i: (0, 0)),
        ],
        out_shape=[
            jax.ShapeDtypeStruct((E, D), jnp.float32),
            jax.ShapeDtypeStruct((N, D), jnp.float32),
            jax.ShapeDtypeStruct((N, D), jnp.float32),
        ],
    )(edge_attr, w1c, b1.reshape(1, D), x, w1a, w1b)

    s_parts, deg_parts = _build_edge_kernel()(row, col, p_arr, q_arr, r_arr)

    NB = 1280
    out = pl.pallas_call(
        _gru_body,
        grid=(NP // NB,),
        in_specs=[
            pl.BlockSpec((1, NB, D), lambda i: (0, i, 0)),
            pl.BlockSpec((1, NB, D), lambda i: (1, i, 0)),
            pl.BlockSpec((NW, NB), lambda i: (0, i)),
            pl.BlockSpec((NB, D), lambda i: (i, 0)),
            pl.BlockSpec((D, D), lambda i: (0, 0)),
            pl.BlockSpec((1, D), lambda i: (0, 0)),
            pl.BlockSpec((3 * D, D), lambda i: (0, 0)),
            pl.BlockSpec((3 * D, D), lambda i: (0, 0)),
            pl.BlockSpec((1, 3 * D), lambda i: (0, 0)),
            pl.BlockSpec((1, 3 * D), lambda i: (0, 0)),
        ],
        out_specs=pl.BlockSpec((NB, D), lambda i: (i, 0)),
        out_shape=jax.ShapeDtypeStruct((N, D), jnp.float32),
    )(s_parts, s_parts, deg_parts, x, W2, b2.reshape(1, D), Wih, Whh,
      bih.reshape(1, 3 * D), bhh.reshape(1, 3 * D))
    return out

# --- scband reference (transcript-rebuilt; emitter-appended) ---
"""Pipeline reference for scband-message-passing-layer-4148938408094 (READ-ONLY COPY).

The authoritative reference and input builder live on the scoring server;
editing this copy changes nothing except your own understanding.
"""

import jax, jax.numpy as jnp
import numpy as np

N, D, De, E = 10000, 128, 16, 320000

def setup_inputs(seed: int = 0) -> dict:
    key = jax.random.key(seed)
    ks = jax.random.split(key, 12)
    s = 0.05
    x = jax.random.normal(ks[0], (N, D), dtype=jnp.float32)
    edge_index = jax.random.randint(ks[1], (2, E), 0, N, dtype=jnp.int32)
    edge_attr = jax.random.normal(ks[2], (E, De), dtype=jnp.float32)
    W1 = jax.random.normal(ks[3], (2 * D + De, D), dtype=jnp.float32) * s
    b1 = jax.random.normal(ks[4], (D,), dtype=jnp.float32) * s
    W2 = jax.random.normal(ks[5], (D, D), dtype=jnp.float32) * s
    b2 = jax.random.normal(ks[6], (D,), dtype=jnp.float32) * s
    Wih = jax.random.normal(ks[7], (3 * D, D), dtype=jnp.float32) * s
    Whh = jax.random.normal(ks[8], (3 * D, D), dtype=jnp.float32) * s
    bih = jax.random.normal(ks[9], (3 * D,), dtype=jnp.float32) * s
    bhh = jax.random.normal(ks[10], (3 * D,), dtype=jnp.float32) * s
    return {"x": x, "edge_index": edge_index, "edge_attr": edge_attr,
            "W1": W1, "b1": b1, "W2": W2, "b2": b2,
            "Wih": Wih, "Whh": Whh, "bih": bih, "bhh": bhh}

def reference(x, edge_index, edge_attr, W1, b1, W2, b2, Wih, Whh, bih, bhh):
    row = edge_index[0]
    col = edge_index[1]
    messages = jnp.concatenate([x[row], x[col], edge_attr], axis=-1)
    h = jax.nn.relu(messages @ W1 + b1)
    messages = h @ W2 + b2
    aggregated = jnp.zeros_like(x).at[row].add(messages)
    # GRUCell: input = aggregated, hidden = x
    gi = aggregated @ Wih.T + bih
    gh = x @ Whh.T + bhh
    i_r, i_z, i_n = jnp.split(gi, 3, axis=-1)
    h_r, h_z, h_n = jnp.split(gh, 3, axis=-1)
    r = jax.nn.sigmoid(i_r + h_r)
    z = jax.nn.sigmoid(i_z + h_z)
    n = jnp.tanh(i_n + r * h_n)
    return (1.0 - z) * n + z * x

if __name__ == "__main__":
    import jax
    _d = setup_inputs()
    print(jax.jit(kernel)(*tuple(_d.values())))

</pallas_src>

<mosaic_0001>
#map = affine_map<(d0, d1) -> (0)>
#map1 = affine_map<(d0, d1) -> (0, 0)>
#map2 = affine_map<(d0, d1) -> (0, 0, 0)>
module attributes {stable_mosaic.version = 14 : i64} {
  func.func @_edge_body(%arg0: i32, %arg1: i32, %arg2: memref<320000xi32, #tpu.memory_space<hbm>>, %arg3: memref<320000xi32, #tpu.memory_space<hbm>>, %arg4: memref<10000x128xf32, #tpu.memory_space<hbm>>, %arg5: memref<10000x128xf32, #tpu.memory_space<hbm>>, %arg6: memref<320000x128xf32, #tpu.memory_space<hbm>>, %arg7: memref<2x10240x128xf32, #tpu.memory_space<hbm>>, %arg8: memref<32x10240xf32, #tpu.memory_space<hbm>>, %arg9: memref<40xi32, #tpu.memory_space<vmem>>, %arg10: memref<40xi32, #tpu.memory_space<vmem>>, %arg11: memref<40xi32, #tpu.memory_space<vmem>>, %arg12: memref<40xi32, #tpu.memory_space<vmem>>, %arg13: memref<40x128xf32, #tpu.memory_space<vmem>>, %arg14: memref<40x128xf32, #tpu.memory_space<vmem>>, %arg15: memref<40x128xf32, #tpu.memory_space<vmem>>, %arg16: memref<40x128xf32, #tpu.memory_space<vmem>>, %arg17: memref<40x128xf32, #tpu.memory_space<vmem>>, %arg18: memref<40x128xf32, #tpu.memory_space<vmem>>, %arg19: memref<10240xf32, #tpu.memory_space<vmem>>, %arg20: memref<10240x128xf32, #tpu.memory_space<vmem_shared>>, %arg21: memref<!tpu.dma_semaphore, #tpu.memory_space<semaphore_mem>>, %arg22: memref<!tpu.dma_semaphore, #tpu.memory_space<semaphore_mem>>, %arg23: memref<!tpu.dma_semaphore, #tpu.memory_space<semaphore_mem>>, %arg24: memref<!tpu.dma_semaphore, #tpu.memory_space<semaphore_mem>>, %arg25: memref<!tpu.dma_semaphore, #tpu.memory_space<semaphore_mem>>, %arg26: memref<!tpu.dma_semaphore, #tpu.memory_space<semaphore_mem>>, %arg27: memref<!tpu.dma_semaphore, #tpu.memory_space<semaphore_mem>>, %arg28: memref<!tpu.dma_semaphore, #tpu.memory_space<semaphore_mem>>) attributes {dimension_semantics = [#tpu.dimension_semantics<core_parallel>, #tpu.dimension_semantics<subcore_parallel>], iteration_bounds = array<i64: 2, 16>, scalar_prefetch = 0 : i64, scratch_operands = 20 : i64, tpu.core_type = #tpu.core_type<sc_vector_subcore>, window_params = [{transform_indices = #map}, {transform_indices = #map}, {transform_indices = #map1}, {transform_indices = #map1}, {transform_indices = #map1}, {transform_indices = #map2}, {transform_indices = #map1}]} {
    %mul3A = arith.constant 2 : i32
    %mul3A_0 = arith.muli %arg1, %mul3A : i32
    %add3A = arith.addi %mul3A_0, %arg0 : i32
    %mul3A_1 = arith.constant 10000 : i32
    %mul3A_2 = arith.muli %add3A, %mul3A_1 : i32
    %broadcast_in_dim3A = arith.constant 0.000000e+00 : f32
    %broadcast_in_dim3A_3 = vector.broadcast %broadcast_in_dim3A : f32 to vector<16xf32>
    %scan3A = arith.constant 0 : i32
    %scan3A_4 = arith.constant 0 : i32
    %scan3A_5 = arith.constant 640 : i32
    %scan3A_6 = arith.addi %scan3A_4, %scan3A_5 : i32
    %scan3A_7 = arith.constant 1 : i32
    %scan3A_8 = scf.for %scan3A_113 = %scan3A_4 to %scan3A_6 step %scan3A_7 iter_args(%scan3A_114 = %scan3A) -> (i32)  : i32 {
      %mul3A_115 = arith.constant 16 : i32
      %mul3A_116 = arith.muli %scan3A_113, %mul3A_115 : i32
      %swap3A = arith.index_cast %mul3A_116 : i32 to index
      %swap3A_117 = tpu.vector_load %arg19[%swap3A] {strides = array<i32>} : memref<10240xf32, #tpu.memory_space<vmem>>, vector<16xf32>,
      tpu.vector_store %arg19[%swap3A], %broadcast_in_dim3A_3 {strides = array<i32>} : memref<10240xf32, #tpu.memory_space<vmem>>, vector<16xf32>,
      %scan3A_118 = arith.constant 0 : i32
      scf.yield %scan3A_118 : i32
    }
    %scan3A_9 = arith.constant 640 : i32
    %scan3A_10 = arith.constant 0 : i32
    %scan3A_11 = arith.constant 0 : i32
    %scan3A_12 = arith.constant 40 : i32
    %scan3A_13 = arith.addi %scan3A_11, %scan3A_12 : i32
    %scan3A_14 = arith.constant 1 : i32
    %scan3A_15 = scf.for %scan3A_113 = %scan3A_11 to %scan3A_13 step %scan3A_14 iter_args(%scan3A_114 = %scan3A_10) -> (i32)  : i32 {
      %swap3A = arith.index_cast %scan3A_113 : i32 to index
      %swap3A_115 = arith.constant 0 : index
      %swap3A_116 = tpu.vector_load %arg13[%swap3A, %swap3A_115] {strides = array<i32>} : memref<40x128xf32, #tpu.memory_space<vmem>>, vector<16xf32>,
      tpu.vector_store %arg13[%swap3A, %swap3A_115], %broadcast_in_dim3A_3 {strides = array<i32>} : memref<40x128xf32, #tpu.memory_space<vmem>>, vector<16xf32>,
      %swap3A_117 = arith.index_cast %scan3A_113 : i32 to index
      %swap3A_118 = arith.constant 16 : index
      %swap3A_119 = tpu.vector_load %arg13[%swap3A_117, %swap3A_118] {strides = array<i32>} : memref<40x128xf32, #tpu.memory_space<vmem>>, vector<16xf32>,
      tpu.vector_store %arg13[%swap3A_117, %swap3A_118], %broadcast_in_dim3A_3 {strides = array<i32>} : memref<40x128xf32, #tpu.memory_space<vmem>>, vector<16xf32>,
      %swap3A_120 = arith.index_cast %scan3A_113 : i32 to index
      %swap3A_121 = arith.constant 32 : index
      %swap3A_122 = tpu.vector_load %arg13[%swap3A_120, %swap3A_121] {strides = array<i32>} : memref<40x128xf32, #tpu.memory_space<vmem>>, vector<16xf32>,
      tpu.vector_store %arg13[%swap3A_120, %swap3A_121], %broadcast_in_dim3A_3 {strides = array<i32>} : memref<40x128xf32, #tpu.memory_space<vmem>>, vector<16xf32>,
      %swap3A_123 = arith.index_cast %scan3A_113 : i32 to index
      %swap3A_124 = arith.constant 48 : index
      %swap3A_125 = tpu.vector_load %arg13[%swap3A_123, %swap3A_124] {strides = array<i32>} : memref<40x128xf32, #tpu.memory_space<vmem>>, vector<16xf32>,
      tpu.vector_store %arg13[%swap3A_123, %swap3A_124], %broadcast_in_dim3A_3 {strides = array<i32>} : memref<40x128xf32, #tpu.memory_space<vmem>>, vector<16xf32>,
      %swap3A_126 = arith.index_cast %scan3A_113 : i32 to index
      %swap3A_127 = arith.constant 64 : index
      %swap3A_128 = tpu.vector_load %arg13[%swap3A_126, %swap3A_127] {strides = array<i32>} : memref<40x128xf32, #tpu.memory_space<vmem>>, vector<16xf32>,
      tpu.vector_store %arg13[%swap3A_126, %swap3A_127], %broadcast_in_dim3A_3 {strides = array<i32>} : memref<40x128xf32, #tpu.memory_space<vmem>>, vector<16xf32>,
      %swap3A_129 = arith.index_cast %scan3A_113 : i32 to index
      %swap3A_130 = arith.constant 80 : index
      %swap3A_131 = tpu.vector_load %arg13[%swap3A_129, %swap3A_130] {strides = array<i32>} : memref<40x128xf32, #tpu.memory_space<vmem>>, vector<16xf32>,
      tpu.vector_store %arg13[%swap3A_129, %swap3A_130], %broadcast_in_dim3A_3 {strides = array<i32>} : memref<40x128xf32, #tpu.memory_space<vmem>>, vector<16xf32>,
      %swap3A_132 = arith.index_cast %scan3A_113 : i32 to index
      %swap3A_133 = arith.constant 96 : index
      %swap3A_134 = tpu.vector_load %arg13[%swap3A_132, %swap3A_133] {strides = array<i32>} : memref<40x128xf32, #tpu.memory_space<vmem>>, vector<16xf32>,
      tpu.vector_store %arg13[%swap3A_132, %swap3A_133], %broadcast_in_dim3A_3 {strides = array<i32>} : memref<40x128xf32, #tpu.memory_space<vmem>>, vector<16xf32>,
      %swap3A_135 = arith.index_cast %scan3A_113 : i32 to index
      %swap3A_136 = arith.constant 112 : index
      %swap3A_137 = tpu.vector_load %arg13[%swap3A_135, %swap3A_136] {strides = array<i32>} : memref<40x128xf32, #tpu.memory_space<vmem>>, vector<16xf32>,
      tpu.vector_store %arg13[%swap3A_135, %swap3A_136], %broadcast_in_dim3A_3 {strides = array<i32>} : memref<40x128xf32, #tpu.memory_space<vmem>>, vector<16xf32>,
      %scan3A_138 = arith.constant 0 : i32
      scf.yield %scan3A_138 : i32
    }
    %scan3A_16 = arith.constant 40 : i32
    %mul3A_17 = arith.constant 640 : i32
    %mul3A_18 = arith.muli %arg1, %mul3A_17 : i32
    %add3A_19 = arith.constant 0 : i32
    %add3A_20 = arith.addi %mul3A_18, %add3A_19 : i32
    "tpu.region"() ({
      %run_scoped3A = tpu.sem_alloc : memref<!tpu.dma_semaphore, #tpu.memory_space<semaphore_mem>>
      %dma_start3A_113 = arith.constant 0 : i32
      %dma_start3A_114 = tpu.memref_slice %arg20[%add3A_20, %dma_start3A_113] : memref<10240x128xf32, #tpu.memory_space<vmem_shared>> -> memref<40x128xf32, #tpu.memory_space<vmem_shared>>
      %dma_start3A_115 = arith.constant 0 : i32
      %dma_start3A_116 = tpu.memref_slice %arg20[%add3A_20, %dma_start3A_115] : memref<10240x128xf32, #tpu.memory_space<vmem_shared>> -> memref<40x128xf32, #tpu.memory_space<vmem_shared>>
      tpu.enqueue_dma source(%arg13 : memref<40x128xf32, #tpu.memory_space<vmem>>) target(%dma_start3A_116 : memref<40x128xf32, #tpu.memory_space<vmem_shared>>) target_semaphore(%run_scoped3A : memref<!tpu.dma_semaphore, #tpu.memory_space<semaphore_mem>>)
      %dma_wait3A = arith.constant 0 : i32
      %dma_wait3A_117 = tpu.memref_slice %arg20[%add3A_20, %dma_wait3A] : memref<10240x128xf32, #tpu.memory_space<vmem_shared>> -> memref<40x128xf32, #tpu.memory_space<vmem_shared>>
      %dma_wait3A_118 = arith.constant 0 : i32
      %dma_wait3A_119 = tpu.memref_slice %arg20[%add3A_20, %dma_wait3A_118] : memref<10240x128xf32, #tpu.memory_space<vmem_shared>> -> memref<40x128xf32, #tpu.memory_space<vmem_shared>>
      tpu.wait_dma2 semaphore(%run_scoped3A : memref<!tpu.dma_semaphore, #tpu.memory_space<semaphore_mem>>) src(%arg13 : memref<40x128xf32, #tpu.memory_space<vmem>>) dst(%dma_wait3A_119 : memref<40x128xf32, #tpu.memory_space<vmem_shared>>)
      tpu.yield
    }) : () -> ()
    %mul3A_21 = arith.constant 640 : i32
    %mul3A_22 = arith.muli %arg1, %mul3A_21 : i32
    %add3A_23 = arith.constant 40 : i32
    %add3A_24 = arith.addi %mul3A_22, %add3A_23 : i32
    "tpu.region"() ({
      %run_scoped3A = tpu.sem_alloc : memref<!tpu.dma_semaphore, #tpu.memory_space<semaphore_mem>>
      %dma_start3A_113 = arith.constant 0 : i32
      %dma_start3A_114 = tpu.memref_slice %arg20[%add3A_24, %dma_start3A_113] : memref<10240x128xf32, #tpu.memory_space<vmem_shared>> -> memref<40x128xf32, #tpu.memory_space<vmem_shared>>
      %dma_start3A_115 = arith.constant 0 : i32
      %dma_start3A_116 = tpu.memref_slice %arg20[%add3A_24, %dma_start3A_115] : memref<10240x128xf32, #tpu.memory_space<vmem_shared>> -> memref<40x128xf32, #tpu.memory_space<vmem_shared>>
      tpu.enqueue_dma source(%arg13 : memref<40x128xf32, #tpu.memory_space<vmem>>) target(%dma_start3A_116 : memref<40x128xf32, #tpu.memory_space<vmem_shared>>) target_semaphore(%run_scoped3A : memref<!tpu.dma_semaphore, #tpu.memory_space<semaphore_mem>>)
      %dma_wait3A = arith.constant 0 : i32
      %dma_wait3A_117 = tpu.memref_slice %arg20[%add3A_24, %dma_wait3A] : memref<10240x128xf32, #tpu.memory_space<vmem_shared>> -> memref<40x128xf32, #tpu.memory_space<vmem_shared>>
      %dma_wait3A_118 = arith.constant 0 : i32
      %dma_wait3A_119 = tpu.memref_slice %arg20[%add3A_24, %dma_wait3A_118] : memref<10240x128xf32, #tpu.memory_space<vmem_shared>> -> memref<40x128xf32, #tpu.memory_space<vmem_shared>>
      tpu.wait_dma2 semaphore(%run_scoped3A : memref<!tpu.dma_semaphore, #tpu.memory_space<semaphore_mem>>) src(%arg13 : memref<40x128xf32, #tpu.memory_space<vmem>>) dst(%dma_wait3A_119 : memref<40x128xf32, #tpu.memory_space<vmem_shared>>)
      tpu.yield
    }) : () -> ()
    %mul3A_25 = arith.constant 640 : i32
    %mul3A_26 = arith.muli %arg1, %mul3A_25 : i32
    %add3A_27 = arith.constant 80 : i32
    %add3A_28 = arith.addi %mul3A_26, %add3A_27 : i32
    "tpu.region"() ({
      %run_scoped3A = tpu.sem_alloc : memref<!tpu.dma_semaphore, #tpu.memory_space<semaphore_mem>>
      %dma_start3A_113 = arith.constant 0 : i32
      %dma_start3A_114 = tpu.memref_slice %arg20[%add3A_28, %dma_start3A_113] : memref<10240x128xf32, #tpu.memory_space<vmem_shared>> -> memref<40x128xf32, #tpu.memory_space<vmem_shared>>
      %dma_start3A_115 = arith.constant 0 : i32
      %dma_start3A_116 = tpu.memref_slice %arg20[%add3A_28, %dma_start3A_115] : memref<10240x128xf32, #tpu.memory_space<vmem_shared>> -> memref<40x128xf32, #tpu.memory_space<vmem_shared>>
      tpu.enqueue_dma source(%arg13 : memref<40x128xf32, #tpu.memory_space<vmem>>) target(%dma_start3A_116 : memref<40x128xf32, #tpu.memory_space<vmem_shared>>) target_semaphore(%run_scoped3A : memref<!tpu.dma_semaphore, #tpu.memory_space<semaphore_mem>>)
      %dma_wait3A = arith.constant 0 : i32
      %dma_wait3A_117 = tpu.memref_slice %arg20[%add3A_28, %dma_wait3A] : memref<10240x128xf32, #tpu.memory_space<vmem_shared>> -> memref<40x128xf32, #tpu.memory_space<vmem_shared>>
      %dma_wait3A_118 = arith.constant 0 : i32
      %dma_wait3A_119 = tpu.memref_slice %arg20[%add3A_28, %dma_wait3A_118] : memref<10240x128xf32, #tpu.memory_space<vmem_shared>> -> memref<40x128xf32, #tpu.memory_space<vmem_shared>>
      tpu.wait_dma2 semaphore(%run_scoped3A : memref<!tpu.dma_semaphore, #tpu.memory_space<semaphore_mem>>) src(%arg13 : memref<40x128xf32, #tpu.memory_space<vmem>>) dst(%dma_wait3A_119 : memref<40x128xf32, #tpu.memory_space<vmem_shared>>)
      tpu.yield
    }) : () -> ()
    %mul3A_29 = arith.constant 640 : i32
    %mul3A_30 = arith.muli %arg1, %mul3A_29 : i32
    %add3A_31 = arith.constant 120 : i32
    %add3A_32 = arith.addi %mul3A_30, %add3A_31 : i32
    "tpu.region"() ({
      %run_scoped3A = tpu.sem_alloc : memref<!tpu.dma_semaphore, #tpu.memory_space<semaphore_mem>>
      %dma_start3A_113 = arith.constant 0 : i32
      %dma_start3A_114 = tpu.memref_slice %arg20[%add3A_32, %dma_start3A_113] : memref<10240x128xf32, #tpu.memory_space<vmem_shared>> -> memref<40x128xf32, #tpu.memory_space<vmem_shared>>
      %dma_start3A_115 = arith.constant 0 : i32
      %dma_start3A_116 = tpu.memref_slice %arg20[%add3A_32, %dma_start3A_115] : memref<10240x128xf32, #tpu.memory_space<vmem_shared>> -> memref<40x128xf32, #tpu.memory_space<vmem_shared>>
      tpu.enqueue_dma source(%arg13 : memref<40x128xf32, #tpu.memory_space<vmem>>) target(%dma_start3A_116 : memref<40x128xf32, #tpu.memory_space<vmem_shared>>) target_semaphore(%run_scoped3A : memref<!tpu.dma_semaphore, #tpu.memory_space<semaphore_mem>>)
      %dma_wait3A = arith.constant 0 : i32
      %dma_wait3A_117 = tpu.memref_slice %arg20[%add3A_32, %dma_wait3A] : memref<10240x128xf32, #tpu.memory_space<vmem_shared>> -> memref<40x128xf32, #tpu.memory_space<vmem_shared>>
      %dma_wait3A_118 = arith.constant 0 : i32
      %dma_wait3A_119 = tpu.memref_slice %arg20[%add3A_32, %dma_wait3A_118] : memref<10240x128xf32, #tpu.memory_space<vmem_shared>> -> memref<40x128xf32, #tpu.memory_space<vmem_shared>>
      tpu.wait_dma2 semaphore(%run_scoped3A : memref<!tpu.dma_semaphore, #tpu.memory_space<semaphore_mem>>) src(%arg13 : memref<40x128xf32, #tpu.memory_space<vmem>>) dst(%dma_wait3A_119 : memref<40x128xf32, #tpu.memory_space<vmem_shared>>)
      tpu.yield
    }) : () -> ()
    %mul3A_33 = arith.constant 640 : i32
    %mul3A_34 = arith.muli %arg1, %mul3A_33 : i32
    %add3A_35 = arith.constant 160 : i32
    %add3A_36 = arith.addi %mul3A_34, %add3A_35 : i32
    "tpu.region"() ({
      %run_scoped3A = tpu.sem_alloc : memref<!tpu.dma_semaphore, #tpu.memory_space<semaphore_mem>>
      %dma_start3A_113 = arith.constant 0 : i32
      %dma_start3A_114 = tpu.memref_slice %arg20[%add3A_36, %dma_start3A_113] : memref<10240x128xf32, #tpu.memory_space<vmem_shared>> -> memref<40x128xf32, #tpu.memory_space<vmem_shared>>
      %dma_start3A_115 = arith.constant 0 : i32
      %dma_start3A_116 = tpu.memref_slice %arg20[%add3A_36, %dma_start3A_115] : memref<10240x128xf32, #tpu.memory_space<vmem_shared>> -> memref<40x128xf32, #tpu.memory_space<vmem_shared>>
      tpu.enqueue_dma source(%arg13 : memref<40x128xf32, #tpu.memory_space<vmem>>) target(%dma_start3A_116 : memref<40x128xf32, #tpu.memory_space<vmem_shared>>) target_semaphore(%run_scoped3A : memref<!tpu.dma_semaphore, #tpu.memory_space<semaphore_mem>>)
      %dma_wait3A = arith.constant 0 : i32
      %dma_wait3A_117 = tpu.memref_slice %arg20[%add3A_36, %dma_wait3A] : memref<10240x128xf32, #tpu.memory_space<vmem_shared>> -> memref<40x128xf32, #tpu.memory_space<vmem_shared>>
      %dma_wait3A_118 = arith.constant 0 : i32
      %dma_wait3A_119 = tpu.memref_slice %arg20[%add3A_36, %dma_wait3A_118] : memref<10240x128xf32, #tpu.memory_space<vmem_shared>> -> memref<40x128xf32, #tpu.memory_space<vmem_shared>>
      tpu.wait_dma2 semaphore(%run_scoped3A : memref<!tpu.dma_semaphore, #tpu.memory_space<semaphore_mem>>) src(%arg13 : memref<40x128xf32, #tpu.memory_space<vmem>>) dst(%dma_wait3A_119 : memref<40x128xf32, #tpu.memory_space<vmem_shared>>)
      tpu.yield
    }) : () -> ()
    %mul3A_37 = arith.constant 640 : i32
    %mul3A_38 = arith.muli %arg1, %mul3A_37 : i32
    %add3A_39 = arith.constant 200 : i32
    %add3A_40 = arith.addi %mul3A_38, %add3A_39 : i32
    "tpu.region"() ({
      %run_scoped3A = tpu.sem_alloc : memref<!tpu.dma_semaphore, #tpu.memory_space<semaphore_mem>>
      %dma_start3A_113 = arith.constant 0 : i32
      %dma_start3A_114 = tpu.memref_slice %arg20[%add3A_40, %dma_start3A_113] : memref<10240x128xf32, #tpu.memory_space<vmem_shared>> -> memref<40x128xf32, #tpu.memory_space<vmem_shared>>
      %dma_start3A_115 = arith.constant 0 : i32
      %dma_start3A_116 = tpu.memref_slice %arg20[%add3A_40, %dma_start3A_115] : memref<10240x128xf32, #tpu.memory_space<vmem_shared>> -> memref<40x128xf32, #tpu.memory_space<vmem_shared>>
      tpu.enqueue_dma source(%arg13 : memref<40x128xf32, #tpu.memory_space<vmem>>) target(%dma_start3A_116 : memref<40x128xf32, #tpu.memory_space<vmem_shared>>) target_semaphore(%run_scoped3A : memref<!tpu.dma_semaphore, #tpu.memory_space<semaphore_mem>>)
      %dma_wait3A = arith.constant 0 : i32
      %dma_wait3A_117 = tpu.memref_slice %arg20[%add3A_40, %dma_wait3A] : memref<10240x128xf32, #tpu.memory_space<vmem_shared>> -> memref<40x128xf32, #tpu.memory_space<vmem_shared>>
      %dma_wait3A_118 = arith.constant 0 : i32
      %dma_wait3A_119 = tpu.memref_slice %arg20[%add3A_40, %dma_wait3A_118] : memref<10240x128xf32, #tpu.memory_space<vmem_shared>> -> memref<40x128xf32, #tpu.memory_space<vmem_shared>>
      tpu.wait_dma2 semaphore(%run_scoped3A : memref<!tpu.dma_semaphore, #tpu.memory_space<semaphore_mem>>) src(%arg13 : memref<40x128xf32, #tpu.memory_space<vmem>>) dst(%dma_wait3A_119 : memref<40x128xf32, #tpu.memory_space<vmem_shared>>)
      tpu.yield
    }) : () -> ()
    %mul3A_41 = arith.constant 640 : i32
    %mul3A_42 = arith.muli %arg1, %mul3A_41 : i32
    %add3A_43 = arith.constant 240 : i32
    %add3A_44 = arith.addi %mul3A_42, %add3A_43 : i32
    "tpu.region"() ({
      %run_scoped3A = tpu.sem_alloc : memref<!tpu.dma_semaphore, #tpu.memory_space<semaphore_mem>>
      %dma_start3A_113 = arith.constant 0 : i32
      %dma_start3A_114 = tpu.memref_slice %arg20[%add3A_44, %dma_start3A_113] : memref<10240x128xf32, #tpu.memory_space<vmem_shared>> -> memref<40x128xf32, #tpu.memory_space<vmem_shared>>
      %dma_start3A_115 = arith.constant 0 : i32
      %dma_start3A_116 = tpu.memref_slice %arg20[%add3A_44, %dma_start3A_115] : memref<10240x128xf32, #tpu.memory_space<vmem_shared>> -> memref<40x128xf32, #tpu.memory_space<vmem_shared>>
      tpu.enqueue_dma source(%arg13 : memref<40x128xf32, #tpu.memory_space<vmem>>) target(%dma_start3A_116 : memref<40x128xf32, #tpu.memory_space<vmem_shared>>) target_semaphore(%run_scoped3A : memref<!tpu.dma_semaphore, #tpu.memory_space<semaphore_mem>>)
      %dma_wait3A = arith.constant 0 : i32
      %dma_wait3A_117 = tpu.memref_slice %arg20[%add3A_44, %dma_wait3A] : memref<10240x128xf32, #tpu.memory_space<vmem_shared>> -> memref<40x128xf32, #tpu.memory_space<vmem_shared>>
      %dma_wait3A_118 = arith.constant 0 : i32
      %dma_wait3A_119 = tpu.memref_slice %arg20[%add3A_44, %dma_wait3A_118] : memref<10240x128xf32, #tpu.memory_space<vmem_shared>> -> memref<40x128xf32, #tpu.memory_space<vmem_shared>>
      tpu.wait_dma2 semaphore(%run_scoped3A : memref<!tpu.dma_semaphore, #tpu.memory_space<semaphore_mem>>) src(%arg13 : memref<40x128xf32, #tpu.memory_space<vmem>>) dst(%dma_wait3A_119 : memref<40x128xf32, #tpu.memory_space<vmem_shared>>)
      tpu.yield
    }) : () -> ()
    %mul3A_45 = arith.constant 640 : i32
    %mul3A_46 = arith.muli %arg1, %mul3A_45 : i32
    %add3A_47 = arith.constant 280 : i32
    %add3A_48 = arith.addi %mul3A_46, %add3A_47 : i32
    "tpu.region"() ({
      %run_scoped3A = tpu.sem_alloc : memref<!tpu.dma_semaphore, #tpu.memory_space<semaphore_mem>>
      %dma_start3A_113 = arith.constant 0 : i32
      %dma_start3A_114 = tpu.memref_slice %arg20[%add3A_48, %dma_start3A_113] : memref<10240x128xf32, #tpu.memory_space<vmem_shared>> -> memref<40x128xf32, #tpu.memory_space<vmem_shared>>
      %dma_start3A_115 = arith.constant 0 : i32
      %dma_start3A_116 = tpu.memref_slice %arg20[%add3A_48, %dma_start3A_115] : memref<10240x128xf32, #tpu.memory_space<vmem_shared>> -> memref<40x128xf32, #tpu.memory_space<vmem_shared>>
      tpu.enqueue_dma source(%arg13 : memref<40x128xf32, #tpu.memory_space<vmem>>) target(%dma_start3A_116 : memref<40x128xf32, #tpu.memory_space<vmem_shared>>) target_semaphore(%run_scoped3A : memref<!tpu.dma_semaphore, #tpu.memory_space<semaphore_mem>>)
      %dma_wait3A = arith.constant 0 : i32
      %dma_wait3A_117 = tpu.memref_slice %arg20[%add3A_48, %dma_wait3A] : memref<10240x128xf32, #tpu.memory_space<vmem_shared>> -> memref<40x128xf32, #tpu.memory_space<vmem_shared>>
      %dma_wait3A_118 = arith.constant 0 : i32
      %dma_wait3A_119 = tpu.memref_slice %arg20[%add3A_48, %dma_wait3A_118] : memref<10240x128xf32, #tpu.memory_space<vmem_shared>> -> memref<40x128xf32, #tpu.memory_space<vmem_shared>>
      tpu.wait_dma2 semaphore(%run_scoped3A : memref<!tpu.dma_semaphore, #tpu.memory_space<semaphore_mem>>) src(%arg13 : memref<40x128xf32, #tpu.memory_space<vmem>>) dst(%dma_wait3A_119 : memref<40x128xf32, #tpu.memory_space<vmem_shared>>)
      tpu.yield
    }) : () -> ()
    %mul3A_49 = arith.constant 640 : i32
    %mul3A_50 = arith.muli %arg1, %mul3A_49 : i32
    %add3A_51 = arith.constant 320 : i32
    %add3A_52 = arith.addi %mul3A_50, %add3A_51 : i32
    "tpu.region"() ({
      %run_scoped3A = tpu.sem_alloc : memref<!tpu.dma_semaphore, #tpu.memory_space<semaphore_mem>>
      %dma_start3A_113 = arith.constant 0 : i32
      %dma_start3A_114 = tpu.memref_slice %arg20[%add3A_52, %dma_start3A_113] : memref<10240x128xf32, #tpu.memory_space<vmem_shared>> -> memref<40x128xf32, #tpu.memory_space<vmem_shared>>
      %dma_start3A_115 = arith.constant 0 : i32
      %dma_start3A_116 = tpu.memref_slice %arg20[%add3A_52, %dma_start3A_115] : memref<10240x128xf32, #tpu.memory_space<vmem_shared>> -> memref<40x128xf32, #tpu.memory_space<vmem_shared>>
      tpu.enqueue_dma source(%arg13 : memref<40x128xf32, #tpu.memory_space<vmem>>) target(%dma_start3A_116 : memref<40x128xf32, #tpu.memory_space<vmem_shared>>) target_semaphore(%run_scoped3A : memref<!tpu.dma_semaphore, #tpu.memory_space<semaphore_mem>>)
      %dma_wait3A = arith.constant 0 : i32
      %dma_wait3A_117 = tpu.memref_slice %arg20[%add3A_52, %dma_wait3A] : memref<10240x128xf32, #tpu.memory_space<vmem_shared>> -> memref<40x128xf32, #tpu.memory_space<vmem_shared>>
      %dma_wait3A_118 = arith.constant 0 : i32
      %dma_wait3A_119 = tpu.memref_slice %arg20[%add3A_52, %dma_wait3A_118] : memref<10240x128xf32, #tpu.memory_space<vmem_shared>> -> memref<40x128xf32, #tpu.memory_space<vmem_shared>>
      tpu.wait_dma2 semaphore(%run_scoped3A : memref<!tpu.dma_semaphore, #tpu.memory_space<semaphore_mem>>) src(%arg13 : memref<40x128xf32, #tpu.memory_space<vmem>>) dst(%dma_wait3A_119 : memref<40x128xf32, #tpu.memory_space<vmem_shared>>)
      tpu.yield
    }) : () -> ()
    %mul3A_53 = arith.constant 640 : i32
    %mul3A_54 = arith.muli %arg1, %mul3A_53 : i32
    %add3A_55 = arith.constant 360 : i32
    %add3A_56 = arith.addi %mul3A_54, %add3A_55 : i32
    "tpu.region"() ({
      %run_scoped3A = tpu.sem_alloc : memref<!tpu.dma_semaphore, #tpu.memory_space<semaphore_mem>>
      %dma_start3A_113 = arith.constant 0 : i32
      %dma_start3A_114 = tpu.memref_slice %arg20[%add3A_56, %dma_start3A_113] : memref<10240x128xf32, #tpu.memory_space<vmem_shared>> -> memref<40x128xf32, #tpu.memory_space<vmem_shared>>
      %dma_start3A_115 = arith.constant 0 : i32
      %dma_start3A_116 = tpu.memref_slice %arg20[%add3A_56, %dma_start3A_115] : memref<10240x128xf32, #tpu.memory_space<vmem_shared>> -> memref<40x128xf32, #tpu.memory_space<vmem_shared>>
      tpu.enqueue_dma source(%arg13 : memref<40x128xf32, #tpu.memory_space<vmem>>) target(%dma_start3A_116 : memref<40x128xf32, #tpu.memory_space<vmem_shared>>) target_semaphore(%run_scoped3A : memref<!tpu.dma_semaphore, #tpu.memory_space<semaphore_mem>>)
      %dma_wait3A = arith.constant 0 : i32
      %dma_wait3A_117 = tpu.memref_slice %arg20[%add3A_56, %dma_wait3A] : memref<10240x128xf32, #tpu.memory_space<vmem_shared>> -> memref<40x128xf32, #tpu.memory_space<vmem_shared>>
      %dma_wait3A_118 = arith.constant 0 : i32
      %dma_wait3A_119 = tpu.memref_slice %arg20[%add3A_56, %dma_wait3A_118] : memref<10240x128xf32, #tpu.memory_space<vmem_shared>> -> memref<40x128xf32, #tpu.memory_space<vmem_shared>>
      tpu.wait_dma2 semaphore(%run_scoped3A : memref<!tpu.dma_semaphore, #tpu.memory_space<semaphore_mem>>) src(%arg13 : memref<40x128xf32, #tpu.memory_space<vmem>>) dst(%dma_wait3A_119 : memref<40x128xf32, #tpu.memory_space<vmem_shared>>)
      tpu.yield
    }) : () -> ()
    %mul3A_57 = arith.constant 640 : i32
    %mul3A_58 = arith.muli %arg1, %mul3A_57 : i32
    %add3A_59 = arith.constant 400 : i32
    %add3A_60 = arith.addi %mul3A_58, %add3A_59 : i32
    "tpu.region"() ({
      %run_scoped3A = tpu.sem_alloc : memref<!tpu.dma_semaphore, #tpu.memory_space<semaphore_mem>>
      %dma_start3A_113 = arith.constant 0 : i32
      %dma_start3A_114 = tpu.memref_slice %arg20[%add3A_60, %dma_start3A_113] : memref<10240x128xf32, #tpu.memory_space<vmem_shared>> -> memref<40x128xf32, #tpu.memory_space<vmem_shared>>
      %dma_start3A_115 = arith.constant 0 : i32
      %dma_start3A_116 = tpu.memref_slice %arg20[%add3A_60, %dma_start3A_115] : memref<10240x128xf32, #tpu.memory_space<vmem_shared>> -> memref<40x128xf32, #tpu.memory_space<vmem_shared>>
      tpu.enqueue_dma source(%arg13 : memref<40x128xf32, #tpu.memory_space<vmem>>) target(%dma_start3A_116 : memref<40x128xf32, #tpu.memory_space<vmem_shared>>) target_semaphore(%run_scoped3A : memref<!tpu.dma_semaphore, #tpu.memory_space<semaphore_mem>>)
      %dma_wait3A = arith.constant 0 : i32
      %dma_wait3A_117 = tpu.memref_slice %arg20[%add3A_60, %dma_wait3A] : memref<10240x128xf32, #tpu.memory_space<vmem_shared>> -> memref<40x128xf32, #tpu.memory_space<vmem_shared>>
      %dma_wait3A_118 = arith.constant 0 : i32
      %dma_wait3A_119 = tpu.memref_slice %arg20[%add3A_60, %dma_wait3A_118] : memref<10240x128xf32, #tpu.memory_space<vmem_shared>> -> memref<40x128xf32, #tpu.memory_space<vmem_shared>>
      tpu.wait_dma2 semaphore(%run_scoped3A : memref<!tpu.dma_semaphore, #tpu.memory_space<semaphore_mem>>) src(%arg13 : memref<40x128xf32, #tpu.memory_space<vmem>>) dst(%dma_wait3A_119 : memref<40x128xf32, #tpu.memory_space<vmem_shared>>)
      tpu.yield
    }) : () -> ()
    %mul3A_61 = arith.constant 640 : i32
    %mul3A_62 = arith.muli %arg1, %mul3A_61 : i32
    %add3A_63 = arith.constant 440 : i32
    %add3A_64 = arith.addi %mul3A_62, %add3A_63 : i32
    "tpu.region"() ({
      %run_scoped3A = tpu.sem_alloc : memref<!tpu.dma_semaphore, #tpu.memory_space<semaphore_mem>>
      %dma_start3A_113 = arith.constant 0 : i32
      %dma_start3A_114 = tpu.memref_slice %arg20[%add3A_64, %dma_start3A_113] : memref<10240x128xf32, #tpu.memory_space<vmem_shared>> -> memref<40x128xf32, #tpu.memory_space<vmem_shared>>
      %dma_start3A_115 = arith.constant 0 : i32
      %dma_start3A_116 = tpu.memref_slice %arg20[%add3A_64, %dma_start3A_115] : memref<10240x128xf32, #tpu.memory_space<vmem_shared>> -> memref<40x128xf32, #tpu.memory_space<vmem_shared>>
      tpu.enqueue_dma source(%arg13 : memref<40x128xf32, #tpu.memory_space<vmem>>) target(%dma_start3A_116 : memref<40x128xf32, #tpu.memory_space<vmem_shared>>) target_semaphore(%run_scoped3A : memref<!tpu.dma_semaphore, #tpu.memory_space<semaphore_mem>>)
      %dma_wait3A = arith.constant 0 : i32
      %dma_wait3A_117 = tpu.memref_slice %arg20[%add3A_64, %dma_wait3A] : memref<10240x128xf32, #tpu.memory_space<vmem_shared>> -> memref<40x128xf32, #tpu.memory_space<vmem_shared>>
      %dma_wait3A_118 = arith.constant 0 : i32
      %dma_wait3A_119 = tpu.memref_slice %arg20[%add3A_64, %dma_wait3A_118] : memref<10240x128xf32, #tpu.memory_space<vmem_shared>> -> memref<40x128xf32, #tpu.memory_space<vmem_shared>>
      tpu.wait_dma2 semaphore(%run_scoped3A : memref<!tpu.dma_semaphore, #tpu.memory_space<semaphore_mem>>) src(%arg13 : memref<40x128xf32, #tpu.memory_space<vmem>>) dst(%dma_wait3A_119 : memref<40x128xf32, #tpu.memory_space<vmem_shared>>)
      tpu.yield
    }) : () -> ()
    %mul3A_65 = arith.constant 640 : i32
    %mul3A_66 = arith.muli %arg1, %mul3A_65 : i32
    %add3A_67 = arith.constant 480 : i32
    %add3A_68 = arith.addi %mul3A_66, %add3A_67 : i32
    "tpu.region"() ({
      %run_scoped3A = tpu.sem_alloc : memref<!tpu.dma_semaphore, #tpu.memory_space<semaphore_mem>>
      %dma_start3A_113 = arith.constant 0 : i32
      %dma_start3A_114 = tpu.memref_slice %arg20[%add3A_68, %dma_start3A_113] : memref<10240x128xf32, #tpu.memory_space<vmem_shared>> -> memref<40x128xf32, #tpu.memory_space<vmem_shared>>
      %dma_start3A_115 = arith.constant 0 : i32
      %dma_start3A_116 = tpu.memref_slice %arg20[%add3A_68, %dma_start3A_115] : memref<10240x128xf32, #tpu.memory_space<vmem_shared>> -> memref<40x128xf32, #tpu.memory_space<vmem_shared>>
      tpu.enqueue_dma source(%arg13 : memref<40x128xf32, #tpu.memory_space<vmem>>) target(%dma_start3A_116 : memref<40x128xf32, #tpu.memory_space<vmem_shared>>) target_semaphore(%run_scoped3A : memref<!tpu.dma_semaphore, #tpu.memory_space<semaphore_mem>>)
      %dma_wait3A = arith.constant 0 : i32
      %dma_wait3A_117 = tpu.memref_slice %arg20[%add3A_68, %dma_wait3A] : memref<10240x128xf32, #tpu.memory_space<vmem_shared>> -> memref<40x128xf32, #tpu.memory_space<vmem_shared>>
      %dma_wait3A_118 = arith.constant 0 : i32
      %dma_wait3A_119 = tpu.memref_slice %arg20[%add3A_68, %dma_wait3A_118] : memref<10240x128xf32, #tpu.memory_space<vmem_shared>> -> memref<40x128xf32, #tpu.memory_space<vmem_shared>>
      tpu.wait_dma2 semaphore(%run_scoped3A : memref<!tpu.dma_semaphore, #tpu.memory_space<semaphore_mem>>) src(%arg13 : memref<40x128xf32, #tpu.memory_space<vmem>>) dst(%dma_wait3A_119 : memref<40x128xf32, #tpu.memory_space<vmem_shared>>)
      tpu.yield
    }) : () -> ()
    %mul3A_69 = arith.constant 640 : i32
    %mul3A_70 = arith.muli %arg1, %mul3A_69 : i32
    %add3A_71 = arith.constant 520 : i32
    %add3A_72 = arith.addi %mul3A_70, %add3A_71 : i32
    "tpu.region"() ({
      %run_scoped3A = tpu.sem_alloc : memref<!tpu.dma_semaphore, #tpu.memory_space<semaphore_mem>>
      %dma_start3A_113 = arith.constant 0 : i32
      %dma_start3A_114 = tpu.memref_slice %arg20[%add3A_72, %dma_start3A_113] : memref<10240x128xf32, #tpu.memory_space<vmem_shared>> -> memref<40x128xf32, #tpu.memory_space<vmem_shared>>
      %dma_start3A_115 = arith.constant 0 : i32
      %dma_start3A_116 = tpu.memref_slice %arg20[%add3A_72, %dma_start3A_115] : memref<10240x128xf32, #tpu.memory_space<vmem_shared>> -> memref<40x128xf32, #tpu.memory_space<vmem_shared>>
      tpu.enqueue_dma source(%arg13 : memref<40x128xf32, #tpu.memory_space<vmem>>) target(%dma_start3A_116 : memref<40x128xf32, #tpu.memory_space<vmem_shared>>) target_semaphore(%run_scoped3A : memref<!tpu.dma_semaphore, #tpu.memory_space<semaphore_mem>>)
      %dma_wait3A = arith.constant 0 : i32
      %dma_wait3A_117 = tpu.memref_slice %arg20[%add3A_72, %dma_wait3A] : memref<10240x128xf32, #tpu.memory_space<vmem_shared>> -> memref<40x128xf32, #tpu.memory_space<vmem_shared>>
      %dma_wait3A_118 = arith.constant 0 : i32
      %dma_wait3A_119 = tpu.memref_slice %arg20[%add3A_72, %dma_wait3A_118] : memref<10240x128xf32, #tpu.memory_space<vmem_shared>> -> memref<40x128xf32, #tpu.memory_space<vmem_shared>>
      tpu.wait_dma2 semaphore(%run_scoped3A : memref<!tpu.dma_semaphore, #tpu.memory_space<semaphore_mem>>) src(%arg13 : memref<40x128xf32, #tpu.memory_space<vmem>>) dst(%dma_wait3A_119 : memref<40x128xf32, #tpu.memory_space<vmem_shared>>)
      tpu.yield
    }) : () -> ()
    %mul3A_73 = arith.constant 640 : i32
    %mul3A_74 = arith.muli %arg1, %mul3A_73 : i32
    %add3A_75 = arith.constant 560 : i32
    %add3A_76 = arith.addi %mul3A_74, %add3A_75 : i32
    "tpu.region"() ({
      %run_scoped3A = tpu.sem_alloc : memref<!tpu.dma_semaphore, #tpu.memory_space<semaphore_mem>>
      %dma_start3A_113 = arith.constant 0 : i32
      %dma_start3A_114 = tpu.memref_slice %arg20[%add3A_76, %dma_start3A_113] : memref<10240x128xf32, #tpu.memory_space<vmem_shared>> -> memref<40x128xf32, #tpu.memory_space<vmem_shared>>
      %dma_start3A_115 = arith.constant 0 : i32
      %dma_start3A_116 = tpu.memref_slice %arg20[%add3A_76, %dma_start3A_115] : memref<10240x128xf32, #tpu.memory_space<vmem_shared>> -> memref<40x128xf32, #tpu.memory_space<vmem_shared>>
      tpu.enqueue_dma source(%arg13 : memref<40x128xf32, #tpu.memory_space<vmem>>) target(%dma_start3A_116 : memref<40x128xf32, #tpu.memory_space<vmem_shared>>) target_semaphore(%run_scoped3A : memref<!tpu.dma_semaphore, #tpu.memory_space<semaphore_mem>>)
      %dma_wait3A = arith.constant 0 : i32
      %dma_wait3A_117 = tpu.memref_slice %arg20[%add3A_76, %dma_wait3A] : memref<10240x128xf32, #tpu.memory_space<vmem_shared>> -> memref<40x128xf32, #tpu.memory_space<vmem_shared>>
      %dma_wait3A_118 = arith.constant 0 : i32
      %dma_wait3A_119 = tpu.memref_slice %arg20[%add3A_76, %dma_wait3A_118] : memref<10240x128xf32, #tpu.memory_space<vmem_shared>> -> memref<40x128xf32, #tpu.memory_space<vmem_shared>>
      tpu.wait_dma2 semaphore(%run_scoped3A : memref<!tpu.dma_semaphore, #tpu.memory_space<semaphore_mem>>) src(%arg13 : memref<40x128xf32, #tpu.memory_space<vmem>>) dst(%dma_wait3A_119 : memref<40x128xf32, #tpu.memory_space<vmem_shared>>)
      tpu.yield
    }) : () -> ()
    %mul3A_77 = arith.constant 640 : i32
    %mul3A_78 = arith.muli %arg1, %mul3A_77 : i32
    %add3A_79 = arith.constant 600 : i32
    %add3A_80 = arith.addi %mul3A_78, %add3A_79 : i32
    "tpu.region"() ({
      %run_scoped3A = tpu.sem_alloc : memref<!tpu.dma_semaphore, #tpu.memory_space<semaphore_mem>>
      %dma_start3A_113 = arith.constant 0 : i32
      %dma_start3A_114 = tpu.memref_slice %arg20[%add3A_80, %dma_start3A_113] : memref<10240x128xf32, #tpu.memory_space<vmem_shared>> -> memref<40x128xf32, #tpu.memory_space<vmem_shared>>
      %dma_start3A_115 = arith.constant 0 : i32
      %dma_start3A_116 = tpu.memref_slice %arg20[%add3A_80, %dma_start3A_115] : memref<10240x128xf32, #tpu.memory_space<vmem_shared>> -> memref<40x128xf32, #tpu.memory_space<vmem_shared>>
      tpu.enqueue_dma source(%arg13 : memref<40x128xf32, #tpu.memory_space<vmem>>) target(%dma_start3A_116 : memref<40x128xf32, #tpu.memory_space<vmem_shared>>) target_semaphore(%run_scoped3A : memref<!tpu.dma_semaphore, #tpu.memory_space<semaphore_mem>>)
      %dma_wait3A = arith.constant 0 : i32
      %dma_wait3A_117 = tpu.memref_slice %arg20[%add3A_80, %dma_wait3A] : memref<10240x128xf32, #tpu.memory_space<vmem_shared>> -> memref<40x128xf32, #tpu.memory_space<vmem_shared>>
      %dma_wait3A_118 = arith.constant 0 : i32
      %dma_wait3A_119 = tpu.memref_slice %arg20[%add3A_80, %dma_wait3A_118] : memref<10240x128xf32, #tpu.memory_space<vmem_shared>> -> memref<40x128xf32, #tpu.memory_space<vmem_shared>>
      tpu.wait_dma2 semaphore(%run_scoped3A : memref<!tpu.dma_semaphore, #tpu.memory_space<semaphore_mem>>) src(%arg13 : memref<40x128xf32, #tpu.memory_space<vmem>>) dst(%dma_wait3A_119 : memref<40x128xf32, #tpu.memory_space<vmem_shared>>)
      tpu.yield
    }) : () -> ()
    %barrier3A = arith.constant 0 : index
    tpu.barrier barrier_id(%barrier3A)
    %iota3A = tpu.iota {dimensions = array<i32: 0>} : vector<16xi32>
    %broadcast_in_dim3A_81 = arith.constant true
    %broadcast_in_dim3A_82 = vector.broadcast %broadcast_in_dim3A_81 : i1 to vector<16xi1>
    %unique3A, %unique3A_83 = tpu.scan_count mask(%broadcast_in_dim3A_82 : vector<16xi1>) value(%iota3A : vector<16xi32>) : vector<16xi1>, vector<16xi32>
    %sub3A = arith.constant 1 : i32
    %sub3A_84 = vector.broadcast %sub3A : i32 to vector<16xi32>
    %sub3A_85 = arith.subi %sub3A_84, %unique3A_83 : vector<16xi32>
    %ge3A = arith.constant 8 : i32
    %ge3A_86 = vector.broadcast %ge3A : i32 to vector<16xi32>
    %ge3A_87 = arith.cmpi sge, %iota3A, %ge3A_86 : vector<16xi32>
    "tpu.region"() ({
      %run_scoped3A = tpu.sem_alloc : memref<!tpu.dma_semaphore, #tpu.memory_space<semaphore_mem>>
      %dma_start3A_113 = tpu.memref_slice %arg2[%mul3A_2] : memref<320000xi32, #tpu.memory_space<hbm>> -> memref<40xi32, #tpu.memory_space<hbm>>
      %dma_start3A_114 = tpu.memref_slice %arg2[%mul3A_2] : memref<320000xi32, #tpu.memory_space<hbm>> -> memref<40xi32, #tpu.memory_space<hbm>>
      tpu.enqueue_dma source(%dma_start3A_114 : memref<40xi32, #tpu.memory_space<hbm>>) target(%arg9 : memref<40xi32, #tpu.memory_space<vmem>>) target_semaphore(%run_scoped3A : memref<!tpu.dma_semaphore, #tpu.memory_space<semaphore_mem>>)
      %dma_wait3A = tpu.memref_slice %arg2[%mul3A_2] : memref<320000xi32, #tpu.memory_space<hbm>> -> memref<40xi32, #tpu.memory_space<hbm>>
      %dma_wait3A_115 = tpu.memref_slice %arg2[%mul3A_2] : memref<320000xi32, #tpu.memory_space<hbm>> -> memref<40xi32, #tpu.memory_space<hbm>>
      tpu.wait_dma2 semaphore(%run_scoped3A : memref<!tpu.dma_semaphore, #tpu.memory_space<semaphore_mem>>) src(%dma_wait3A_115 : memref<40xi32, #tpu.memory_space<hbm>>) dst(%arg9 : memref<40xi32, #tpu.memory_space<vmem>>)
      tpu.yield
    }) : () -> ()
    "tpu.region"() ({
      %run_scoped3A = tpu.sem_alloc : memref<!tpu.dma_semaphore, #tpu.memory_space<semaphore_mem>>
      %dma_start3A_113 = tpu.memref_slice %arg3[%mul3A_2] : memref<320000xi32, #tpu.memory_space<hbm>> -> memref<40xi32, #tpu.memory_space<hbm>>
      %dma_start3A_114 = tpu.memref_slice %arg3[%mul3A_2] : memref<320000xi32, #tpu.memory_space<hbm>> -> memref<40xi32, #tpu.memory_space<hbm>>
      tpu.enqueue_dma source(%dma_start3A_114 : memref<40xi32, #tpu.memory_space<hbm>>) target(%arg10 : memref<40xi32, #tpu.memory_space<vmem>>) target_semaphore(%run_scoped3A : memref<!tpu.dma_semaphore, #tpu.memory_space<semaphore_mem>>)
      %dma_wait3A = tpu.memref_slice %arg3[%mul3A_2] : memref<320000xi32, #tpu.memory_space<hbm>> -> memref<40xi32, #tpu.memory_space<hbm>>
      %dma_wait3A_115 = tpu.memref_slice %arg3[%mul3A_2] : memref<320000xi32, #tpu.memory_space<hbm>> -> memref<40xi32, #tpu.memory_space<hbm>>
      tpu.wait_dma2 semaphore(%run_scoped3A : memref<!tpu.dma_semaphore, #tpu.memory_space<semaphore_mem>>) src(%dma_wait3A_115 : memref<40xi32, #tpu.memory_space<hbm>>) dst(%arg10 : memref<40xi32, #tpu.memory_space<vmem>>)
      tpu.yield
    }) : () -> ()
    %dma_start3A = arith.constant 0 : i32
    %dma_start3A_88 = arith.constant 0 : i32
    %dma_start3A_89 = tpu.memref_slice %arg4[%dma_start3A, %dma_start3A_88] : memref<10000x128xf32, #tpu.memory_space<hbm>> -> memref<10000x128xf32, #tpu.memory_space<hbm>>
    tpu.enqueue_indirect_dma source(%dma_start3A_89 : memref<10000x128xf32, #tpu.memory_space<hbm>>) target(%arg13 : memref<40x128xf32, #tpu.memory_space<vmem>>) offsets(%arg9 : memref<40xi32, #tpu.memory_space<vmem>>) semaphore(%arg21 : memref<!tpu.dma_semaphore, #tpu.memory_space<semaphore_mem>>)
    %dma_start3A_90 = arith.constant 0 : i32
    %dma_start3A_91 = arith.constant 0 : i32
    %dma_start3A_92 = tpu.memref_slice %arg5[%dma_start3A_90, %dma_start3A_91] : memref<10000x128xf32, #tpu.memory_space<hbm>> -> memref<10000x128xf32, #tpu.memory_space<hbm>>
    tpu.enqueue_indirect_dma source(%dma_start3A_92 : memref<10000x128xf32, #tpu.memory_space<hbm>>) target(%arg14 : memref<40x128xf32, #tpu.memory_space<vmem>>) offsets(%arg10 : memref<40xi32, #tpu.memory_space<vmem>>) semaphore(%arg22 : memref<!tpu.dma_semaphore, #tpu.memory_space<semaphore_mem>>)
    %dma_start3A_93 = arith.constant 0 : i32
    %dma_start3A_94 = tpu.memref_slice %arg6[%mul3A_2, %dma_start3A_93] : memref<320000x128xf32, #tpu.memory_space<hbm>> -> memref<40x128xf32, #tpu.memory_space<hbm>>
    %dma_start3A_95 = arith.constant 0 : i32
    %dma_start3A_96 = tpu.memref_slice %arg6[%mul3A_2, %dma_start3A_95] : memref<320000x128xf32, #tpu.memory_space<hbm>> -> memref<40x128xf32, #tpu.memory_space<hbm>>
    tpu.enqueue_dma source(%dma_start3A_96 : memref<40x128xf32, #tpu.memory_space<hbm>>) target(%arg15 : memref<40x128xf32, #tpu.memory_space<vmem>>) target_semaphore(%arg23 : memref<!tpu.dma_semaphore, #tpu.memory_space<semaphore_mem>>)
    %add3A_97 = arith.constant 40 : i32
    %add3A_98 = arith.addi %mul3A_2, %add3A_97 : i32
    %dma_start3A_99 = tpu.memref_slice %arg2[%add3A_98] : memref<320000xi32, #tpu.memory_space<hbm>> -> memref<40xi32, #tpu.memory_space<hbm>>
    %dma_start3A_100 = tpu.memref_slice %arg2[%add3A_98] : memref<320000xi32, #tpu.memory_space<hbm>> -> memref<40xi32, #tpu.memory_space<hbm>>
    tpu.enqueue_dma source(%dma_start3A_100 : memref<40xi32, #tpu.memory_space<hbm>>) target(%arg11 : memref<40xi32, #tpu.memory_space<vmem>>) target_semaphore(%arg28 : memref<!tpu.dma_semaphore, #tpu.memory_space<semaphore_mem>>)
    %dma_start3A_101 = tpu.memref_slice %arg3[%add3A_98] : memref<320000xi32, #tpu.memory_space<hbm>> -> memref<40xi32, #tpu.memory_space<hbm>>
    %dma_start3A_102 = tpu.memref_slice %arg3[%add3A_98] : memref<320000xi32, #tpu.memory_space<hbm>> -> memref<40xi32, #tpu.memory_space<hbm>>
    tpu.enqueue_dma source(%dma_start3A_102 : memref<40xi32, #tpu.memory_space<hbm>>) target(%arg12 : memref<40xi32, #tpu.memory_space<vmem>>) target_semaphore(%arg28 : memref<!tpu.dma_semaphore, #tpu.memory_space<semaphore_mem>>)
    %scan3A_103 = arith.constant 0 : i32
    %scan3A_104 = arith.constant 0 : i32
    %scan3A_105 = arith.constant 125 : i32
    %scan3A_106 = arith.addi %scan3A_104, %scan3A_105 : i32
    %scan3A_107 = arith.constant 1 : i32
    %scan3A_108 = scf.for %scan3A_113 = %scan3A_104 to %scan3A_106 step %scan3A_107 iter_args(%scan3A_114 = %scan3A_103) -> (i32)  : i32 {
      %dma_wait3A = arith.constant 0 : i32
      %dma_wait3A_115 = tpu.memref_slice %arg2[%dma_wait3A] : memref<320000xi32, #tpu.memory_space<hbm>> -> memref<40xi32, #tpu.memory_space<hbm>>
      %dma_wait3A_116 = arith.constant 0 : i32
      %dma_wait3A_117 = tpu.memref_slice %arg2[%dma_wait3A_116] : memref<320000xi32, #tpu.memory_space<hbm>> -> memref<40xi32, #tpu.memory_space<hbm>>
      tpu.wait_dma2 semaphore(%arg28 : memref<!tpu.dma_semaphore, #tpu.memory_space<semaphore_mem>>) src(%dma_wait3A_117 : memref<40xi32, #tpu.memory_space<hbm>>) dst(%arg11 : memref<40xi32, #tpu.memory_space<vmem>>)
      %dma_wait3A_118 = arith.constant 0 : i32
      %dma_wait3A_119 = tpu.memref_slice %arg3[%dma_wait3A_118] : memref<320000xi32, #tpu.memory_space<hbm>> -> memref<40xi32, #tpu.memory_space<hbm>>
      %dma_wait3A_120 = arith.constant 0 : i32
      %dma_wait3A_121 = tpu.memref_slice %arg3[%dma_wait3A_120] : memref<320000xi32, #tpu.memory_space<hbm>> -> memref<40xi32, #tpu.memory_space<hbm>>
      tpu.wait_dma2 semaphore(%arg28 : memref<!tpu.dma_semaphore, #tpu.memory_space<semaphore_mem>>) src(%dma_wait3A_121 : memref<40xi32, #tpu.memory_space<hbm>>) dst(%arg12 : memref<40xi32, #tpu.memory_space<vmem>>)
      %mul3A_122 = arith.constant 2 : i32
      %mul3A_123 = arith.muli %mul3A_122, %scan3A_113 : i32
      %add3A_124 = arith.constant 1 : i32
      %add3A_125 = arith.addi %mul3A_123, %add3A_124 : i32
      %mul3A_126 = arith.constant 40 : i32
      %mul3A_127 = arith.muli %add3A_125, %mul3A_126 : i32
      %add3A_128 = arith.addi %mul3A_2, %mul3A_127 : i32
      %dma_start3A_129 = arith.constant 0 : i32
      %dma_start3A_130 = arith.constant 0 : i32
      %dma_start3A_131 = tpu.memref_slice %arg4[%dma_start3A_129, %dma_start3A_130] : memref<10000x128xf32, #tpu.memory_space<hbm>> -> memref<10000x128xf32, #tpu.memory_space<hbm>>
      tpu.enqueue_indirect_dma source(%dma_start3A_131 : memref<10000x128xf32, #tpu.memory_space<hbm>>) target(%arg16 : memref<40x128xf32, #tpu.memory_space<vmem>>) offsets(%arg11 : memref<40xi32, #tpu.memory_space<vmem>>) semaphore(%arg24 : memref<!tpu.dma_semaphore, #tpu.memory_space<semaphore_mem>>)
      %dma_start3A_132 = arith.constant 0 : i32
      %dma_start3A_133 = arith.constant 0 : i32
      %dma_start3A_134 = tpu.memref_slice %arg5[%dma_start3A_132, %dma_start3A_133] : memref<10000x128xf32, #tpu.memory_space<hbm>> -> memref<10000x128xf32, #tpu.memory_space<hbm>>
      tpu.enqueue_indirect_dma source(%dma_start3A_134 : memref<10000x128xf32, #tpu.memory_space<hbm>>) target(%arg17 : memref<40x128xf32, #tpu.memory_space<vmem>>) offsets(%arg12 : memref<40xi32, #tpu.memory_space<vmem>>) semaphore(%arg25 : memref<!tpu.dma_semaphore, #tpu.memory_space<semaphore_mem>>)
      %dma_start3A_135 = arith.constant 0 : i32
      %dma_start3A_136 = tpu.memref_slice %arg6[%add3A_128, %dma_start3A_135] : memref<320000x128xf32, #tpu.memory_space<hbm>> -> memref<40x128xf32, #tpu.memory_space<hbm>>
      %dma_start3A_137 = arith.constant 0 : i32
      %dma_start3A_138 = tpu.memref_slice %arg6[%add3A_128, %dma_start3A_137] : memref<320000x128xf32, #tpu.memory_space<hbm>> -> memref<40x128xf32, #tpu.memory_space<hbm>>
      tpu.enqueue_dma source(%dma_start3A_138 : memref<40x128xf32, #tpu.memory_space<hbm>>) target(%arg18 : memref<40x128xf32, #tpu.memory_space<vmem>>) target_semaphore(%arg26 : memref<!tpu.dma_semaphore, #tpu.memory_space<semaphore_mem>>)
      %get3A = arith.constant 0 : index
      %get3A_139 = tpu.vector_load %arg9[%get3A] {strides = array<i32>} : memref<40xi32, #tpu.memory_space<vmem>>, vector<16xi32>,
      %broadcast_in_dim3A_140 = arith.constant true
      %broadcast_in_dim3A_141 = vector.broadcast %broadcast_in_dim3A_140 : i1 to vector<16xi1>
      %unique3A_142, %unique3A_143 = tpu.scan_count mask(%broadcast_in_dim3A_141 : vector<16xi1>) value(%get3A_139 : vector<16xi32>) : vector<16xi1>, vector<16xi32>
      %add3A_144 = arith.addi %unique3A_143, %sub3A_85 : vector<16xi32>
      %convert_element_type3A = arith.sitofp %add3A_144 : vector<16xi32> to vector<16xf32>
      tpu.vector_store_idx %arg19[%get3A_139], %convert_element_type3A masked %unique3A_142 {add = true} : memref<10240xf32, #tpu.memory_space<vmem>>[vector<16xi32>], vector<16xf32>, vector<16xi1>
      %get3A_145 = arith.constant 16 : index
      %get3A_146 = tpu.vector_load %arg9[%get3A_145] {strides = array<i32>} : memref<40xi32, #tpu.memory_space<vmem>>, vector<16xi32>,
      %broadcast_in_dim3A_147 = arith.constant true
      %broadcast_in_dim3A_148 = vector.broadcast %broadcast_in_dim3A_147 : i1 to vector<16xi1>
      %unique3A_149, %unique3A_150 = tpu.scan_count mask(%broadcast_in_dim3A_148 : vector<16xi1>) value(%get3A_146 : vector<16xi32>) : vector<16xi1>, vector<16xi32>
      %add3A_151 = arith.addi %unique3A_150, %sub3A_85 : vector<16xi32>
      %convert_element_type3A_152 = arith.sitofp %add3A_151 : vector<16xi32> to vector<16xf32>
      tpu.vector_store_idx %arg19[%get3A_146], %convert_element_type3A_152 masked %unique3A_149 {add = true} : memref<10240xf32, #tpu.memory_space<vmem>>[vector<16xi32>], vector<16xf32>, vector<16xi1>
      %get3A_153 = arith.constant 24 : index
      %get3A_154 = tpu.vector_load %arg9[%get3A_153] {strides = array<i32>} : memref<40xi32, #tpu.memory_space<vmem>>, vector<16xi32>,
      %unique3A_155, %unique3A_156 = tpu.scan_count mask(%ge3A_87 : vector<16xi1>) value(%get3A_154 : vector<16xi32>) : vector<16xi1>, vector<16xi32>
      %and3A = arith.andi %unique3A_155, %ge3A_87 : vector<16xi1>
      %add3A_157 = arith.addi %unique3A_156, %sub3A_85 : vector<16xi32>
      %convert_element_type3A_158 = arith.sitofp %add3A_157 : vector<16xi32> to vector<16xf32>
      tpu.vector_store_idx %arg19[%get3A_154], %convert_element_type3A_158 masked %and3A {add = true} : memref<10240xf32, #tpu.memory_space<vmem>>[vector<16xi32>], vector<16xf32>, vector<16xi1>
      %dma_wait3A_159 = arith.constant 0 : i32
      %dma_wait3A_160 = arith.constant 0 : i32
      %dma_wait3A_161 = tpu.memref_slice %arg4[%dma_wait3A_159, %dma_wait3A_160] : memref<10000x128xf32, #tpu.memory_space<hbm>> -> memref<10000x128xf32, #tpu.memory_space<hbm>>
      tpu.wait_indirect_dma semaphore(%arg21 : memref<!tpu.dma_semaphore, #tpu.memory_space<semaphore_mem>>) src(%dma_wait3A_161 : memref<10000x128xf32, #tpu.memory_space<hbm>>) dst(%arg13 : memref<40x128xf32, #tpu.memory_space<vmem>>)
      %dma_wait3A_162 = arith.constant 0 : i32
      %dma_wait3A_163 = arith.constant 0 : i32
      %dma_wait3A_164 = tpu.memref_slice %arg5[%dma_wait3A_162, %dma_wait3A_163] : memref<10000x128xf32, #tpu.memory_space<hbm>> -> memref<10000x128xf32, #tpu.memory_space<hbm>>
      tpu.wait_indirect_dma semaphore(%arg22 : memref<!tpu.dma_semaphore, #tpu.memory_space<semaphore_mem>>) src(%dma_wait3A_164 : memref<10000x128xf32, #tpu.memory_space<hbm>>) dst(%arg14 : memref<40x128xf32, #tpu.memory_space<vmem>>)
      %dma_wait3A_165 = arith.constant 0 : i32
      %dma_wait3A_166 = arith.constant 0 : i32
      %dma_wait3A_167 = tpu.memref_slice %arg6[%dma_wait3A_165, %dma_wait3A_166] : memref<320000x128xf32, #tpu.memory_space<hbm>> -> memref<40x128xf32, #tpu.memory_space<hbm>>
      %dma_wait3A_168 = arith.constant 0 : i32
      %dma_wait3A_169 = arith.constant 0 : i32
      %dma_wait3A_170 = tpu.memref_slice %arg6[%dma_wait3A_168, %dma_wait3A_169] : memref<320000x128xf32, #tpu.memory_space<hbm>> -> memref<40x128xf32, #tpu.memory_space<hbm>>
      tpu.wait_dma2 semaphore(%arg23 : memref<!tpu.dma_semaphore, #tpu.memory_space<semaphore_mem>>) src(%dma_wait3A_170 : memref<40x128xf32, #tpu.memory_space<hbm>>) dst(%arg15 : memref<40x128xf32, #tpu.memory_space<vmem>>)
      %parallel_loop3A = arith.constant 0 : i32
      %parallel_loop3A_171 = arith.constant 40 : i32
      %parallel_loop3A_172 = arith.constant 1 : i32
      scf.for %parallel_loop3A_225 = %parallel_loop3A to %parallel_loop3A_171 step %parallel_loop3A_172  : i32 {
        %parallel_loop3A_226 = arith.index_cast %parallel_loop3A_225 : i32 to index
        %parallel_loop3A_227 = arith.constant 0 : index
        %parallel_loop3A_228 = tpu.vector_load %arg13[%parallel_loop3A_226, %parallel_loop3A_227] {strides = array<i32>} : memref<40x128xf32, #tpu.memory_space<vmem>>, vector<16xf32>,
        %parallel_loop3A_229 = arith.index_cast %parallel_loop3A_225 : i32 to index
        %parallel_loop3A_230 = arith.constant 0 : index
        %parallel_loop3A_231 = tpu.vector_load %arg14[%parallel_loop3A_229, %parallel_loop3A_230] {strides = array<i32>} : memref<40x128xf32, #tpu.memory_space<vmem>>, vector<16xf32>,
        %parallel_loop3A_232 = arith.addf %parallel_loop3A_228, %parallel_loop3A_231 : vector<16xf32>
        %parallel_loop3A_233 = arith.index_cast %parallel_loop3A_225 : i32 to index
        %parallel_loop3A_234 = arith.constant 0 : index
        %parallel_loop3A_235 = tpu.vector_load %arg15[%parallel_loop3A_233, %parallel_loop3A_234] {strides = array<i32>} : memref<40x128xf32, #tpu.memory_space<vmem>>, vector<16xf32>,
        %parallel_loop3A_236 = arith.addf %parallel_loop3A_232, %parallel_loop3A_235 : vector<16xf32>
        %parallel_loop3A_237 = arith.constant 0.000000e+00 : f32
        %parallel_loop3A_238 = vector.broadcast %parallel_loop3A_237 : f32 to vector<16xf32>
        %parallel_loop3A_239 = arith.maximumf %parallel_loop3A_236, %parallel_loop3A_238 : vector<16xf32>
        %parallel_loop3A_240 = arith.index_cast %parallel_loop3A_225 : i32 to index
        %parallel_loop3A_241 = arith.constant 0 : index
        %parallel_loop3A_242 = tpu.vector_load %arg13[%parallel_loop3A_240, %parallel_loop3A_241] {strides = array<i32>} : memref<40x128xf32, #tpu.memory_space<vmem>>, vector<16xf32>,
        tpu.vector_store %arg13[%parallel_loop3A_240, %parallel_loop3A_241], %parallel_loop3A_239 {strides = array<i32>} : memref<40x128xf32, #tpu.memory_space<vmem>>, vector<16xf32>,
        %parallel_loop3A_243 = arith.index_cast %parallel_loop3A_225 : i32 to index
        %parallel_loop3A_244 = arith.constant 16 : index
        %parallel_loop3A_245 = tpu.vector_load %arg13[%parallel_loop3A_243, %parallel_loop3A_244] {strides = array<i32>} : memref<40x128xf32, #tpu.memory_space<vmem>>, vector<16xf32>,
        %parallel_loop3A_246 = arith.index_cast %parallel_loop3A_225 : i32 to index
        %parallel_loop3A_247 = arith.constant 16 : index
        %parallel_loop3A_248 = tpu.vector_load %arg14[%parallel_loop3A_246, %parallel_loop3A_247] {strides = array<i32>} : memref<40x128xf32, #tpu.memory_space<vmem>>, vector<16xf32>,
        %parallel_loop3A_249 = arith.addf %parallel_loop3A_245, %parallel_loop3A_248 : vector<16xf32>
        %parallel_loop3A_250 = arith.index_cast %parallel_loop3A_225 : i32 to index
        %parallel_loop3A_251 = arith.constant 16 : index
        %parallel_loop3A_252 = tpu.vector_load %arg15[%parallel_loop3A_250, %parallel_loop3A_251] {strides = array<i32>} : memref<40x128xf32, #tpu.memory_space<vmem>>, vector<16xf32>,
        %parallel_loop3A_253 = arith.addf %parallel_loop3A_249, %parallel_loop3A_252 : vector<16xf32>
        %parallel_loop3A_254 = arith.constant 0.000000e+00 : f32
        %parallel_loop3A_255 = vector.broadcast %parallel_loop3A_254 : f32 to vector<16xf32>
        %parallel_loop3A_256 = arith.maximumf %parallel_loop3A_253, %parallel_loop3A_255 : vector<16xf32>
        %parallel_loop3A_257 = arith.index_cast %parallel_loop3A_225 : i32 to index
        %parallel_loop3A_258 = arith.constant 16 : index
        %parallel_loop3A_259 = tpu.vector_load %arg13[%parallel_loop3A_257, %parallel_loop3A_258] {strides = array<i32>} : memref<40x128xf32, #tpu.memory_space<vmem>>, vector<16xf32>,
        tpu.vector_store %arg13[%parallel_loop3A_257, %parallel_loop3A_258], %parallel_loop3A_256 {strides = array<i32>} : memref<40x128xf32, #tpu.memory_space<vmem>>, vector<16xf32>,
        %parallel_loop3A_260 = arith.index_cast %parallel_loop3A_225 : i32 to index
        %parallel_loop3A_261 = arith.constant 32 : index
        %parallel_loop3A_262 = tpu.vector_load %arg13[%parallel_loop3A_260, %parallel_loop3A_261] {strides = array<i32>} : memref<40x128xf32, #tpu.memory_space<vmem>>, vector<16xf32>,
        %parallel_loop3A_263 = arith.index_cast %parallel_loop3A_225 : i32 to index
        %parallel_loop3A_264 = arith.constant 32 : index
        %parallel_loop3A_265 = tpu.vector_load %arg14[%parallel_loop3A_263, %parallel_loop3A_264] {strides = array<i32>} : memref<40x128xf32, #tpu.memory_space<vmem>>, vector<16xf32>,
        %parallel_loop3A_266 = arith.addf %parallel_loop3A_262, %parallel_loop3A_265 : vector<16xf32>
        %parallel_loop3A_267 = arith.index_cast %parallel_loop3A_225 : i32 to index
        %parallel_loop3A_268 = arith.constant 32 : index
        %parallel_loop3A_269 = tpu.vector_load %arg15[%parallel_loop3A_267, %parallel_loop3A_268] {strides = array<i32>} : memref<40x128xf32, #tpu.memory_space<vmem>>, vector<16xf32>,
        %parallel_loop3A_270 = arith.addf %parallel_loop3A_266, %parallel_loop3A_269 : vector<16xf32>
        %parallel_loop3A_271 = arith.constant 0.000000e+00 : f32
        %parallel_loop3A_272 = vector.broadcast %parallel_loop3A_271 : f32 to vector<16xf32>
        %parallel_loop3A_273 = arith.maximumf %parallel_loop3A_270, %parallel_loop3A_272 : vector<16xf32>
        %parallel_loop3A_274 = arith.index_cast %parallel_loop3A_225 : i32 to index
        %parallel_loop3A_275 = arith.constant 32 : index
        %parallel_loop3A_276 = tpu.vector_load %arg13[%parallel_loop3A_274, %parallel_loop3A_275] {strides = array<i32>} : memref<40x128xf32, #tpu.memory_space<vmem>>, vector<16xf32>,
        tpu.vector_store %arg13[%parallel_loop3A_274, %parallel_loop3A_275], %parallel_loop3A_273 {strides = array<i32>} : memref<40x128xf32, #tpu.memory_space<vmem>>, vector<16xf32>,
        %parallel_loop3A_277 = arith.index_cast %parallel_loop3A_225 : i32 to index
        %parallel_loop3A_278 = arith.constant 48 : index
        %parallel_loop3A_279 = tpu.vector_load %arg13[%parallel_loop3A_277, %parallel_loop3A_278] {strides = array<i32>} : memref<40x128xf32, #tpu.memory_space<vmem>>, vector<16xf32>,
        %parallel_loop3A_280 = arith.index_cast %parallel_loop3A_225 : i32 to index
        %parallel_loop3A_281 = arith.constant 48 : index
        %parallel_loop3A_282 = tpu.vector_load %arg14[%parallel_loop3A_280, %parallel_loop3A_281] {strides = array<i32>} : memref<40x128xf32, #tpu.memory_space<vmem>>, vector<16xf32>,
        %parallel_loop3A_283 = arith.addf %parallel_loop3A_279, %parallel_loop3A_282 : vector<16xf32>
        %parallel_loop3A_284 = arith.index_cast %parallel_loop3A_225 : i32 to index
        %parallel_loop3A_285 = arith.constant 48 : index
        %parallel_loop3A_286 = tpu.vector_load %arg15[%parallel_loop3A_284, %parallel_loop3A_285] {strides = array<i32>} : memref<40x128xf32, #tpu.memory_space<vmem>>, vector<16xf32>,
        %parallel_loop3A_287 = arith.addf %parallel_loop3A_283, %parallel_loop3A_286 : vector<16xf32>
        %parallel_loop3A_288 = arith.constant 0.000000e+00 : f32
        %parallel_loop3A_289 = vector.broadcast %parallel_loop3A_288 : f32 to vector<16xf32>
        %parallel_loop3A_290 = arith.maximumf %parallel_loop3A_287, %parallel_loop3A_289 : vector<16xf32>
        %parallel_loop3A_291 = arith.index_cast %parallel_loop3A_225 : i32 to index
        %parallel_loop3A_292 = arith.constant 48 : index
        %parallel_loop3A_293 = tpu.vector_load %arg13[%parallel_loop3A_291, %parallel_loop3A_292] {strides = array<i32>} : memref<40x128xf32, #tpu.memory_space<vmem>>, vector<16xf32>,
        tpu.vector_store %arg13[%parallel_loop3A_291, %parallel_loop3A_292], %parallel_loop3A_290 {strides = array<i32>} : memref<40x128xf32, #tpu.memory_space<vmem>>, vector<16xf32>,
        %parallel_loop3A_294 = arith.index_cast %parallel_loop3A_225 : i32 to index
        %parallel_loop3A_295 = arith.constant 64 : index
        %parallel_loop3A_296 = tpu.vector_load %arg13[%parallel_loop3A_294, %parallel_loop3A_295] {strides = array<i32>} : memref<40x128xf32, #tpu.memory_space<vmem>>, vector<16xf32>,
        %parallel_loop3A_297 = arith.index_cast %parallel_loop3A_225 : i32 to index
        %parallel_loop3A_298 = arith.constant 64 : index
        %parallel_loop3A_299 = tpu.vector_load %arg14[%parallel_loop3A_297, %parallel_loop3A_298] {strides = array<i32>} : memref<40x128xf32, #tpu.memory_space<vmem>>, vector<16xf32>,
        %parallel_loop3A_300 = arith.addf %parallel_loop3A_296, %parallel_loop3A_299 : vector<16xf32>
        %parallel_loop3A_301 = arith.index_cast %parallel_loop3A_225 : i32 to index
        %parallel_loop3A_302 = arith.constant 64 : index
        %parallel_loop3A_303 = tpu.vector_load %arg15[%parallel_loop3A_301, %parallel_loop3A_302] {strides = array<i32>} : memref<40x128xf32, #tpu.memory_space<vmem>>, vector<16xf32>,
        %parallel_loop3A_304 = arith.addf %parallel_loop3A_300, %parallel_loop3A_303 : vector<16xf32>
        %parallel_loop3A_305 = arith.constant 0.000000e+00 : f32
        %parallel_loop3A_306 = vector.broadcast %parallel_loop3A_305 : f32 to vector<16xf32>
        %parallel_loop3A_307 = arith.maximumf %parallel_loop3A_304, %parallel_loop3A_306 : vector<16xf32>
        %parallel_loop3A_308 = arith.index_cast %parallel_loop3A_225 : i32 to index
        %parallel_loop3A_309 = arith.constant 64 : index
        %parallel_loop3A_310 = tpu.vector_load %arg13[%parallel_loop3A_308, %parallel_loop3A_309] {strides = array<i32>} : memref<40x128xf32, #tpu.memory_space<vmem>>, vector<16xf32>,
        tpu.vector_store %arg13[%parallel_loop3A_308, %parallel_loop3A_309], %parallel_loop3A_307 {strides = array<i32>} : memref<40x128xf32, #tpu.memory_space<vmem>>, vector<16xf32>,
        %parallel_loop3A_311 = arith.index_cast %parallel_loop3A_225 : i32 to index
        %parallel_loop3A_312 = arith.constant 80 : index
        %parallel_loop3A_313 = tpu.vector_load %arg13[%parallel_loop3A_311, %parallel_loop3A_312] {strides = array<i32>} : memref<40x128xf32, #tpu.memory_space<vmem>>, vector<16xf32>,
        %parallel_loop3A_314 = arith.index_cast %parallel_loop3A_225 : i32 to index
        %parallel_loop3A_315 = arith.constant 80 : index
        %parallel_loop3A_316 = tpu.vector_load %arg14[%parallel_loop3A_314, %parallel_loop3A_315] {strides = array<i32>} : memref<40x128xf32, #tpu.memory_space<vmem>>, vector<16xf32>,
        %parallel_loop3A_317 = arith.addf %parallel_loop3A_313, %parallel_loop3A_316 : vector<16xf32>
        %parallel_loop3A_318 = arith.index_cast %parallel_loop3A_225 : i32 to index
        %parallel_loop3A_319 = arith.constant 80 : index
        %parallel_loop3A_320 = tpu.vector_load %arg15[%parallel_loop3A_318, %parallel_loop3A_319] {strides = array<i32>} : memref<40x128xf32, #tpu.memory_space<vmem>>, vector<16xf32>,
        %parallel_loop3A_321 = arith.addf %parallel_loop3A_317, %parallel_loop3A_320 : vector<16xf32>
        %parallel_loop3A_322 = arith.constant 0.000000e+00 : f32
        %parallel_loop3A_323 = vector.broadcast %parallel_loop3A_322 : f32 to vector<16xf32>
        %parallel_loop3A_324 = arith.maximumf %parallel_loop3A_321, %parallel_loop3A_323 : vector<16xf32>
        %parallel_loop3A_325 = arith.index_cast %parallel_loop3A_225 : i32 to index
        %parallel_loop3A_326 = arith.constant 80 : index
        %parallel_loop3A_327 = tpu.vector_load %arg13[%parallel_loop3A_325, %parallel_loop3A_326] {strides = array<i32>} : memref<40x128xf32, #tpu.memory_space<vmem>>, vector<16xf32>,
        tpu.vector_store %arg13[%parallel_loop3A_325, %parallel_loop3A_326], %parallel_loop3A_324 {strides = array<i32>} : memref<40x128xf32, #tpu.memory_space<vmem>>, vector<16xf32>,
        %parallel_loop3A_328 = arith.index_cast %parallel_loop3A_225 : i32 to index
        %parallel_loop3A_329 = arith.constant 96 : index
        %parallel_loop3A_330 = tpu.vector_load %arg13[%parallel_loop3A_328, %parallel_loop3A_329] {strides = array<i32>} : memref<40x128xf32, #tpu.memory_space<vmem>>, vector<16xf32>,
        %parallel_loop3A_331 = arith.index_cast %parallel_loop3A_225 : i32 to index
        %parallel_loop3A_332 = arith.constant 96 : index
        %parallel_loop3A_333 = tpu.vector_load %arg14[%parallel_loop3A_331, %parallel_loop3A_332] {strides = array<i32>} : memref<40x128xf32, #tpu.memory_space<vmem>>, vector<16xf32>,
        %parallel_loop3A_334 = arith.addf %parallel_loop3A_330, %parallel_loop3A_333 : vector<16xf32>
        %parallel_loop3A_335 = arith.index_cast %parallel_loop3A_225 : i32 to index
        %parallel_loop3A_336 = arith.constant 96 : index
        %parallel_loop3A_337 = tpu.vector_load %arg15[%parallel_loop3A_335, %parallel_loop3A_336] {strides = array<i32>} : memref<40x128xf32, #tpu.memory_space<vmem>>, vector<16xf32>,
        %parallel_loop3A_338 = arith.addf %parallel_loop3A_334, %parallel_loop3A_337 : vector<16xf32>
        %parallel_loop3A_339 = arith.constant 0.000000e+00 : f32
        %parallel_loop3A_340 = vector.broadcast %parallel_loop3A_339 : f32 to vector<16xf32>
        %parallel_loop3A_341 = arith.maximumf %parallel_loop3A_338, %parallel_loop3A_340 : vector<16xf32>
        %parallel_loop3A_342 = arith.index_cast %parallel_loop3A_225 : i32 to index
        %parallel_loop3A_343 = arith.constant 96 : index
        %parallel_loop3A_344 = tpu.vector_load %arg13[%parallel_loop3A_342, %parallel_loop3A_343] {strides = array<i32>} : memref<40x128xf32, #tpu.memory_space<vmem>>, vector<16xf32>,
        tpu.vector_store %arg13[%parallel_loop3A_342, %parallel_loop3A_343], %parallel_loop3A_341 {strides = array<i32>} : memref<40x128xf32, #tpu.memory_space<vmem>>, vector<16xf32>,
        %parallel_loop3A_345 = arith.index_cast %parallel_loop3A_225 : i32 to index
        %parallel_loop3A_346 = arith.constant 112 : index
        %parallel_loop3A_347 = tpu.vector_load %arg13[%parallel_loop3A_345, %parallel_loop3A_346] {strides = array<i32>} : memref<40x128xf32, #tpu.memory_space<vmem>>, vector<16xf32>,
        %parallel_loop3A_348 = arith.index_cast %parallel_loop3A_225 : i32 to index
        %parallel_loop3A_349 = arith.constant 112 : index
        %parallel_loop3A_350 = tpu.vector_load %arg14[%parallel_loop3A_348, %parallel_loop3A_349] {strides = array<i32>} : memref<40x128xf32, #tpu.memory_space<vmem>>, vector<16xf32>,
        %parallel_loop3A_351 = arith.addf %parallel_loop3A_347, %parallel_loop3A_350 : vector<16xf32>
        %parallel_loop3A_352 = arith.index_cast %parallel_loop3A_225 : i32 to index
        %parallel_loop3A_353 = arith.constant 112 : index
        %parallel_loop3A_354 = tpu.vector_load %arg15[%parallel_loop3A_352, %parallel_loop3A_353] {strides = array<i32>} : memref<40x128xf32, #tpu.memory_space<vmem>>, vector<16xf32>,
        %parallel_loop3A_355 = arith.addf %parallel_loop3A_351, %parallel_loop3A_354 : vector<16xf32>
        %parallel_loop3A_356 = arith.constant 0.000000e+00 : f32
        %parallel_loop3A_357 = vector.broadcast %parallel_loop3A_356 : f32 to vector<16xf32>
        %parallel_loop3A_358 = arith.maximumf %parallel_loop3A_355, %parallel_loop3A_357 : vector<16xf32>
        %parallel_loop3A_359 = arith.index_cast %parallel_loop3A_225 : i32 to index
        %parallel_loop3A_360 = arith.constant 112 : index
        %parallel_loop3A_361 = tpu.vector_load %arg13[%parallel_loop3A_359, %parallel_loop3A_360] {strides = array<i32>} : memref<40x128xf32, #tpu.memory_space<vmem>>, vector<16xf32>,
        tpu.vector_store %arg13[%parallel_loop3A_359, %parallel_loop3A_360], %parallel_loop3A_358 {strides = array<i32>} : memref<40x128xf32, #tpu.memory_space<vmem>>, vector<16xf32>,
      } {sc.loop_unroll_factor = 4 : i64, sc.parallel_access}
      "tpu.region"() ({
        %run_scoped3A = tpu.sem_alloc : memref<!tpu.dma_semaphore, #tpu.memory_space<semaphore_mem>>
        %dma_start3A_225 = arith.constant 0 : i32
        %dma_start3A_226 = arith.constant 0 : i32
        %dma_start3A_227 = tpu.memref_slice %arg20[%dma_start3A_225, %dma_start3A_226] : memref<10240x128xf32, #tpu.memory_space<vmem_shared>> -> memref<10240x128xf32, #tpu.memory_space<vmem_shared>>
        tpu.enqueue_indirect_dma source(%arg13 : memref<40x128xf32, #tpu.memory_space<vmem>>) target(%dma_start3A_227 : memref<10240x128xf32, #tpu.memory_space<vmem_shared>>) offsets(%arg9 : memref<40xi32, #tpu.memory_space<vmem>>) semaphore(%run_scoped3A : memref<!tpu.dma_semaphore, #tpu.memory_space<semaphore_mem>>) {add = true}
        %dma_wait3A_228 = arith.constant 0 : i32
        %dma_wait3A_229 = arith.constant 0 : i32
        %dma_wait3A_230 = tpu.memref_slice %arg20[%dma_wait3A_228, %dma_wait3A_229] : memref<10240x128xf32, #tpu.memory_space<vmem_shared>> -> memref<10240x128xf32, #tpu.memory_space<vmem_shared>>
        tpu.wait_indirect_dma semaphore(%run_scoped3A : memref<!tpu.dma_semaphore, #tpu.memory_space<semaphore_mem>>) src(%arg13 : memref<40x128xf32, #tpu.memory_space<vmem>>) dst(%dma_wait3A_230 : memref<10240x128xf32, #tpu.memory_space<vmem_shared>>)
        tpu.yield
      }) : () -> ()
      %lt3A = arith.constant 124 : i32
      %lt3A_173 = arith.cmpi slt, %scan3A_113, %lt3A : i32
      %convert_element_type3A_174 = arith.extui %lt3A_173 : i1 to i32
      %cond3A = arith.constant 0 : i32
      %cond3A_175 = arith.cmpi ne, %convert_element_type3A_174, %cond3A : i32
      scf.if %cond3A_175 {
        %mul3A_225 = arith.constant 2 : i32
        %mul3A_226 = arith.muli %mul3A_225, %scan3A_113 : i32
        %add3A_227 = arith.constant 2 : i32
        %add3A_228 = arith.addi %mul3A_226, %add3A_227 : i32
        %mul3A_229 = arith.constant 40 : i32
        %mul3A_230 = arith.muli %add3A_228, %mul3A_229 : i32
        %add3A_231 = arith.addi %mul3A_2, %mul3A_230 : i32
        %dma_start3A_232 = tpu.memref_slice %arg2[%add3A_231] : memref<320000xi32, #tpu.memory_space<hbm>> -> memref<40xi32, #tpu.memory_space<hbm>>
        %dma_start3A_233 = tpu.memref_slice %arg2[%add3A_231] : memref<320000xi32, #tpu.memory_space<hbm>> -> memref<40xi32, #tpu.memory_space<hbm>>
        tpu.enqueue_dma source(%dma_start3A_233 : memref<40xi32, #tpu.memory_space<hbm>>) target(%arg9 : memref<40xi32, #tpu.memory_space<vmem>>) target_semaphore(%arg27 : memref<!tpu.dma_semaphore, #tpu.memory_space<semaphore_mem>>)
        %dma_start3A_234 = tpu.memref_slice %arg3[%add3A_231] : memref<320000xi32, #tpu.memory_space<hbm>> -> memref<40xi32, #tpu.memory_space<hbm>>
        %dma_start3A_235 = tpu.memref_slice %arg3[%add3A_231] : memref<320000xi32, #tpu.memory_space<hbm>> -> memref<40xi32, #tpu.memory_space<hbm>>
        tpu.enqueue_dma source(%dma_start3A_235 : memref<40xi32, #tpu.memory_space<hbm>>) target(%arg10 : memref<40xi32, #tpu.memory_space<vmem>>) target_semaphore(%arg27 : memref<!tpu.dma_semaphore, #tpu.memory_space<semaphore_mem>>)
      } else {
      }
      %lt3A_176 = arith.constant 124 : i32
      %lt3A_177 = arith.cmpi slt, %scan3A_113, %lt3A_176 : i32
      %convert_element_type3A_178 = arith.extui %lt3A_177 : i1 to i32
      %cond3A_179 = arith.constant 0 : i32
      %cond3A_180 = arith.cmpi ne, %convert_element_type3A_178, %cond3A_179 : i32
      scf.if %cond3A_180 {
        %dma_wait3A_225 = arith.constant 0 : i32
        %dma_wait3A_226 = tpu.memref_slice %arg2[%dma_wait3A_225] : memref<320000xi32, #tpu.memory_space<hbm>> -> memref<40xi32, #tpu.memory_space<hbm>>
        %dma_wait3A_227 = arith.constant 0 : i32
        %dma_wait3A_228 = tpu.memref_slice %arg2[%dma_wait3A_227] : memref<320000xi32, #tpu.memory_space<hbm>> -> memref<40xi32, #tpu.memory_space<hbm>>
        tpu.wait_dma2 semaphore(%arg27 : memref<!tpu.dma_semaphore, #tpu.memory_space<semaphore_mem>>) src(%dma_wait3A_228 : memref<40xi32, #tpu.memory_space<hbm>>) dst(%arg9 : memref<40xi32, #tpu.memory_space<vmem>>)
        %dma_wait3A_229 = arith.constant 0 : i32
        %dma_wait3A_230 = tpu.memref_slice %arg3[%dma_wait3A_229] : memref<320000xi32, #tpu.memory_space<hbm>> -> memref<40xi32, #tpu.memory_space<hbm>>
        %dma_wait3A_231 = arith.constant 0 : i32
        %dma_wait3A_232 = tpu.memref_slice %arg3[%dma_wait3A_231] : memref<320000xi32, #tpu.memory_space<hbm>> -> memref<40xi32, #tpu.memory_space<hbm>>
        tpu.wait_dma2 semaphore(%arg27 : memref<!tpu.dma_semaphore, #tpu.memory_space<semaphore_mem>>) src(%dma_wait3A_232 : memref<40xi32, #tpu.memory_space<hbm>>) dst(%arg10 : memref<40xi32, #tpu.memory_space<vmem>>)
        %mul3A_233 = arith.constant 2 : i32
        %mul3A_234 = arith.muli %mul3A_233, %scan3A_113 : i32
        %add3A_235 = arith.constant 2 : i32
        %add3A_236 = arith.addi %mul3A_234, %add3A_235 : i32
        %mul3A_237 = arith.constant 40 : i32
        %mul3A_238 = arith.muli %add3A_236, %mul3A_237 : i32
        %add3A_239 = arith.addi %mul3A_2, %mul3A_238 : i32
        %dma_start3A_240 = arith.constant 0 : i32
        %dma_start3A_241 = arith.constant 0 : i32
        %dma_start3A_242 = tpu.memref_slice %arg4[%dma_start3A_240, %dma_start3A_241] : memref<10000x128xf32, #tpu.memory_space<hbm>> -> memref<10000x128xf32, #tpu.memory_space<hbm>>
        tpu.enqueue_indirect_dma source(%dma_start3A_242 : memref<10000x128xf32, #tpu.memory_space<hbm>>) target(%arg13 : memref<40x128xf32, #tpu.memory_space<vmem>>) offsets(%arg9 : memref<40xi32, #tpu.memory_space<vmem>>) semaphore(%arg21 : memref<!tpu.dma_semaphore, #tpu.memory_space<semaphore_mem>>)
        %dma_start3A_243 = arith.constant 0 : i32
        %dma_start3A_244 = arith.constant 0 : i32
        %dma_start3A_245 = tpu.memref_slice %arg5[%dma_start3A_243, %dma_start3A_244] : memref<10000x128xf32, #tpu.memory_space<hbm>> -> memref<10000x128xf32, #tpu.memory_space<hbm>>
        tpu.enqueue_indirect_dma source(%dma_start3A_245 : memref<10000x128xf32, #tpu.memory_space<hbm>>) target(%arg14 : memref<40x128xf32, #tpu.memory_space<vmem>>) offsets(%arg10 : memref<40xi32, #tpu.memory_space<vmem>>) semaphore(%arg22 : memref<!tpu.dma_semaphore, #tpu.memory_space<semaphore_mem>>)
        %dma_start3A_246 = arith.constant 0 : i32
        %dma_start3A_247 = tpu.memref_slice %arg6[%add3A_239, %dma_start3A_246] : memref<320000x128xf32, #tpu.memory_space<hbm>> -> memref<40x128xf32, #tpu.memory_space<hbm>>
        %dma_start3A_248 = arith.constant 0 : i32
        %dma_start3A_249 = tpu.memref_slice %arg6[%add3A_239, %dma_start3A_248] : memref<320000x128xf32, #tpu.memory_space<hbm>> -> memref<40x128xf32, #tpu.memory_space<hbm>>
        tpu.enqueue_dma source(%dma_start3A_249 : memref<40x128xf32, #tpu.memory_space<hbm>>) target(%arg15 : memref<40x128xf32, #tpu.memory_space<vmem>>) target_semaphore(%arg23 : memref<!tpu.dma_semaphore, #tpu.memory_space<semaphore_mem>>)
      } else {
      }
      %get3A_181 = arith.constant 0 : index
      %get3A_182 = tpu.vector_load %arg11[%get3A_181] {strides = array<i32>} : memref<40xi32, #tpu.memory_space<vmem>>, vector<16xi32>,
      %broadcast_in_dim3A_183 = arith.constant true
      %broadcast_in_dim3A_184 = vector.broadcast %broadcast_in_dim3A_183 : i1 to vector<16xi1>
      %unique3A_185, %unique3A_186 = tpu.scan_count mask(%broadcast_in_dim3A_184 : vector<16xi1>) value(%get3A_182 : vector<16xi32>) : vector<16xi1>, vector<16xi32>
      %add3A_187 = arith.addi %unique3A_186, %sub3A_85 : vector<16xi32>
      %convert_element_type3A_188 = arith.sitofp %add3A_187 : vector<16xi32> to vector<16xf32>
      tpu.vector_store_idx %arg19[%get3A_182], %convert_element_type3A_188 masked %unique3A_185 {add = true} : memref<10240xf32, #tpu.memory_space<vmem>>[vector<16xi32>], vector<16xf32>, vector<16xi1>
      %get3A_189 = arith.constant 16 : index
      %get3A_190 = tpu.vector_load %arg11[%get3A_189] {strides = array<i32>} : memref<40xi32, #tpu.memory_space<vmem>>, vector<16xi32>,
      %broadcast_in_dim3A_191 = arith.constant true
      %broadcast_in_dim3A_192 = vector.broadcast %broadcast_in_dim3A_191 : i1 to vector<16xi1>
      %unique3A_193, %unique3A_194 = tpu.scan_count mask(%broadcast_in_dim3A_192 : vector<16xi1>) value(%get3A_190 : vector<16xi32>) : vector<16xi1>, vector<16xi32>
      %add3A_195 = arith.addi %unique3A_194, %sub3A_85 : vector<16xi32>
      %convert_element_type3A_196 = arith.sitofp %add3A_195 : vector<16xi32> to vector<16xf32>
      tpu.vector_store_idx %arg19[%get3A_190], %convert_element_type3A_196 masked %unique3A_193 {add = true} : memref<10240xf32, #tpu.memory_space<vmem>>[vector<16xi32>], vector<16xf32>, vector<16xi1>
      %get3A_197 = arith.constant 24 : index
      %get3A_198 = tpu.vector_load %arg11[%get3A_197] {strides = array<i32>} : memref<40xi32, #tpu.memory_space<vmem>>, vector<16xi32>,
      %unique3A_199, %unique3A_200 = tpu.scan_count mask(%ge3A_87 : vector<16xi1>) value(%get3A_198 : vector<16xi32>) : vector<16xi1>, vector<16xi32>
      %and3A_201 = arith.andi %unique3A_199, %ge3A_87 : vector<16xi1>
      %add3A_202 = arith.addi %unique3A_200, %sub3A_85 : vector<16xi32>
      %convert_element_type3A_203 = arith.sitofp %add3A_202 : vector<16xi32> to vector<16xf32>
      tpu.vector_store_idx %arg19[%get3A_198], %convert_element_type3A_203 masked %and3A_201 {add = true} : memref<10240xf32, #tpu.memory_space<vmem>>[vector<16xi32>], vector<16xf32>, vector<16xi1>
      %dma_wait3A_204 = arith.constant 0 : i32
      %dma_wait3A_205 = arith.constant 0 : i32
      %dma_wait3A_206 = tpu.memref_slice %arg4[%dma_wait3A_204, %dma_wait3A_205] : memref<10000x128xf32, #tpu.memory_space<hbm>> -> memref<10000x128xf32, #tpu.memory_space<hbm>>
      tpu.wait_indirect_dma semaphore(%arg24 : memref<!tpu.dma_semaphore, #tpu.memory_space<semaphore_mem>>) src(%dma_wait3A_206 : memref<10000x128xf32, #tpu.memory_space<hbm>>) dst(%arg16 : memref<40x128xf32, #tpu.memory_space<vmem>>)
      %dma_wait3A_207 = arith.constant 0 : i32
      %dma_wait3A_208 = arith.constant 0 : i32
      %dma_wait3A_209 = tpu.memref_slice %arg5[%dma_wait3A_207, %dma_wait3A_208] : memref<10000x128xf32, #tpu.memory_space<hbm>> -> memref<10000x128xf32, #tpu.memory_space<hbm>>
      tpu.wait_indirect_dma semaphore(%arg25 : memref<!tpu.dma_semaphore, #tpu.memory_space<semaphore_mem>>) src(%dma_wait3A_209 : memref<10000x128xf32, #tpu.memory_space<hbm>>) dst(%arg17 : memref<40x128xf32, #tpu.memory_space<vmem>>)
      %dma_wait3A_210 = arith.constant 0 : i32
      %dma_wait3A_211 = arith.constant 0 : i32
      %dma_wait3A_212 = tpu.memref_slice %arg6[%dma_wait3A_210, %dma_wait3A_211] : memref<320000x128xf32, #tpu.memory_space<hbm>> -> memref<40x128xf32, #tpu.memory_space<hbm>>
      %dma_wait3A_213 = arith.constant 0 : i32
      %dma_wait3A_214 = arith.constant 0 : i32
      %dma_wait3A_215 = tpu.memref_slice %arg6[%dma_wait3A_213, %dma_wait3A_214] : memref<320000x128xf32, #tpu.memory_space<hbm>> -> memref<40x128xf32, #tpu.memory_space<hbm>>
      tpu.wait_dma2 semaphore(%arg26 : memref<!tpu.dma_semaphore, #tpu.memory_space<semaphore_mem>>) src(%dma_wait3A_215 : memref<40x128xf32, #tpu.memory_space<hbm>>) dst(%arg18 : memref<40x128xf32, #tpu.memory_space<vmem>>)
      %parallel_loop3A_216 = arith.constant 0 : i32
      %parallel_loop3A_217 = arith.constant 40 : i32
      %parallel_loop3A_218 = arith.constant 1 : i32
      scf.for %parallel_loop3A_225 = %parallel_loop3A_216 to %parallel_loop3A_217 step %parallel_loop3A_218  : i32 {
        %parallel_loop3A_226 = arith.index_cast %parallel_loop3A_225 : i32 to index
        %parallel_loop3A_227 = arith.constant 0 : index
        %parallel_loop3A_228 = tpu.vector_load %arg16[%parallel_loop3A_226, %parallel_loop3A_227] {strides = array<i32>} : memref<40x128xf32, #tpu.memory_space<vmem>>, vector<16xf32>,
        %parallel_loop3A_229 = arith.index_cast %parallel_loop3A_225 : i32 to index
        %parallel_loop3A_230 = arith.constant 0 : index
        %parallel_loop3A_231 = tpu.vector_load %arg17[%parallel_loop3A_229, %parallel_loop3A_230] {strides = array<i32>} : memref<40x128xf32, #tpu.memory_space<vmem>>, vector<16xf32>,
        %parallel_loop3A_232 = arith.addf %parallel_loop3A_228, %parallel_loop3A_231 : vector<16xf32>
        %parallel_loop3A_233 = arith.index_cast %parallel_loop3A_225 : i32 to index
        %parallel_loop3A_234 = arith.constant 0 : index
        %parallel_loop3A_235 = tpu.vector_load %arg18[%parallel_loop3A_233, %parallel_loop3A_234] {strides = array<i32>} : memref<40x128xf32, #tpu.memory_space<vmem>>, vector<16xf32>,
        %parallel_loop3A_236 = arith.addf %parallel_loop3A_232, %parallel_loop3A_235 : vector<16xf32>
        %parallel_loop3A_237 = arith.constant 0.000000e+00 : f32
        %parallel_loop3A_238 = vector.broadcast %parallel_loop3A_237 : f32 to vector<16xf32>
        %parallel_loop3A_239 = arith.maximumf %parallel_loop3A_236, %parallel_loop3A_238 : vector<16xf32>
        %parallel_loop3A_240 = arith.index_cast %parallel_loop3A_225 : i32 to index
        %parallel_loop3A_241 = arith.constant 0 : index
        %parallel_loop3A_242 = tpu.vector_load %arg16[%parallel_loop3A_240, %parallel_loop3A_241] {strides = array<i32>} : memref<40x128xf32, #tpu.memory_space<vmem>>, vector<16xf32>,
        tpu.vector_store %arg16[%parallel_loop3A_240, %parallel_loop3A_241], %parallel_loop3A_239 {strides = array<i32>} : memref<40x128xf32, #tpu.memory_space<vmem>>, vector<16xf32>,
        %parallel_loop3A_243 = arith.index_cast %parallel_loop3A_225 : i32 to index
        %parallel_loop3A_244 = arith.constant 16 : index
        %parallel_loop3A_245 = tpu.vector_load %arg16[%parallel_loop3A_243, %parallel_loop3A_244] {strides = array<i32>} : memref<40x128xf32, #tpu.memory_space<vmem>>, vector<16xf32>,
        %parallel_loop3A_246 = arith.index_cast %parallel_loop3A_225 : i32 to index
        %parallel_loop3A_247 = arith.constant 16 : index
        %parallel_loop3A_248 = tpu.vector_load %arg17[%parallel_loop3A_246, %parallel_loop3A_247] {strides = array<i32>} : memref<40x128xf32, #tpu.memory_space<vmem>>, vector<16xf32>,
        %parallel_loop3A_249 = arith.addf %parallel_loop3A_245, %parallel_loop3A_248 : vector<16xf32>
        %parallel_loop3A_250 = arith.index_cast %parallel_loop3A_225 : i32 to index
        %parallel_loop3A_251 = arith.constant 16 : index
        %parallel_loop3A_252 = tpu.vector_load %arg18[%parallel_loop3A_250, %parallel_loop3A_251] {strides = array<i32>} : memref<40x128xf32, #tpu.memory_space<vmem>>, vector<16xf32>,
        %parallel_loop3A_253 = arith.addf %parallel_loop3A_249, %parallel_loop3A_252 : vector<16xf32>
        %parallel_loop3A_254 = arith.constant 0.000000e+00 : f32
        %parallel_loop3A_255 = vector.broadcast %parallel_loop3A_254 : f32 to vector<16xf32>
        %parallel_loop3A_256 = arith.maximumf %parallel_loop3A_253, %parallel_loop3A_255 : vector<16xf32>
        %parallel_loop3A_257 = arith.index_cast %parallel_loop3A_225 : i32 to index
        %parallel_loop3A_258 = arith.constant 16 : index
        %parallel_loop3A_259 = tpu.vector_load %arg16[%parallel_loop3A_257, %parallel_loop3A_258] {strides = array<i32>} : memref<40x128xf32, #tpu.memory_space<vmem>>, vector<16xf32>,
        tpu.vector_store %arg16[%parallel_loop3A_257, %parallel_loop3A_258], %parallel_loop3A_256 {strides = array<i32>} : memref<40x128xf32, #tpu.memory_space<vmem>>, vector<16xf32>,
        %parallel_loop3A_260 = arith.index_cast %parallel_loop3A_225 : i32 to index
        %parallel_loop3A_261 = arith.constant 32 : index
        %parallel_loop3A_262 = tpu.vector_load %arg16[%parallel_loop3A_260, %parallel_loop3A_261] {strides = array<i32>} : memref<40x128xf32, #tpu.memory_space<vmem>>, vector<16xf32>,
        %parallel_loop3A_263 = arith.index_cast %parallel_loop3A_225 : i32 to index
        %parallel_loop3A_264 = arith.constant 32 : index
        %parallel_loop3A_265 = tpu.vector_load %arg17[%parallel_loop3A_263, %parallel_loop3A_264] {strides = array<i32>} : memref<40x128xf32, #tpu.memory_space<vmem>>, vector<16xf32>,
        %parallel_loop3A_266 = arith.addf %parallel_loop3A_262, %parallel_loop3A_265 : vector<16xf32>
        %parallel_loop3A_267 = arith.index_cast %parallel_loop3A_225 : i32 to index
        %parallel_loop3A_268 = arith.constant 32 : index
        %parallel_loop3A_269 = tpu.vector_load %arg18[%parallel_loop3A_267, %parallel_loop3A_268] {strides = array<i32>} : memref<40x128xf32, #tpu.memory_space<vmem>>, vector<16xf32>,
        %parallel_loop3A_270 = arith.addf %parallel_loop3A_266, %parallel_loop3A_269 : vector<16xf32>
        %parallel_loop3A_271 = arith.constant 0.000000e+00 : f32
        %parallel_loop3A_272 = vector.broadcast %parallel_loop3A_271 : f32 to vector<16xf32>
        %parallel_loop3A_273 = arith.maximumf %parallel_loop3A_270, %parallel_loop3A_272 : vector<16xf32>
        %parallel_loop3A_274 = arith.index_cast %parallel_loop3A_225 : i32 to index
        %parallel_loop3A_275 = arith.constant 32 : index
        %parallel_loop3A_276 = tpu.vector_load %arg16[%parallel_loop3A_274, %parallel_loop3A_275] {strides = array<i32>} : memref<40x128xf32, #tpu.memory_space<vmem>>, vector<16xf32>,
        tpu.vector_store %arg16[%parallel_loop3A_274, %parallel_loop3A_275], %parallel_loop3A_273 {strides = array<i32>} : memref<40x128xf32, #tpu.memory_space<vmem>>, vector<16xf32>,
        %parallel_loop3A_277 = arith.index_cast %parallel_loop3A_225 : i32 to index
        %parallel_loop3A_278 = arith.constant 48 : index
        %parallel_loop3A_279 = tpu.vector_load %arg16[%parallel_loop3A_277, %parallel_loop3A_278] {strides = array<i32>} : memref<40x128xf32, #tpu.memory_space<vmem>>, vector<16xf32>,
        %parallel_loop3A_280 = arith.index_cast %parallel_loop3A_225 : i32 to index
        %parallel_loop3A_281 = arith.constant 48 : index
        %parallel_loop3A_282 = tpu.vector_load %arg17[%parallel_loop3A_280, %parallel_loop3A_281] {strides = array<i32>} : memref<40x128xf32, #tpu.memory_space<vmem>>, vector<16xf32>,
        %parallel_loop3A_283 = arith.addf %parallel_loop3A_279, %parallel_loop3A_282 : vector<16xf32>
        %parallel_loop3A_284 = arith.index_cast %parallel_loop3A_225 : i32 to index
        %parallel_loop3A_285 = arith.constant 48 : index
        %parallel_loop3A_286 = tpu.vector_load %arg18[%parallel_loop3A_284, %parallel_loop3A_285] {strides = array<i32>} : memref<40x128xf32, #tpu.memory_space<vmem>>, vector<16xf32>,
        %parallel_loop3A_287 = arith.addf %parallel_loop3A_283, %parallel_loop3A_286 : vector<16xf32>
        %parallel_loop3A_288 = arith.constant 0.000000e+00 : f32
        %parallel_loop3A_289 = vector.broadcast %parallel_loop3A_288 : f32 to vector<16xf32>
        %parallel_loop3A_290 = arith.maximumf %parallel_loop3A_287, %parallel_loop3A_289 : vector<16xf32>
        %parallel_loop3A_291 = arith.index_cast %parallel_loop3A_225 : i32 to index
        %parallel_loop3A_292 = arith.constant 48 : index
        %parallel_loop3A_293 = tpu.vector_load %arg16[%parallel_loop3A_291, %parallel_loop3A_292] {strides = array<i32>} : memref<40x128xf32, #tpu.memory_space<vmem>>, vector<16xf32>,
        tpu.vector_store %arg16[%parallel_loop3A_291, %parallel_loop3A_292], %parallel_loop3A_290 {strides = array<i32>} : memref<40x128xf32, #tpu.memory_space<vmem>>, vector<16xf32>,
        %parallel_loop3A_294 = arith.index_cast %parallel_loop3A_225 : i32 to index
        %parallel_loop3A_295 = arith.constant 64 : index
        %parallel_loop3A_296 = tpu.vector_load %arg16[%parallel_loop3A_294, %parallel_loop3A_295] {strides = array<i32>} : memref<40x128xf32, #tpu.memory_space<vmem>>, vector<16xf32>,
        %parallel_loop3A_297 = arith.index_cast %parallel_loop3A_225 : i32 to index
        %parallel_loop3A_298 = arith.constant 64 : index
        %parallel_loop3A_299 = tpu.vector_load %arg17[%parallel_loop3A_297, %parallel_loop3A_298] {strides = array<i32>} : memref<40x128xf32, #tpu.memory_space<vmem>>, vector<16xf32>,
        %parallel_loop3A_300 = arith.addf %parallel_loop3A_296, %parallel_loop3A_299 : vector<16xf32>
        %parallel_loop3A_301 = arith.index_cast %parallel_loop3A_225 : i32 to index
        %parallel_loop3A_302 = arith.constant 64 : index
        %parallel_loop3A_303 = tpu.vector_load %arg18[%parallel_loop3A_301, %parallel_loop3A_302] {strides = array<i32>} : memref<40x128xf32, #tpu.memory_space<vmem>>, vector<16xf32>,
        %parallel_loop3A_304 = arith.addf %parallel_loop3A_300, %parallel_loop3A_303 : vector<16xf32>
        %parallel_loop3A_305 = arith.constant 0.000000e+00 : f32
        %parallel_loop3A_306 = vector.broadcast %parallel_loop3A_305 : f32 to vector<16xf32>
        %parallel_loop3A_307 = arith.maximumf %parallel_loop3A_304, %parallel_loop3A_306 : vector<16xf32>
        %parallel_loop3A_308 = arith.index_cast %parallel_loop3A_225 : i32 to index
        %parallel_loop3A_309 = arith.constant 64 : index
        %parallel_loop3A_310 = tpu.vector_load %arg16[%parallel_loop3A_308, %parallel_loop3A_309] {strides = array<i32>} : memref<40x128xf32, #tpu.memory_space<vmem>>, vector<16xf32>,
        tpu.vector_store %arg16[%parallel_loop3A_308, %parallel_loop3A_309], %parallel_loop3A_307 {strides = array<i32>} : memref<40x128xf32, #tpu.memory_space<vmem>>, vector<16xf32>,
        %parallel_loop3A_311 = arith.index_cast %parallel_loop3A_225 : i32 to index
        %parallel_loop3A_312 = arith.constant 80 : index
        %parallel_loop3A_313 = tpu.vector_load %arg16[%parallel_loop3A_311, %parallel_loop3A_312] {strides = array<i32>} : memref<40x128xf32, #tpu.memory_space<vmem>>, vector<16xf32>,
        %parallel_loop3A_314 = arith.index_cast %parallel_loop3A_225 : i32 to index
        %parallel_loop3A_315 = arith.constant 80 : index
        %parallel_loop3A_316 = tpu.vector_load %arg17[%parallel_loop3A_314, %parallel_loop3A_315] {strides = array<i32>} : memref<40x128xf32, #tpu.memory_space<vmem>>, vector<16xf32>,
        %parallel_loop3A_317 = arith.addf %parallel_loop3A_313, %parallel_loop3A_316 : vector<16xf32>
        %parallel_loop3A_318 = arith.index_cast %parallel_loop3A_225 : i32 to index
        %parallel_loop3A_319 = arith.constant 80 : index
        %parallel_loop3A_320 = tpu.vector_load %arg18[%parallel_loop3A_318, %parallel_loop3A_319] {strides = array<i32>} : memref<40x128xf32, #tpu.memory_space<vmem>>, vector<16xf32>,
        %parallel_loop3A_321 = arith.addf %parallel_loop3A_317, %parallel_loop3A_320 : vector<16xf32>
        %parallel_loop3A_322 = arith.constant 0.000000e+00 : f32
        %parallel_loop3A_323 = vector.broadcast %parallel_loop3A_322 : f32 to vector<16xf32>
        %parallel_loop3A_324 = arith.maximumf %parallel_loop3A_321, %parallel_loop3A_323 : vector<16xf32>
        %parallel_loop3A_325 = arith.index_cast %parallel_loop3A_225 : i32 to index
        %parallel_loop3A_326 = arith.constant 80 : index
        %parallel_loop3A_327 = tpu.vector_load %arg16[%parallel_loop3A_325, %parallel_loop3A_326] {strides = array<i32>} : memref<40x128xf32, #tpu.memory_space<vmem>>, vector<16xf32>,
        tpu.vector_store %arg16[%parallel_loop3A_325, %parallel_loop3A_326], %parallel_loop3A_324 {strides = array<i32>} : memref<40x128xf32, #tpu.memory_space<vmem>>, vector<16xf32>,
        %parallel_loop3A_328 = arith.index_cast %parallel_loop3A_225 : i32 to index
        %parallel_loop3A_329 = arith.constant 96 : index
        %parallel_loop3A_330 = tpu.vector_load %arg16[%parallel_loop3A_328, %parallel_loop3A_329] {strides = array<i32>} : memref<40x128xf32, #tpu.memory_space<vmem>>, vector<16xf32>,
        %parallel_loop3A_331 = arith.index_cast %parallel_loop3A_225 : i32 to index
        %parallel_loop3A_332 = arith.constant 96 : index
        %parallel_loop3A_333 = tpu.vector_load %arg17[%parallel_loop3A_331, %parallel_loop3A_332] {strides = array<i32>} : memref<40x128xf32, #tpu.memory_space<vmem>>, vector<16xf32>,
        %parallel_loop3A_334 = arith.addf %parallel_loop3A_330, %parallel_loop3A_333 : vector<16xf32>
        %parallel_loop3A_335 = arith.index_cast %parallel_loop3A_225 : i32 to index
        %parallel_loop3A_336 = arith.constant 96 : index
        %parallel_loop3A_337 = tpu.vector_load %arg18[%parallel_loop3A_335, %parallel_loop3A_336] {strides = array<i32>} : memref<40x128xf32, #tpu.memory_space<vmem>>, vector<16xf32>,
        %parallel_loop3A_338 = arith.addf %parallel_loop3A_334, %parallel_loop3A_337 : vector<16xf32>
        %parallel_loop3A_339 = arith.constant 0.000000e+00 : f32
        %parallel_loop3A_340 = vector.broadcast %parallel_loop3A_339 : f32 to vector<16xf32>
        %parallel_loop3A_341 = arith.maximumf %parallel_loop3A_338, %parallel_loop3A_340 : vector<16xf32>
        %parallel_loop3A_342 = arith.index_cast %parallel_loop3A_225 : i32 to index
        %parallel_loop3A_343 = arith.constant 96 : index
        %parallel_loop3A_344 = tpu.vector_load %arg16[%parallel_loop3A_342, %parallel_loop3A_343] {strides = array<i32>} : memref<40x128xf32, #tpu.memory_space<vmem>>, vector<16xf32>,
        tpu.vector_store %arg16[%parallel_loop3A_342, %parallel_loop3A_343], %parallel_loop3A_341 {strides = array<i32>} : memref<40x128xf32, #tpu.memory_space<vmem>>, vector<16xf32>,
        %parallel_loop3A_345 = arith.index_cast %parallel_loop3A_225 : i32 to index
        %parallel_loop3A_346 = arith.constant 112 : index
        %parallel_loop3A_347 = tpu.vector_load %arg16[%parallel_loop3A_345, %parallel_loop3A_346] {strides = array<i32>} : memref<40x128xf32, #tpu.memory_space<vmem>>, vector<16xf32>,
        %parallel_loop3A_348 = arith.index_cast %parallel_loop3A_225 : i32 to index
        %parallel_loop3A_349 = arith.constant 112 : index
        %parallel_loop3A_350 = tpu.vector_load %arg17[%parallel_loop3A_348, %parallel_loop3A_349] {strides = array<i32>} : memref<40x128xf32, #tpu.memory_space<vmem>>, vector<16xf32>,
        %parallel_loop3A_351 = arith.addf %parallel_loop3A_347, %parallel_loop3A_350 : vector<16xf32>
        %parallel_loop3A_352 = arith.index_cast %parallel_loop3A_225 : i32 to index
        %parallel_loop3A_353 = arith.constant 112 : index
        %parallel_loop3A_354 = tpu.vector_load %arg18[%parallel_loop3A_352, %parallel_loop3A_353] {strides = array<i32>} : memref<40x128xf32, #tpu.memory_space<vmem>>, vector<16xf32>,
        %parallel_loop3A_355 = arith.addf %parallel_loop3A_351, %parallel_loop3A_354 : vector<16xf32>
        %parallel_loop3A_356 = arith.constant 0.000000e+00 : f32
        %parallel_loop3A_357 = vector.broadcast %parallel_loop3A_356 : f32 to vector<16xf32>
        %parallel_loop3A_358 = arith.maximumf %parallel_loop3A_355, %parallel_loop3A_357 : vector<16xf32>
        %parallel_loop3A_359 = arith.index_cast %parallel_loop3A_225 : i32 to index
        %parallel_loop3A_360 = arith.constant 112 : index
        %parallel_loop3A_361 = tpu.vector_load %arg16[%parallel_loop3A_359, %parallel_loop3A_360] {strides = array<i32>} : memref<40x128xf32, #tpu.memory_space<vmem>>, vector<16xf32>,
        tpu.vector_store %arg16[%parallel_loop3A_359, %parallel_loop3A_360], %parallel_loop3A_358 {strides = array<i32>} : memref<40x128xf32, #tpu.memory_space<vmem>>, vector<16xf32>,
      } {sc.loop_unroll_factor = 4 : i64, sc.parallel_access}
      "tpu.region"() ({
        %run_scoped3A = tpu.sem_alloc : memref<!tpu.dma_semaphore, #tpu.memory_space<semaphore_mem>>
        %dma_start3A_225 = arith.constant 0 : i32
        %dma_start3A_226 = arith.constant 0 : i32
        %dma_start3A_227 = tpu.memref_slice %arg20[%dma_start3A_225, %dma_start3A_226] : memref<10240x128xf32, #tpu.memory_space<vmem_shared>> -> memref<10240x128xf32, #tpu.memory_space<vmem_shared>>
        tpu.enqueue_indirect_dma source(%arg16 : memref<40x128xf32, #tpu.memory_space<vmem>>) target(%dma_start3A_227 : memref<10240x128xf32, #tpu.memory_space<vmem_shared>>) offsets(%arg11 : memref<40xi32, #tpu.memory_space<vmem>>) semaphore(%run_scoped3A : memref<!tpu.dma_semaphore, #tpu.memory_space<semaphore_mem>>) {add = true}
        %dma_wait3A_228 = arith.constant 0 : i32
        %dma_wait3A_229 = arith.constant 0 : i32
        %dma_wait3A_230 = tpu.memref_slice %arg20[%dma_wait3A_228, %dma_wait3A_229] : memref<10240x128xf32, #tpu.memory_space<vmem_shared>> -> memref<10240x128xf32, #tpu.memory_space<vmem_shared>>
        tpu.wait_indirect_dma semaphore(%run_scoped3A : memref<!tpu.dma_semaphore, #tpu.memory_space<semaphore_mem>>) src(%arg16 : memref<40x128xf32, #tpu.memory_space<vmem>>) dst(%dma_wait3A_230 : memref<10240x128xf32, #tpu.memory_space<vmem_shared>>)
        tpu.yield
      }) : () -> ()
      %lt3A_219 = arith.constant 124 : i32
      %lt3A_220 = arith.cmpi slt, %scan3A_113, %lt3A_219 : i32
      %convert_element_type3A_221 = arith.extui %lt3A_220 : i1 to i32
      %cond3A_222 = arith.constant 0 : i32
      %cond3A_223 = arith.cmpi ne, %convert_element_type3A_221, %cond3A_222 : i32
      scf.if %cond3A_223 {
        %mul3A_225 = arith.constant 2 : i32
        %mul3A_226 = arith.muli %mul3A_225, %scan3A_113 : i32
        %add3A_227 = arith.constant 3 : i32
        %add3A_228 = arith.addi %mul3A_226, %add3A_227 : i32
        %mul3A_229 = arith.constant 40 : i32
        %mul3A_230 = arith.muli %add3A_228, %mul3A_229 : i32
        %add3A_231 = arith.addi %mul3A_2, %mul3A_230 : i32
        %dma_start3A_232 = tpu.memref_slice %arg2[%add3A_231] : memref<320000xi32, #tpu.memory_space<hbm>> -> memref<40xi32, #tpu.memory_space<hbm>>
        %dma_start3A_233 = tpu.memref_slice %arg2[%add3A_231] : memref<320000xi32, #tpu.memory_space<hbm>> -> memref<40xi32, #tpu.memory_space<hbm>>
        tpu.enqueue_dma source(%dma_start3A_233 : memref<40xi32, #tpu.memory_space<hbm>>) target(%arg11 : memref<40xi32, #tpu.memory_space<vmem>>) target_semaphore(%arg28 : memref<!tpu.dma_semaphore, #tpu.memory_space<semaphore_mem>>)
        %dma_start3A_234 = tpu.memref_slice %arg3[%add3A_231] : memref<320000xi32, #tpu.memory_space<hbm>> -> memref<40xi32, #tpu.memory_space<hbm>>
        %dma_start3A_235 = tpu.memref_slice %arg3[%add3A_231] : memref<320000xi32, #tpu.memory_space<hbm>> -> memref<40xi32, #tpu.memory_space<hbm>>
        tpu.enqueue_dma source(%dma_start3A_235 : memref<40xi32, #tpu.memory_space<hbm>>) target(%arg12 : memref<40xi32, #tpu.memory_space<vmem>>) target_semaphore(%arg28 : memref<!tpu.dma_semaphore, #tpu.memory_space<semaphore_mem>>)
      } else {
      }
      %scan3A_224 = arith.constant 0 : i32
      scf.yield %scan3A_224 : i32
    }
    %scan3A_109 = arith.constant 125 : i32
    %barrier3A_110 = arith.constant 0 : index
    tpu.barrier barrier_id(%barrier3A_110)
    %mul3A_111 = arith.constant 640 : i32
    %mul3A_112 = arith.muli %arg1, %mul3A_111 : i32
    "tpu.region"() ({
      %run_scoped3A = tpu.sem_alloc : memref<!tpu.dma_semaphore, #tpu.memory_space<semaphore_mem>>
      %dma_start3A_113 = arith.constant 0 : i32
      %dma_start3A_114 = tpu.memref_slice %arg7[%arg0, %mul3A_112, %dma_start3A_113] : memref<2x10240x128xf32, #tpu.memory_space<hbm>> -> memref<1x640x128xf32, #tpu.memory_space<hbm>>
      %dma_start3A_115 = tpu.memref_squeeze %dma_start3A_114 : memref<1x640x128xf32, #tpu.memory_space<hbm>> -> memref<640x128xf32, #tpu.memory_space<hbm>>
      %dma_start3A_116 = arith.constant 0 : i32
      %dma_start3A_117 = tpu.memref_slice %arg20[%mul3A_112, %dma_start3A_116] : memref<10240x128xf32, #tpu.memory_space<vmem_shared>> -> memref<640x128xf32, #tpu.memory_space<vmem_shared>>
      tpu.enqueue_dma source(%dma_start3A_117 : memref<640x128xf32, #tpu.memory_space<vmem_shared>>) target(%dma_start3A_115 : memref<640x128xf32, #tpu.memory_space<hbm>>) target_semaphore(%run_scoped3A : memref<!tpu.dma_semaphore, #tpu.memory_space<semaphore_mem>>)
      %dma_wait3A = arith.constant 0 : i32
      %dma_wait3A_118 = tpu.memref_slice %arg7[%arg0, %mul3A_112, %dma_wait3A] : memref<2x10240x128xf32, #tpu.memory_space<hbm>> -> memref<1x640x128xf32, #tpu.memory_space<hbm>>
      %dma_wait3A_119 = tpu.memref_squeeze %dma_wait3A_118 : memref<1x640x128xf32, #tpu.memory_space<hbm>> -> memref<640x128xf32, #tpu.memory_space<hbm>>
      %dma_wait3A_120 = arith.constant 0 : i32
      %dma_wait3A_121 = tpu.memref_slice %arg20[%mul3A_112, %dma_wait3A_120] : memref<10240x128xf32, #tpu.memory_space<vmem_shared>> -> memref<640x128xf32, #tpu.memory_space<vmem_shared>>
      tpu.wait_dma2 semaphore(%run_scoped3A : memref<!tpu.dma_semaphore, #tpu.memory_space<semaphore_mem>>) src(%dma_wait3A_121 : memref<640x128xf32, #tpu.memory_space<vmem_shared>>) dst(%dma_wait3A_119 : memref<640x128xf32, #tpu.memory_space<hbm>>)
      tpu.yield
    }) : () -> ()
    "tpu.region"() ({
      %run_scoped3A = tpu.sem_alloc : memref<!tpu.dma_semaphore, #tpu.memory_space<semaphore_mem>>
      %dma_start3A_113 = arith.constant 0 : i32
      %dma_start3A_114 = tpu.memref_slice %arg8[%add3A, %dma_start3A_113] : memref<32x10240xf32, #tpu.memory_space<hbm>> -> memref<1x10240xf32, #tpu.memory_space<hbm>>
      %dma_start3A_115 = tpu.memref_squeeze %dma_start3A_114 : memref<1x10240xf32, #tpu.memory_space<hbm>> -> memref<10240xf32, #tpu.memory_space<hbm>>
      %dma_start3A_116 = arith.constant 0 : i32
      %dma_start3A_117 = tpu.memref_slice %arg8[%add3A, %dma_start3A_116] : memref<32x10240xf32, #tpu.memory_space<hbm>> -> memref<1x10240xf32, #tpu.memory_space<hbm>>
      %dma_start3A_118 = tpu.memref_squeeze %dma_start3A_117 : memref<1x10240xf32, #tpu.memory_space<hbm>> -> memref<10240xf32, #tpu.memory_space<hbm>>
      tpu.enqueue_dma source(%arg19 : memref<10240xf32, #tpu.memory_space<vmem>>) target(%dma_start3A_118 : memref<10240xf32, #tpu.memory_space<hbm>>) target_semaphore(%run_scoped3A : memref<!tpu.dma_semaphore, #tpu.memory_space<semaphore_mem>>)
      %dma_wait3A = arith.constant 0 : i32
      %dma_wait3A_119 = tpu.memref_slice %arg8[%add3A, %dma_wait3A] : memref<32x10240xf32, #tpu.memory_space<hbm>> -> memref<1x10240xf32, #tpu.memory_space<hbm>>
      %dma_wait3A_120 = tpu.memref_squeeze %dma_wait3A_119 : memref<1x10240xf32, #tpu.memory_space<hbm>> -> memref<10240xf32, #tpu.memory_space<hbm>>
      %dma_wait3A_121 = arith.constant 0 : i32
      %dma_wait3A_122 = tpu.memref_slice %arg8[%add3A, %dma_wait3A_121] : memref<32x10240xf32, #tpu.memory_space<hbm>> -> memref<1x10240xf32, #tpu.memory_space<hbm>>
      %dma_wait3A_123 = tpu.memref_squeeze %dma_wait3A_122 : memref<1x10240xf32, #tpu.memory_space<hbm>> -> memref<10240xf32, #tpu.memory_space<hbm>>
      tpu.wait_dma2 semaphore(%run_scoped3A : memref<!tpu.dma_semaphore, #tpu.memory_space<semaphore_mem>>) src(%arg19 : memref<10240xf32, #tpu.memory_space<vmem>>) dst(%dma_wait3A_123 : memref<10240xf32, #tpu.memory_space<hbm>>)
      tpu.yield
    }) : () -> ()
    return
  }
}

module attributes {stable_mosaic.version = 14 : i64} {
  func.func @_pqr_body(%arg0: i32, %arg1: memref<10000x16xf32, #tpu.memory_space<vmem>>, %arg2: memref<16x128xf32, #tpu.memory_space<vmem>>, %arg3: memref<1x128xf32, #tpu.memory_space<vmem>>, %arg4: memref<10000x128xf32, #tpu.memory_space<vmem>>, %arg5: memref<128x128xf32, #tpu.memory_space<vmem>>, %arg6: memref<128x128xf32, #tpu.memory_space<vmem>>, %arg7: memref<10000x128xf32, #tpu.memory_space<vmem>>, %arg8: memref<10000x128xf32, #tpu.memory_space<vmem>>, %arg9: memref<10000x128xf32, #tpu.memory_space<vmem>>) attributes {dimension_semantics = [#tpu.dimension_semantics<arbitrary>], iteration_bounds = array<i64: 32>, scalar_prefetch = 0 : i64, scratch_operands = 0 : i64, tpu.core_type = #tpu.core_type<tc>, window_params = [{transform_indices = @transform_0, window_bounds = array<i64: 10000, 16>}, {pipeline_mode = #tpu.pipeline_mode<synchronous>, transform_indices = @transform_1, window_bounds = array<i64: 16, 128>}, {pipeline_mode = #tpu.pipeline_mode<synchronous>, transform_indices = @transform_2, window_bounds = array<i64: 1, 128>}, {pipeline_mode = #tpu.pipeline_mode<synchronous>, transform_indices = @transform_3, window_bounds = array<i64: 10000, 128>}, {pipeline_mode = #tpu.pipeline_mode<synchronous>, transform_indices = @transform_4, window_bounds = array<i64: 128, 128>}, {pipeline_mode = #tpu.pipeline_mode<synchronous>, transform_indices = @transform_5, window_bounds = array<i64: 128, 128>}, {transform_indices = @transform_6, window_bounds = array<i64: 10000, 128>}, {pipeline_mode = #tpu.pipeline_mode<synchronous>, transform_indices = @transform_7, window_bounds = array<i64: 10000, 128>}, {pipeline_mode = #tpu.pipeline_mode<synchronous>, transform_indices = @transform_8, window_bounds = array<i64: 10000, 128>}]} {
    %get3A = arith.constant 0 : index
    %get3A_0 = arith.constant 0 : index
    %get3A_1 = vector.load %arg1[%get3A, %get3A_0] : memref<10000x16xf32, #tpu.memory_space<vmem>>, vector<10000x16xf32>
    %get3A_2 = arith.constant 0 : index
    %get3A_3 = arith.constant 0 : index
    %get3A_4 = vector.load %arg2[%get3A_2, %get3A_3] : memref<16x128xf32, #tpu.memory_space<vmem>>, vector<16x128xf32>
    %dot_general3A = arith.constant dense<0.000000e+00> : vector<10000x128xf32>
    %dot_general3A_5 = tpu.matmul %get3A_1, %get3A_4, %dot_general3A {dimension_numbers = #tpu.dot_dimension_numbers<[1], [0], [0], [1], [0, 0, 1, 1], [], []>, transpose_lhs_hint = false} : vector<10000x16xf32>, vector<16x128xf32>, vector<10000x128xf32> -> vector<10000x128xf32>
    %get3A_6 = arith.constant 0 : index
    %get3A_7 = arith.constant 0 : index
    %get3A_8 = vector.load %arg3[%get3A_6, %get3A_7] : memref<1x128xf32, #tpu.memory_space<vmem>>, vector<1x128xf32>
    %add3A = vector.broadcast %get3A_8 : vector<1x128xf32> to vector<10000x128xf32>
    %add3A_9 = arith.addf %dot_general3A_5, %add3A : vector<10000x128xf32>
    %swap3A = arith.constant 0 : index
    %swap3A_10 = arith.constant 0 : index
    %swap3A_11 = vector.load %arg7[%swap3A, %swap3A_10] : memref<10000x128xf32, #tpu.memory_space<vmem>>, vector<10000x128xf32>
    tpu.vector_store %arg7[%swap3A, %swap3A_10], %add3A_9 {strides = array<i32>} : memref<10000x128xf32, #tpu.memory_space<vmem>>, vector<10000x128xf32>,
    %eq3A = arith.constant 0 : i32
    %eq3A_12 = arith.cmpi eq, %arg0, %eq3A : i32
    %convert_element_type3A = arith.extui %eq3A_12 : i1 to i32
    %cond3A = arith.constant 0 : i32
    %cond3A_13 = arith.cmpi ne, %convert_element_type3A, %cond3A : i32
    scf.if %cond3A_13 {
      %get3A_14 = arith.constant 0 : index
      %get3A_15 = arith.constant 0 : index
      %get3A_16 = vector.load %arg4[%get3A_14, %get3A_15] : memref<10000x128xf32, #tpu.memory_space<vmem>>, vector<10000x128xf32>
      %get3A_17 = arith.constant 0 : index
      %get3A_18 = arith.constant 0 : index
      %get3A_19 = vector.load %arg5[%get3A_17, %get3A_18] : memref<128x128xf32, #tpu.memory_space<vmem>>, vector<128x128xf32>
      %dot_general3A_20 = arith.constant dense<0.000000e+00> : vector<10000x128xf32>
      %dot_general3A_21 = tpu.matmul %get3A_16, %get3A_19, %dot_general3A_20 {dimension_numbers = #tpu.dot_dimension_numbers<[1], [0], [0], [1], [0, 0, 1, 1], [], []>, transpose_lhs_hint = false} : vector<10000x128xf32>, vector<128x128xf32>, vector<10000x128xf32> -> vector<10000x128xf32>
      %swap3A_22 = arith.constant 0 : index
      %swap3A_23 = arith.constant 0 : index
      %swap3A_24 = vector.load %arg8[%swap3A_22, %swap3A_23] : memref<10000x128xf32, #tpu.memory_space<vmem>>, vector<10000x128xf32>
      tpu.vector_store %arg8[%swap3A_22, %swap3A_23], %dot_general3A_21 {strides = array<i32>} : memref<10000x128xf32, #tpu.memory_space<vmem>>, vector<10000x128xf32>,
      %get3A_25 = arith.constant 0 : index
      %get3A_26 = arith.constant 0 : index
      %get3A_27 = vector.load %arg6[%get3A_25, %get3A_26] : memref<128x128xf32, #tpu.memory_space<vmem>>, vector<128x128xf32>
      %dot_general3A_28 = arith.constant dense<0.000000e+00> : vector<10000x128xf32>
      %dot_general3A_29 = tpu.matmul %get3A_16, %get3A_27, %dot_general3A_28 {dimension_numbers = #tpu.dot_dimension_numbers<[1], [0], [0], [1], [0, 0, 1, 1], [], []>, transpose_lhs_hint = false} : vector<10000x128xf32>, vector<128x128xf32>, vector<10000x128xf32> -> vector<10000x128xf32>
      %swap3A_30 = arith.constant 0 : index
      %swap3A_31 = arith.constant 0 : index
      %swap3A_32 = vector.load %arg9[%swap3A_30, %swap3A_31] : memref<10000x128xf32, #tpu.memory_space<vmem>>, vector<10000x128xf32>
      tpu.vector_store %arg9[%swap3A_30, %swap3A_31], %dot_general3A_29 {strides = array<i32>} : memref<10000x128xf32, #tpu.memory_space<vmem>>, vector<10000x128xf32>,
    } else {
    }
    return
  }
  func.func @transform_0(%arg0: i32) -> (i32, i32) {
    %c0_i32 = arith.constant 0 : i32
    %c0_i32_0 = arith.constant 0 : i32
    return %arg0, %c0_i32 : i32, i32
  }
  func.func @transform_1(%arg0: i32) -> (i32, i32) {
    %c0_i32 = arith.constant 0 : i32
    %c0_i32_0 = arith.constant 0 : i32
    %c0_i32_1 = arith.constant 0 : i32
    return %c0_i32, %c0_i32_0 : i32, i32
  }
  func.func @transform_2(%arg0: i32) -> (i32, i32) {
    %c0_i32 = arith.constant 0 : i32
    %c0_i32_0 = arith.constant 0 : i32
    %c0_i32_1 = arith.constant 0 : i32
    return %c0_i32, %c0_i32_0 : i32, i32
  }
  func.func @transform_3(%arg0: i32) -> (i32, i32) {
    %c0_i32 = arith.constant 0 : i32
    %c0_i32_0 = arith.constant 0 : i32
    %c0_i32_1 = arith.constant 0 : i32
    return %c0_i32, %c0_i32_0 : i32, i32
  }
  func.func @transform_4(%arg0: i32) -> (i32, i32) {
    %c0_i32 = arith.constant 0 : i32
    %c0_i32_0 = arith.constant 0 : i32
    %c0_i32_1 = arith.constant 0 : i32
    return %c0_i32, %c0_i32_0 : i32, i32
  }
  func.func @transform_5(%arg0: i32) -> (i32, i32) {
    %c0_i32 = arith.constant 0 : i32
    %c0_i32_0 = arith.constant 0 : i32
    %c0_i32_1 = arith.constant 0 : i32
    return %c0_i32, %c0_i32_0 : i32, i32
  }
  func.func @transform_6(%arg0: i32) -> (i32, i32) {
    %c0_i32 = arith.constant 0 : i32
    %c0_i32_0 = arith.constant 0 : i32
    return %arg0, %c0_i32 : i32, i32
  }
  func.func @transform_7(%arg0: i32) -> (i32, i32) {
    %c0_i32 = arith.constant 0 : i32
    %c0_i32_0 = arith.constant 0 : i32
    %c0_i32_1 = arith.constant 0 : i32
    return %c0_i32, %c0_i32_0 : i32, i32
  }
  func.func @transform_8(%arg0: i32) -> (i32, i32) {
    %c0_i32 = arith.constant 0 : i32
    %c0_i32_0 = arith.constant 0 : i32
    %c0_i32_1 = arith.constant 0 : i32
    return %c0_i32, %c0_i32_0 : i32, i32
  }
}

module attributes {stable_mosaic.version = 14 : i64} {
  func.func @_gru_body(%arg0: i32, %arg1: memref<1x1280x128xf32, #tpu.memory_space<vmem>>, %arg2: memref<1x1280x128xf32, #tpu.memory_space<vmem>>, %arg3: memref<32x1280xf32, #tpu.memory_space<vmem>>, %arg4: memref<1280x128xf32, #tpu.memory_space<vmem>>, %arg5: memref<128x128xf32, #tpu.memory_space<vmem>>, %arg6: memref<1x128xf32, #tpu.memory_space<vmem>>, %arg7: memref<384x128xf32, #tpu.memory_space<vmem>>, %arg8: memref<384x128xf32, #tpu.memory_space<vmem>>, %arg9: memref<1x384xf32, #tpu.memory_space<vmem>>, %arg10: memref<1x384xf32, #tpu.memory_space<vmem>>, %arg11: memref<1280x128xf32, #tpu.memory_space<vmem>>) attributes {dimension_semantics = [#tpu.dimension_semantics<arbitrary>], iteration_bounds = array<i64: 8>, scalar_prefetch = 0 : i64, scratch_operands = 0 : i64, tpu.core_type = #tpu.core_type<tc>, window_params = [{transform_indices = @transform_0, window_bounds = array<i64: 1, 1280, 128>}, {transform_indices = @transform_1, window_bounds = array<i64: 1, 1280, 128>}, {transform_indices = @transform_2, window_bounds = array<i64: 32, 1280>}, {transform_indices = @transform_3, window_bounds = array<i64: 1280, 128>}, {pipeline_mode = #tpu.pipeline_mode<synchronous>, transform_indices = @transform_4, window_bounds = array<i64: 128, 128>}, {pipeline_mode = #tpu.pipeline_mode<synchronous>, transform_indices = @transform_5, window_bounds = array<i64: 1, 128>}, {pipeline_mode = #tpu.pipeline_mode<synchronous>, transform_indices = @transform_6, window_bounds = array<i64: 384, 128>}, {pipeline_mode = #tpu.pipeline_mode<synchronous>, transform_indices = @transform_7, window_bounds = array<i64: 384, 128>}, {pipeline_mode = #tpu.pipeline_mode<synchronous>, transform_indices = @transform_8, window_bounds = array<i64: 1, 384>}, {pipeline_mode = #tpu.pipeline_mode<synchronous>, transform_indices = @transform_9, window_bounds = array<i64: 1, 384>}, {transform_indices = @transform_10, window_bounds = array<i64: 1280, 128>}]} {
    %get3A = arith.constant 0 : index
    %get3A_0 = arith.constant 0 : index
    %get3A_1 = arith.constant 0 : index
    %get3A_2 = vector.load %arg1[%get3A, %get3A_0, %get3A_1] : memref<1x1280x128xf32, #tpu.memory_space<vmem>>, vector<1x1280x128xf32>
    %get3A_3 = vector.shape_cast %get3A_2 : vector<1x1280x128xf32> to vector<1280x128xf32>
    %get3A_4 = arith.constant 0 : index
    %get3A_5 = arith.constant 0 : index
    %get3A_6 = arith.constant 0 : index
    %get3A_7 = vector.load %arg2[%get3A_4, %get3A_5, %get3A_6] : memref<1x1280x128xf32, #tpu.memory_space<vmem>>, vector<1x1280x128xf32>
    %get3A_8 = vector.shape_cast %get3A_7 : vector<1x1280x128xf32> to vector<1280x128xf32>
    %add3A = arith.addf %get3A_3, %get3A_8 : vector<1280x128xf32>
    %broadcast_in_dim3A = arith.constant 1.000000e+00 : f32
    %broadcast_in_dim3A_9 = vector.broadcast %broadcast_in_dim3A : f32 to vector<32x1xf32>
    %get3A_10 = arith.constant 0 : index
    %get3A_11 = arith.constant 0 : index
    %get3A_12 = vector.load %arg3[%get3A_10, %get3A_11] : memref<32x1280xf32, #tpu.memory_space<vmem>>, vector<32x1280xf32>
    %dot_general3A = arith.constant dense<0.000000e+00> : vector<1280x1xf32>
    %dot_general3A_13 = tpu.matmul %get3A_12, %broadcast_in_dim3A_9, %dot_general3A {dimension_numbers = #tpu.dot_dimension_numbers<[0], [0], [1], [1], [0, 1, 1, 1], [], []>, transpose_lhs_hint = false} : vector<32x1280xf32>, vector<32x1xf32>, vector<1280x1xf32> -> vector<1280x1xf32>
    %get3A_14 = arith.constant 0 : index
    %get3A_15 = arith.constant 0 : index
    %get3A_16 = vector.load %arg5[%get3A_14, %get3A_15] : memref<128x128xf32, #tpu.memory_space<vmem>>, vector<128x128xf32>
    %dot_general3A_17 = arith.constant dense<0.000000e+00> : vector<1280x128xf32>
    %dot_general3A_18 = tpu.matmul %add3A, %get3A_16, %dot_general3A_17 {dimension_numbers = #tpu.dot_dimension_numbers<[1], [0], [0], [1], [0, 0, 1, 1], [], []>, transpose_lhs_hint = false} : vector<1280x128xf32>, vector<128x128xf32>, vector<1280x128xf32> -> vector<1280x128xf32>
    %get3A_19 = arith.constant 0 : index
    %get3A_20 = arith.constant 0 : index
    %get3A_21 = vector.load %arg6[%get3A_19, %get3A_20] : memref<1x128xf32, #tpu.memory_space<vmem>>, vector<1x128xf32>
    %mul3A = vector.broadcast %dot_general3A_13 : vector<1280x1xf32> to vector<1280x128xf32>
    %mul3A_22 = vector.broadcast %get3A_21 : vector<1x128xf32> to vector<1280x128xf32>
    %mul3A_23 = arith.mulf %mul3A, %mul3A_22 : vector<1280x128xf32>
    %add3A_24 = arith.addf %dot_general3A_18, %mul3A_23 : vector<1280x128xf32>
    %get3A_25 = arith.constant 0 : index
    %get3A_26 = arith.constant 0 : index
    %get3A_27 = vector.load %arg7[%get3A_25, %get3A_26] : memref<384x128xf32, #tpu.memory_space<vmem>>, vector<384x128xf32>
    %dot_general3A_28 = arith.constant dense<0.000000e+00> : vector<1280x384xf32>
    %dot_general3A_29 = tpu.matmul %add3A_24, %get3A_27, %dot_general3A_28 {dimension_numbers = #tpu.dot_dimension_numbers<[1], [1], [0], [0], [0, 0, 1, 0], [], []>, transpose_lhs_hint = false} : vector<1280x128xf32>, vector<384x128xf32>, vector<1280x384xf32> -> vector<1280x384xf32>
    %get3A_30 = arith.constant 0 : index
    %get3A_31 = arith.constant 0 : index
    %get3A_32 = vector.load %arg9[%get3A_30, %get3A_31] : memref<1x384xf32, #tpu.memory_space<vmem>>, vector<1x384xf32>
    %add3A_33 = vector.broadcast %get3A_32 : vector<1x384xf32> to vector<1280x384xf32>
    %add3A_34 = arith.addf %dot_general3A_29, %add3A_33 : vector<1280x384xf32>
    %get3A_35 = arith.constant 0 : index
    %get3A_36 = arith.constant 0 : index
    %get3A_37 = vector.load %arg4[%get3A_35, %get3A_36] : memref<1280x128xf32, #tpu.memory_space<vmem>>, vector<1280x128xf32>
    %get3A_38 = arith.constant 0 : index
    %get3A_39 = arith.constant 0 : index
    %get3A_40 = vector.load %arg8[%get3A_38, %get3A_39] : memref<384x128xf32, #tpu.memory_space<vmem>>, vector<384x128xf32>
    %dot_general3A_41 = arith.constant dense<0.000000e+00> : vector<1280x384xf32>
    %dot_general3A_42 = tpu.matmul %get3A_37, %get3A_40, %dot_general3A_41 {dimension_numbers = #tpu.dot_dimension_numbers<[1], [1], [0], [0], [0, 0, 1, 0], [], []>, transpose_lhs_hint = false} : vector<1280x128xf32>, vector<384x128xf32>, vector<1280x384xf32> -> vector<1280x384xf32>
    %get3A_43 = arith.constant 0 : index
    %get3A_44 = arith.constant 0 : index
    %get3A_45 = vector.load %arg10[%get3A_43, %get3A_44] : memref<1x384xf32, #tpu.memory_space<vmem>>, vector<1x384xf32>
    %add3A_46 = vector.broadcast %get3A_45 : vector<1x384xf32> to vector<1280x384xf32>
    %add3A_47 = arith.addf %dot_general3A_42, %add3A_46 : vector<1280x384xf32>
    %slice3A = vector.extract_strided_slice %add3A_34 {offsets = [0, 0], sizes = [1280, 128], strides = [1, 1]} : vector<1280x384xf32> to vector<1280x128xf32>
    %slice3A_48 = vector.extract_strided_slice %add3A_47 {offsets = [0, 0], sizes = [1280, 128], strides = [1, 1]} : vector<1280x384xf32> to vector<1280x128xf32>
    %add3A_49 = arith.addf %slice3A, %slice3A_48 : vector<1280x128xf32>
    %logistic3A = arith.negf %add3A_49 : vector<1280x128xf32>
    %logistic3A_50 = math.exp %logistic3A : vector<1280x128xf32>
    %logistic3A_51 = arith.constant 1.000000e+00 : f32
    %logistic3A_52 = vector.broadcast %logistic3A_51 : f32 to vector<1280x128xf32>
    %logistic3A_53 = arith.addf %logistic3A_52, %logistic3A_50 : vector<1280x128xf32>
    %logistic3A_54 = arith.divf %logistic3A_52, %logistic3A_53 : vector<1280x128xf32>
    %slice3A_55 = vector.extract_strided_slice %add3A_34 {offsets = [0, 128], sizes = [1280, 128], strides = [1, 1]} : vector<1280x384xf32> to vector<1280x128xf32>
    %slice3A_56 = vector.extract_strided_slice %add3A_47 {offsets = [0, 128], sizes = [1280, 128], strides = [1, 1]} : vector<1280x384xf32> to vector<1280x128xf32>
    %add3A_57 = arith.addf %slice3A_55, %slice3A_56 : vector<1280x128xf32>
    %logistic3A_58 = arith.negf %add3A_57 : vector<1280x128xf32>
    %logistic3A_59 = math.exp %logistic3A_58 : vector<1280x128xf32>
    %logistic3A_60 = arith.constant 1.000000e+00 : f32
    %logistic3A_61 = vector.broadcast %logistic3A_60 : f32 to vector<1280x128xf32>
    %logistic3A_62 = arith.addf %logistic3A_61, %logistic3A_59 : vector<1280x128xf32>
    %logistic3A_63 = arith.divf %logistic3A_61, %logistic3A_62 : vector<1280x128xf32>
    %slice3A_64 = vector.extract_strided_slice %add3A_34 {offsets = [0, 256], sizes = [1280, 128], strides = [1, 1]} : vector<1280x384xf32> to vector<1280x128xf32>
    %slice3A_65 = vector.extract_strided_slice %add3A_47 {offsets = [0, 256], sizes = [1280, 128], strides = [1, 1]} : vector<1280x384xf32> to vector<1280x128xf32>
    %mul3A_66 = arith.mulf %logistic3A_54, %slice3A_65 : vector<1280x128xf32>
    %add3A_67 = arith.addf %slice3A_64, %mul3A_66 : vector<1280x128xf32>
    %tanh3A = math.tanh %add3A_67 : vector<1280x128xf32>
    %sub3A = arith.constant 1.000000e+00 : f32
    %sub3A_68 = vector.broadcast %sub3A : f32 to vector<1280x128xf32>
    %sub3A_69 = arith.subf %sub3A_68, %logistic3A_63 : vector<1280x128xf32>
    %mul3A_70 = arith.mulf %sub3A_69, %tanh3A : vector<1280x128xf32>
    %mul3A_71 = arith.mulf %logistic3A_63, %get3A_37 : vector<1280x128xf32>
    %add3A_72 = arith.addf %mul3A_70, %mul3A_71 : vector<1280x128xf32>
    %swap3A = arith.constant 0 : index
    %swap3A_73 = arith.constant 0 : index
    %swap3A_74 = vector.load %arg11[%swap3A, %swap3A_73] : memref<1280x128xf32, #tpu.memory_space<vmem>>, vector<1280x128xf32>
    tpu.vector_store %arg11[%swap3A, %swap3A_73], %add3A_72 {strides = array<i32>} : memref<1280x128xf32, #tpu.memory_space<vmem>>, vector<1280x128xf32>,
    return
  }
  func.func @transform_0(%arg0: i32) -> (i32, i32, i32) {
    %c0_i32 = arith.constant 0 : i32
    %c0_i32_0 = arith.constant 0 : i32
    %c0_i32_1 = arith.constant 0 : i32
    return %c0_i32, %arg0, %c0_i32_0 : i32, i32, i32
  }
  func.func @transform_1(%arg0: i32) -> (i32, i32, i32) {
    %c1_i32 = arith.constant 1 : i32
    %c0_i32 = arith.constant 0 : i32
    %c0_i32_0 = arith.constant 0 : i32
    return %c1_i32, %arg0, %c0_i32 : i32, i32, i32
  }
  func.func @transform_2(%arg0: i32) -> (i32, i32) {
    %c0_i32 = arith.constant 0 : i32
    %c0_i32_0 = arith.constant 0 : i32
    return %c0_i32, %arg0 : i32, i32
  }
  func.func @transform_3(%arg0: i32) -> (i32, i32) {
    %c0_i32 = arith.constant 0 : i32
    %c0_i32_0 = arith.constant 0 : i32
    return %arg0, %c0_i32 : i32, i32
  }
  func.func @transform_4(%arg0: i32) -> (i32, i32) {
    %c0_i32 = arith.constant 0 : i32
    %c0_i32_0 = arith.constant 0 : i32
    %c0_i32_1 = arith.constant 0 : i32
    return %c0_i32, %c0_i32_0 : i32, i32
  }
  func.func @transform_5(%arg0: i32) -> (i32, i32) {
    %c0_i32 = arith.constant 0 : i32
    %c0_i32_0 = arith.constant 0 : i32
    %c0_i32_1 = arith.constant 0 : i32
    return %c0_i32, %c0_i32_0 : i32, i32
  }
  func.func @transform_6(%arg0: i32) -> (i32, i32) {
    %c0_i32 = arith.constant 0 : i32
    %c0_i32_0 = arith.constant 0 : i32
    %c0_i32_1 = arith.constant 0 : i32
    return %c0_i32, %c0_i32_0 : i32, i32
  }
  func.func @transform_7(%arg0: i32) -> (i32, i32) {
    %c0_i32 = arith.constant 0 : i32
    %c0_i32_0 = arith.constant 0 : i32
    %c0_i32_1 = arith.constant 0 : i32
    return %c0_i32, %c0_i32_0 : i32, i32
  }
  func.func @transform_8(%arg0: i32) -> (i32, i32) {
    %c0_i32 = arith.constant 0 : i32
    %c0_i32_0 = arith.constant 0 : i32
    %c0_i32_1 = arith.constant 0 : i32
    return %c0_i32, %c0_i32_0 : i32, i32
  }
  func.func @transform_9(%arg0: i32) -> (i32, i32) {
    %c0_i32 = arith.constant 0 : i32
    %c0_i32_0 = arith.constant 0 : i32
    %c0_i32_1 = arith.constant 0 : i32
    return %c0_i32, %c0_i32_0 : i32, i32
  }
  func.func @transform_10(%arg0: i32) -> (i32, i32) {
    %c0_i32 = arith.constant 0 : i32
    %c0_i32_0 = arith.constant 0 : i32
    return %arg0, %c0_i32 : i32, i32
  }
}

</mosaic_0001>

<sc_bundles>
// kernel: kernel.5.cloned.1.call-start
scs
__scs_entry_jumppad:
0x0: {  	(pc) =	sbr.rel $0x88, $3  }
0x1: {  	(tag) =	ssettag $0x0;
	lr =	simm.s32 $0x1  }
0x2: {  	[smem:$0x3F96] =	sst lr;
	_ =	strace $0xD0000000  }
0x3: {  	_ = 	snop  }
0x4: {  	_ = 	snop  }
0x5: {  	_ = 	snop  }
0x6: {  	_ = 	snop  }
0x7: {  	_ = 	snop  }
__scs_overlays_trampoline_lowered:
0x8: {  	[smem:$0x3FA5] =	sst s0  }
0x9: {  	[smem:$0x3FA6] =	sst s1  }
0xa: {  	[smem:$0x3FA7] =	sst s2  }
0xb: {  	[smem:$0x3FA8] =	sst s3  }
0xc: {  	[smem:$0x3FA9] =	sst s4  }
0xd: {  	[smem:$0x3FAA] =	sst s5  }
0xe: {  	[smem:$0x3FAB] =	sst s6  }
0xf: {  	[smem:$0x3FAC] =	sst s7  }
0x10: {  	[smem:$0x3FAD] =	sst s8  }
0x11: {  	[smem:$0x3FAE] =	sst s9;
	s0 =	simm.s32 @!p0 $0x0  }
0x12: {  	s1 =	sld [smem:$0x3F94];
	s0 =	simm.s32 @p0 $0x1  }
0x13: {  	[smem:$0x3FAF] =	sst s0;
	s0 =	simm.s32 @!p1 $0x0  }
0x14: {  	s2 =	sld [smem:$0x3F93];
	s0 =	simm.s32 @p1 $0x1  }
0x15: {  	[smem:$0x3FB0] =	sst s0;
	s0 =	simm.s32 @!p2 $0x0  }
0x16: {  	s3 =	sld [smem:$0x3FDB];
	s0 =	simm.s32 @p2 $0x1  }
0x17: {  	s4 =	simm.s32 $0x1BF5;
	[smem:$0x3FB2] =	sst s0  }
0x18: {  	s0 =	sld [smem:$0x3F95];
	_ =	swait.ge [sflag:s4], $0x0  }
0x19: {  	s7 =	sld [smem:$0x3F96]  }
0x1a: {  	s8 =	sadd.s32 $0xFFFFE003, lr  }
0x1b: {  	s9 =	sadd.s32 $0xFFFFFEF7, lr;
	s5 =	simm.s32 $0xFFFFFFFF;
	p2 =	slt.u32 s8, $0xFFFFF086  }
0x1c: {  	p1 =	slt.u32 s9, $0xF7A;
	s5 =	simm.s32 @!p2 $0x0  }
0x1d: {  	s5 =	simm.s32 @p1 $0x1;
	p0 =	seq.s32 s7, s2  }
0x1e: {  	s7 =	smul.u32 @!p0 $0xF7A, s2;
	p2 =	seq.s32 @!p0 s5, $0x0  }
0x1f: {  	s9 =	smul.u32 $0xF7A, s1;
	s8 =	simm.s32 @!p0 $0x1BF5;
	p2 =	por !p2, p0  }
0x20: {  	[sflag:s8] =	ssyncset.s32 @!p0 $0xFFFFF086;
	s6 =	sadd.s32 @!p0 s3, s7;
	s7 =	simm.s32 @!p0 $0x108  }
0x21: {  	s3 =	sadd.s32 s3, s9;
	s6 =	sadd.s32 @!p0 $0x88, s6;
	s7 =	simm.s32 @p2 $0x1082  }
0x22: {  	[simem:s7], [sflag:s8] =	dma.local @!p0 [hbm:s6], $0xF7A  }
0x23: {  	s9 =	sor.u32 $0xD0000000, s2;
	s6 =	simm.s32 $0x108;
	_ =	swait.ge @!p0 [sflag:s8], $0x0  }
0x24: {  	s3 =	sadd.s32 $0x88, s3;
	s6 =	simm.s32 @!p1 $0x1082;
	[sflag:s4] =	ssyncset.s32 $0xFFFFF086  }
0x25: {  	[simem:s6], [sflag:s4] =	dma.local [hbm:s3], $0xF7A  }
0x26: {  	[smem:$0x3F96] =	sst s1;
	(tag) =	ssettag s2;
	_ =	strace s9  }
0x27: {  	s1 =	sld [smem:$0x3FA6]  }
0x28: {  	s2 =	sld [smem:$0x3FA7]  }
0x29: {  	s4 =	sld [smem:$0x3FA9]  }
0x2a: {  	p0 =	seq.s32 s5, $0x0;
	s5 =	sld [smem:$0x3FAA]  }
0x2b: {  	s6 =	sld [smem:$0x3FAB]  }
0x2c: {  	s7 =	sld [smem:$0x3FAC]  }
0x2d: {  	s3 =	simm.s32 $0x108;
	s8 =	sld [smem:$0x3FAD]  }
0x2e: {  	s3 =	simm.s32 @!p0 $0x1082;
	s9 =	sld [smem:$0x3FAE]  }
0x2f: {  	lr =	sadd.s32 s0, s3;
	s0 =	sld [smem:$0x3FA5]  }
0x30: {  	s3 =	sld [smem:$0x3FA8]  }
0x31: {  	[smem:$0x3FB1] =	sst s10  }
0x32: {  	s10 =	sld [smem:$0x3FAF];
	_ =	sdelay $0x3  }
0x33: {  	p0 =	seq.s32 s10, $0x1;
	s10 =	sld [smem:$0x3FB1];
	_ =	sdelay $0x3  }
0x34: {  	[smem:$0x3FB1] =	sst s10  }
0x35: {  	s10 =	sld [smem:$0x3FB0];
	_ =	sdelay $0x3  }
0x36: {  	p1 =	seq.s32 s10, $0x1;
	s10 =	sld [smem:$0x3FB1];
	_ =	sdelay $0x3  }
0x37: {  	[smem:$0x3FB1] =	sst s10  }
0x38: {  	s10 =	sld [smem:$0x3FB2]  }
0x39: {  	_ = 	snop;
	(pc) =	sbr.ind lr, $3  }
0x3a: {  	_ = 	snop  }
0x3b: {  	_ = 	snop  }
0x3c: {  	p2 =	seq.s32 s10, $0x1;
	s10 =	sld [smem:$0x3FB1]  }
0x3d: {  	_ =	shalt  }
0x3e: {  	_ =	shalt  }
0x3f: {  	_ =	shalt  }
0x40: {  	_ =	shalt  }
0x41: {  	_ =	shalt  }
0x42: {  	_ =	shalt  }
0x43: {  	_ =	shalt  }
0x44: {  	_ =	shalt  }
0x45: {  	_ =	shalt  }
0x46: {  	_ =	shalt  }
0x47: {  	_ =	shalt  }
0x48: {  	_ =	shalt  }
0x49: {  	_ =	shalt  }
0x4a: {  	_ =	shalt  }
0x4b: {  	_ =	shalt  }
0x4c: {  	_ =	shalt  }
0x4d: {  	_ =	shalt  }
0x4e: {  	_ =	shalt  }
0x4f: {  	_ =	shalt  }
0x50: {  	_ =	shalt  }
0x51: {  	_ =	shalt  }
0x52: {  	_ =	shalt  }
0x53: {  	_ =	shalt  }
0x54: {  	_ =	shalt  }
0x55: {  	_ =	shalt  }
0x56: {  	_ =	shalt  }
0x57: {  	_ =	shalt  }
0x58: {  	_ =	shalt  }
0x59: {  	_ =	shalt  }
0x5a: {  	_ =	shalt  }
0x5b: {  	_ =	shalt  }
0x5c: {  	_ =	shalt  }
0x5d: {  	_ =	shalt  }
0x5e: {  	_ =	shalt  }
0x5f: {  	_ =	shalt  }
0x60: {  	_ =	shalt  }
0x61: {  	_ =	shalt  }
0x62: {  	_ =	shalt  }
0x63: {  	_ =	shalt  }
0x64: {  	_ =	shalt  }
0x65: {  	_ =	shalt  }
0x66: {  	_ =	shalt  }
0x67: {  	_ =	shalt  }
0x68: {  	_ =	shalt  }
0x69: {  	_ =	shalt  }
0x6a: {  	_ =	shalt  }
0x6b: {  	_ =	shalt  }
0x6c: {  	_ =	shalt  }
0x6d: {  	_ =	shalt  }
0x6e: {  	_ =	shalt  }
0x6f: {  	_ =	shalt  }
0x70: {  	_ =	shalt  }
0x71: {  	_ =	shalt  }
0x72: {  	_ =	shalt  }
0x73: {  	_ =	shalt  }
0x74: {  	_ =	shalt  }
0x75: {  	_ =	shalt  }
0x76: {  	_ =	shalt  }
0x77: {  	_ =	shalt  }
0x78: {  	_ =	shalt  }
0x79: {  	_ =	shalt  }
0x7a: {  	_ =	shalt  }
0x7b: {  	_ =	shalt  }
0x7c: {  	_ =	shalt  }
0x7d: {  	_ =	shalt  }
0x7e: {  	_ =	shalt  }
0x7f: {  	_ =	shalt  }
0x80: {  	_ =	shalt  }
0x81: {  	_ =	shalt  }
0x82: {  	_ =	shalt  }
0x83: {  	_ =	shalt  }
0x84: {  	_ =	shalt  }
0x85: {  	_ =	shalt  }
0x86: {  	_ =	shalt  }
0x87: {  	_ =	shalt  }
.Lfunc_end0:
.L_simem_size_0:
called_computation_lowered:
.L_overlay_start_0:
0x88: {  	s2 =	sld [smem:$0x3FD9]  }
0x89: {  	s3 =	sld [smem:$0x3FFE];
	_ =	sdelay $0x1  }
0x8a: {  	s1 =	srdreg.scid  }
0x8b: {  	s0 =	sand.u32 $0x1, s1  }
0x8c: {  	s17 =	sshll.u32 s0, $0xA;
	s2 =	sadd.s32 s3, s2  }
0x8d: {  	s2 =	sadd.s32 s2, s17  }
0x8e: {  	[smem:$0x3FBD] =	sst s2  }
0x8f: {  	_ = 	snop  }
0x90: {  	s2 =	sld [smem:$0x3FD0];
	(tm) =	ssettm $0x1  }
0x91: {  	s18 =	sld [smem:$0x3FFB];
	_ =	sdelay $0x3  }
0x92: {  	_ =	strace s18  }
0x93: {  	s3 =	sld [smem:$0x3FFC];
	_ =	sdelay $0x3  }
0x94: {  	_ =	strace s3  }
0x95: {  	s3 =	sld [smem:$0x3FFD];
	_ =	sdelay $0x3  }
0x96: {  	_ =	strace s3  }
0x97: {  	_ =	strace $0x8FFFFFFF  }
0x98: {  	s19 =	sld [smem:$0x3FDB];
	_ =	sdelay $0x1  }
0x99: {  	s4 =	simm.s32 $_scs_section_size  }
0x9a: {  	s5 =	simm.s32 $_size__tile_overlayer_lowered;
	s6 =	simm.s32 $_tile_overlayer_lowered  }
0x9b: {  	s22 =	simm.s32 $0x1BFF;
	s21 =	sshll.u32 s6, $0x1;
	s3 =	sadd.s32 s4, s19  }
0x9c: {  	s7 =	simm.s32 $0x0;
	s20 =	sshll.u32 s5, $0x1;
	s5 =	sadd.s32 s21, s3  }
0x9d: {  	[timem:s7], [sflag:s22] =	dma.local [hbm:s5], s20  }
0x9e: {  	_ =	swait.ge [sflag:s22], s20  }
0x9f: {  	s4 =	ssub.s32 $0x0, s20;
	[sflag:s22] =	ssyncset.done $0x0  }
0xa0: {  	[sflag:s22] =	ssyncadd.s32 s4;
	_ =	sdelay $0x1  }
0xa1: {  	s23 =	simm.s32 $0x1B8B  }
0xa2: {  	_ =	swait.ge [sflag:s23], $0x1  }
0xa3: {  	[sflag:s23] =	ssyncset.done $0x0  }
0xa4: {  	s25 =	simm.s32 $0x1B8E;
	s24 =	sld [smem:$0x3FFE];
	[sflag:s23] =	ssyncadd.s32 $0xFFFFFFFF  }
0xa5: {  	s26 =	simm.s32 $execute0_lowered;
	[smem:$0x3FD2] =	sst s25  }
0xa6: {  	s5 =	sshll.u32 s26, $0x1;
	_ =	strace $0x80000046;
	[dreg:$0x1] =	wrdreg $0xFFFFFFFF  }
0xa7: {  	s28 =	simm.s32 $_size_execute0_lowered;
	s3 =	sadd.s32 s3, s5;
	[dreg:$0x0] =	wrdreg $0x0  }
0xa8: {  	s5 =	sshll.u32 s28, $0x1;
	[dreg:$0x2] =	wrdreg s3  }
0xa9: {  	[dreg:$0x3] =	wrdreg s5  }
0xaa: {  	[dreg:$0x4] =	wrdreg $0xC0  }
0xab: {  	_ =	task [dreg:s7], $0x5FFFF  }
0xac: {  	[dreg:$0x1] =	wrdreg $0xFFFFFFFF  }
0xad: {  	[dreg:$0x0] =	wrdreg $0x60  }
0xae: {  	[dreg:$0x2] =	wrdreg s24  }
0xaf: {  	[dreg:$0x3] =	wrdreg s2  }
0xb0: {  	[dreg:$0x4] =	wrdreg $0xA2000  }
0xb1: {  	[dreg:$0x5] =	wrdreg $0x9  }
0xb2: {  	_ =	task.clear_ibuf [dreg:s7], $0x6FFFF;
	_ =	strace $0x90000046  }
0xb3: {  	s29 =	simm.s32 $0x9;
	_ =	strace $0x80000048  }
0xb4: {  	_ =	swait.ge [sflag:s29], $0x1  }
0xb5: {  	[sflag:s29] =	ssyncadd.s32 $0xFFFFFFFF  }
0xb6: {  	_ =	strace $0x90000048  }
0xb7: {  	_ =	sfence  }
0xb8: {  	s30 =	sld [smem:$0x0];
	_ =	sdelay $0x2  }
0xb9: {  	s31 =	sshll.u32 s1, $0xD;
	s1 =	sshrl.u32 s1, $0x2  }
0xba: {  	s3 =	sand.u32 $0x4000, s31;
	s1 =	sadd.s32 s1, s30  }
0xbb: {  	s0 =	sor.u32 s3, s0;
	s1 =	sshll.u32 s1, $0x11  }
0xbc: {  	s0 =	sor.u32 s1, s0  }
0xbd: {  	s0 =	sadd.s32 $0x8F2B, s0  }
0xbe: {  	[sflag:s0] =	ssyncadd.remote.s32 $0x1  }
0xbf: {  	_ =	sfence.sel $0xFFFF  }
0xc0: {  	[dreg:$0x0] =	wrdreg $0xFFFFFFFF;
	(pc) =	sbr.abs _section_cstart, $3  }
0xc1: {  	[dreg:$0x1] =	wrdreg $0xFFFFFFFF  }
0xc2: {  	_ =	task.clear_ibuf [dreg:s7], $0x2FFFF;
	_ =	strace $0x9FFFFFFF  }
0xc3: {  	(tm) =	ssettm $0x7FFFFFFF  }
tec
execute0_lowered:
.L_overlay_start_1:
0x0: {  	(tag) =	ssettag $0x1  }
0x1: {  	s0 =	rddreg [dreg:$0x0]  }
0x2: {  	s1 =	rddreg [dreg:$0x1]  }
0x3: {  	s2 =	rddreg [dreg:$0x2];
	s3 =	simm.s32 $0x0;
	s4 =	srdreg.scid  }
0x4: {  	s13 =	stileid.u32;
	s28 =	simm.s32 $0x1;
	s29 =	simm.s32 $0x2  }
0x5: {  	s30 =	simm.s32 $0x3;
	s31 =	simm.s32 $0x4;
	[smem:$0x7FF] =	sst s3  }
0x6: {  	s5 =	sadd.s32 $0x4EE200, s0;
	s4 =	sand.u32 $0x1, s4;
	s10 =	smul.u32 $0x14000, s13  }
0x7: {  	s11 =	sshll.u32 s13, $0x1;
	s12 =	sshrl.u32 s13, $0x2;
	s13 =	smul.u32 $0x50000, s13  }
0x8: {  	s6 =	sadd.s32 $0x4E4400, s0;
	s7 =	sadd.s32 $0x2400, s0;
	s8 =	sadd.s32 $0x4F8000, s0  }
0x9: {  	_ =	strace $0x80000047;
	s9 =	smul.u32 $0x140000, s4;
	s13 =	sshrl.u32 s13, $0x2  }
0xa: {  	s11 =	sor.u32 s4, s11;
	s15 =	smul.u32 $0x14000, s12;
	s13 =	sadd.s32 s13, s2  }
0xb: {  	s4 =	ssub.s32 $0x2, s4;
	s19 =	sadd.s32 $0x1400, s13;
	[dreg:$0x4] =	wrdreg s13  }
0xc: {  	s16 =	sshll.u32 s11, $0x7;
	s20 =	sadd.s32 $0x2800, s13;
	[dreg:$0x5] =	wrdreg s19  }
0xd: {  	s18 =	smul.u32 $0x2710, s11;
	s21 =	sadd.s32 $0x3C00, s13;
	[dreg:$0x6] =	wrdreg s20  }
0xe: {  	s11 =	smul.u32 $0x27100, s11;
	s22 =	sadd.s32 $0x5000, s13;
	[dreg:$0x7] =	wrdreg s21  }
0xf: {  	s17 =	sshrl.u32 s4, $0x1;
	s23 =	sadd.s32 $0x6400, s13;
	[dreg:$0x8] =	wrdreg s22  }
0x10: {  	s12 =	sand.u32 $0x380, s16;
	s11 =	sadd.s32 s8, s11;
	[dreg:$0x9] =	wrdreg s23  }
0x11: {  	s4 =	ssub.s32 s4, s17;
	s16 =	sadd.s32 $0x7800, s13;
	[dreg:$0xc] =	wrdreg s11  }
0x12: {  	s24 =	sshrl.u32 s18, $0x3;
	s17 =	sadd.s32 $0x8C00, s13;
	[dreg:$0x13] =	wrdreg s16  }
0x13: {  	s9 =	sadd.s32 s10, s9;
	s14 =	sadd.s32 s5, s24;
	[dreg:$0x14] =	wrdreg s17  }
0x14: {  	v0 =	vlaneseq.u32;
	s10 =	sor.u32 s15, s12;
	s12 =	sadd.s32 s6, s24;
	[dreg:$0xa] =	wrdreg s14  }
0x15: {  	(xrf1) =	vunique.msk.u32 $0xffff, v0;
	s9 =	sshrl.u32 s9, $0x3;
	s19 =	sadd.s32 $0xB400, s13;
	[dreg:$0xb] =	wrdreg s12  }
0x16: {  	s15 =	sadd.s32 $0x28, s18;
	s20 =	sadd.s32 $0xC800, s13;
	[dreg:$0x16] =	wrdreg s19  }
0x17: {  	s9 =	sadd.s32 s9, s0;
	s22 =	sadd.s32 $0xDC00, s13;
	[dreg:$0x17] =	wrdreg s20  }
0x18: {  	s10 =	sshrl.u32 s10, $0x3;
	s23 =	sadd.s32 $0xF000, s13;
	[dreg:$0x18] =	wrdreg s22  }
0x19: {  	s25 =	sshrl.u32 s15, $0x3;
	s24 =	sadd.s32 $0x10400, s13;
	[dreg:$0x19] =	wrdreg s23  }
0x1a: {  	s21 =	sadd.s32 $0x50, s18;
	s26 =	sadd.s32 s5, s25;
	[dreg:$0x1a] =	wrdreg s24  }
0x1b: {  	s17 =	simm.s32 $0x28;
	s12 =	sadd.s32 s6, s25;
	[dreg:$0xd] =	wrdreg s26  }
0x1c: {  	s0 =	sadd.s32 s10, s0;
	s10 =	sadd.s32 $0x78, s18;
	[dreg:$0xe] =	wrdreg s12  }
0x1d: {  	s9 =	sadd.s32 $0x29600, s9;
	s14 =	smax.u32 s4, $0x1;
	[dreg:$0xf] =	wrdreg s10  }
0x1e: {  	s18 =	sadd.s32 $0xA000, s13;
	s25 =	sadd.s32 $0x11800, s13;
	[dreg:$0x10] =	wrdreg s9  }
0x1f: {  	s19 =	simm.s32 $0x180;
	s20 =	simm.s32 $0x8;
	[dreg:$0x12] =	wrdreg s14  }
.Ltmp0:
0x20: {  	s23 =	simm.s32 $0x3E00;
	[dreg:$0x15] =	wrdreg s18;
	(pc) =	sbr.rel .LBB2_1-.Ltmp0, $4  }
0x21: {  	s4 =	simm.s32 $0x6;
	s0 =	sadd.s32 $0x79600, s0;
	[dreg:$0x1b] =	wrdreg s25  }
0x22: {  	s26 =	sadd.s32 $0x12C00, s13;
	s14 =	simm.s32 $0x9;
	s12 =	simm.s32 $0x80  }
0x23: {  	s18 =	simm.s32 $0x100;
	s10 =	simm.s32 $0x0;
	[dreg:$0x11] =	wrdreg s0;
	_, v0, _ =	vpop (xrf1)  }
0x24: {  	v1 =	vimm.f32 $0.0e+00;
	vm0 =	vcmask $0x3F20;
	[dreg:$0x1c] =	wrdreg s26;
	s26 =	simm.s32 $0x7A00;
	s0 =	simm.s32 $0x5;
	v0 =	vsub.s32 $0x1, v0  }
.LBB2_12:
0x25: {  	s9 =	stileid.u32;
	[bflag:$0x0] =	sbarrier.arrive $0xFFFF  }
0x26: {  	s9 =	sshll.u32 s9, $0x6;
	s13 =	rddreg [dreg:$0x4]  }
0x27: {  	s11 =	rddreg [dreg:$0x10];
	s9 =	sor.u32 $0x1C09, s9;
	s10 =	sshrl.u32 s13, $0x3  }
0x28: {  	[hbm:s11], [sflag:s9] =	dma.local [spmem:s10], $0x2800  }
0x29: {  	_ =	swait.ge [sflag:s14], $0x2800  }
0x2a: {  	s12 =	simm.s32 $0x80;
	[sflag:s14] =	ssyncset.done $0x0  }
0x2b: {  	s22 =	simm.s32 $0x400;
	s16 =	rddreg [dreg:$0x11];
	[sflag:s14] =	ssyncadd.s32 $0xFFFFD800  }
0x2c: {  	[hbm4b:s16+s12] =	stream.strided.scatter [tilespmem:s26], [sflag:$0x9], $0x2800, s22, s12, $0x38;
	[tilespmem:$0x1E200] =	vst v63  }
0x2d: {  	_ =	swait.ge [sflag:s14], $0x2800  }
0x2e: {  	s24 =	rddreg [dreg:$0x1d]  }
0x2f: {  	s25 =	rddreg [dreg:$0x12];
	s10 =	sadd.s32 $0x1, s24  }
0x30: {  	p0 =	sne.s32 s10, s25  }
.Ltmp1:
0x31: {  	_ = 	snop;
	(pc) =	sbr.rel @!p0 .LBB2_13-.Ltmp1, $3  }
0x32: {  	_ =	sdelay $0x1  }
0x33: {  	[sflag:s14] =	ssyncset.done $0x0  }
0x34: {  	[sflag:s14] =	ssyncadd.s32 $0xFFFFD800  }
.LBB2_1:
0x35: {  	[dreg:$0x1d] =	wrdreg s10;
	s9 =	simm.s32 $0x0  }
.LBB2_2:
0x36: {  	p0 =	sne.s32 s9, $0x9FC0  }
.Ltmp2:
0x37: {  	_ = 	snop;
	(pc) =	sbr.rel @p0 .LBB2_2-.Ltmp2, $3  }
0x38: {  	_ =	sdelay $0x1  }
0x39: {  	s10 =	sshra.s32 s9, $0x2  }
0x3a: {  	s9 =	sadd.s32 $0x40, s9;
	[tilespmem:s10+$0x7A00] =	vst v1  }
0x3b: {  	s9 =	simm.s32 $0x0;
	s10 =	simm.s32 $0x200  }
.LBB2_4:
0x3c: {  	p0 =	sne.s32 s10, $0x4E00;
	[tilespmem:s9+$0x270] =	vst v1  }
0x3d: {  	[tilespmem:s9+$0x200] =	vst v1  }
0x3e: {  	[tilespmem:s9+$0x210] =	vst v1  }
.Ltmp3:
0x3f: {  	[tilespmem:s9+$0x220] =	vst v1;
	(pc) =	sbr.rel @p0 .LBB2_4-.Ltmp3, $4  }
0x40: {  	[tilespmem:s9+$0x230] =	vst v1  }
0x41: {  	[tilespmem:s9+$0x240] =	vst v1  }
0x42: {  	[tilespmem:s9+$0x250] =	vst v1  }
0x43: {  	[tilespmem:s9+$0x260] =	vst v1;
	s9 =	sshra.s32 s10, $0x2;
	s10 =	sadd.s32 $0x200, s10  }
0x44: {  	[tilespmem:s9+$0x270] =	vst v1  }
0x45: {  	[tilespmem:s9+$0x200] =	vst v1  }
0x46: {  	[tilespmem:s9+$0x210] =	vst v1  }
0x47: {  	[tilespmem:s9+$0x220] =	vst v1  }
0x48: {  	[tilespmem:s9+$0x230] =	vst v1  }
0x49: {  	[tilespmem:s9+$0x240] =	vst v1  }
0x4a: {  	[tilespmem:s9+$0x250] =	vst v1  }
0x4b: {  	[tilespmem:s9+$0x260] =	vst v1;
	s10 =	simm.s32 $0x200  }
0x4c: {  	[spmem:s13] =	stream.linear.scatter [tilespmem:s10], [sflag:$0x9], $0x1400, $0x38;
	[tilespmem:$0x1E200] =	vst v63  }
0x4d: {  	_ =	swait.ge [sflag:s14], $0x1400  }
0x4e: {  	[sflag:s14] =	ssyncset.done $0x0  }
0x4f: {  	s13 =	rddreg [dreg:$0x5];
	[sflag:s14] =	ssyncadd.s32 $0xFFFFEC00  }
0x50: {  	[spmem:s13] =	stream.linear.scatter [tilespmem:s10], [sflag:$0x9], $0x1400, $0x38;
	[tilespmem:$0x1E200] =	vst v63  }
0x51: {  	_ =	swait.ge [sflag:s14], $0x1400  }
0x52: {  	[sflag:s14] =	ssyncset.done $0x0  }
0x53: {  	s16 =	rddreg [dreg:$0x6];
	[sflag:s14] =	ssyncadd.s32 $0xFFFFEC00  }
0x54: {  	[spmem:s16] =	stream.linear.scatter [tilespmem:s10], [sflag:$0x9], $0x1400, $0x38;
	[tilespmem:$0x1E200] =	vst v63  }
0x55: {  	_ =	swait.ge [sflag:s14], $0x1400  }
0x56: {  	[sflag:s14] =	ssyncset.done $0x0  }
0x57: {  	s22 =	rddreg [dreg:$0x7];
	[sflag:s14] =	ssyncadd.s32 $0xFFFFEC00  }
0x58: {  	[spmem:s22] =	stream.linear.scatter [tilespmem:s10], [sflag:$0x9], $0x1400, $0x38;
	[tilespmem:$0x1E200] =	vst v63  }
0x59: {  	_ =	swait.ge [sflag:s14], $0x1400  }
0x5a: {  	[sflag:s14] =	ssyncset.done $0x0  }
0x5b: {  	s24 =	rddreg [dreg:$0x8];
	[sflag:s14] =	ssyncadd.s32 $0xFFFFEC00  }
0x5c: {  	[spmem:s24] =	stream.linear.scatter [tilespmem:s10], [sflag:$0x9], $0x1400, $0x38;
	[tilespmem:$0x1E200] =	vst v63  }
0x5d: {  	_ =	swait.ge [sflag:s14], $0x1400  }
0x5e: {  	[sflag:s14] =	ssyncset.done $0x0  }
0x5f: {  	s25 =	rddreg [dreg:$0x9];
	[sflag:s14] =	ssyncadd.s32 $0xFFFFEC00  }
0x60: {  	[spmem:s25] =	stream.linear.scatter [tilespmem:s10], [sflag:$0x9], $0x1400, $0x38;
	[tilespmem:$0x1E200] =	vst v63  }
0x61: {  	_ =	swait.ge [sflag:s14], $0x1400  }
0x62: {  	[sflag:s14] =	ssyncset.done $0x0  }
0x63: {  	s11 =	rddreg [dreg:$0x13];
	[sflag:s14] =	ssyncadd.s32 $0xFFFFEC00  }
0x64: {  	[spmem:s11] =	stream.linear.scatter [tilespmem:s10], [sflag:$0x9], $0x1400, $0x38;
	[tilespmem:$0x1E200] =	vst v63  }
0x65: {  	_ =	swait.ge [sflag:s14], $0x1400  }
0x66: {  	[sflag:s14] =	ssyncset.done $0x0  }
0x67: {  	s13 =	rddreg [dreg:$0x14];
	[sflag:s14] =	ssyncadd.s32 $0xFFFFEC00  }
0x68: {  	[spmem:s13] =	stream.linear.scatter [tilespmem:s10], [sflag:$0x9], $0x1400, $0x38;
	[tilespmem:$0x1E200] =	vst v63  }
0x69: {  	_ =	swait.ge [sflag:s14], $0x1400  }
0x6a: {  	[sflag:s14] =	ssyncset.done $0x0  }
0x6b: {  	s16 =	rddreg [dreg:$0x15];
	[sflag:s14] =	ssyncadd.s32 $0xFFFFEC00  }
0x6c: {  	[spmem:s16] =	stream.linear.scatter [tilespmem:s10], [sflag:$0x9], $0x1400, $0x38;
	[tilespmem:$0x1E200] =	vst v63  }
0x6d: {  	_ =	swait.ge [sflag:s14], $0x1400  }
0x6e: {  	[sflag:s14] =	ssyncset.done $0x0  }
0x6f: {  	s22 =	rddreg [dreg:$0x16];
	[sflag:s14] =	ssyncadd.s32 $0xFFFFEC00  }
0x70: {  	[spmem:s22] =	stream.linear.scatter [tilespmem:s10], [sflag:$0x9], $0x1400, $0x38;
	[tilespmem:$0x1E200] =	vst v63  }
0x71: {  	_ =	swait.ge [sflag:s14], $0x1400  }
0x72: {  	[sflag:s14] =	ssyncset.done $0x0  }
0x73: {  	s24 =	rddreg [dreg:$0x17];
	[sflag:s14] =	ssyncadd.s32 $0xFFFFEC00  }
0x74: {  	[spmem:s24] =	stream.linear.scatter [tilespmem:s10], [sflag:$0x9], $0x1400, $0x38;
	[tilespmem:$0x1E200] =	vst v63  }
0x75: {  	_ =	swait.ge [sflag:s14], $0x1400  }
0x76: {  	[sflag:s14] =	ssyncset.done $0x0  }
0x77: {  	s25 =	rddreg [dreg:$0x18];
	[sflag:s14] =	ssyncadd.s32 $0xFFFFEC00  }
0x78: {  	[spmem:s25] =	stream.linear.scatter [tilespmem:s10], [sflag:$0x9], $0x1400, $0x38;
	[tilespmem:$0x1E200] =	vst v63  }
0x79: {  	_ =	swait.ge [sflag:s14], $0x1400  }
0x7a: {  	[sflag:s14] =	ssyncset.done $0x0  }
0x7b: {  	s11 =	rddreg [dreg:$0x19];
	[sflag:s14] =	ssyncadd.s32 $0xFFFFEC00  }
0x7c: {  	[spmem:s11] =	stream.linear.scatter [tilespmem:s10], [sflag:$0x9], $0x1400, $0x38;
	[tilespmem:$0x1E200] =	vst v63  }
0x7d: {  	_ =	swait.ge [sflag:s14], $0x1400  }
0x7e: {  	[sflag:s14] =	ssyncset.done $0x0  }
0x7f: {  	s13 =	rddreg [dreg:$0x1a];
	[sflag:s14] =	ssyncadd.s32 $0xFFFFEC00  }
0x80: {  	[spmem:s13] =	stream.linear.scatter [tilespmem:s10], [sflag:$0x9], $0x1400, $0x38;
	[tilespmem:$0x1E200] =	vst v63  }
0x81: {  	_ =	swait.ge [sflag:s14], $0x1400  }
0x82: {  	[sflag:s14] =	ssyncset.done $0x0  }
0x83: {  	s16 =	rddreg [dreg:$0x1b];
	[sflag:s14] =	ssyncadd.s32 $0xFFFFEC00  }
0x84: {  	[spmem:s16] =	stream.linear.scatter [tilespmem:s10], [sflag:$0x9], $0x1400, $0x38;
	[tilespmem:$0x1E200] =	vst v63  }
0x85: {  	_ =	swait.ge [sflag:s14], $0x1400  }
0x86: {  	[sflag:s14] =	ssyncset.done $0x0  }
0x87: {  	s22 =	rddreg [dreg:$0x1c];
	[sflag:s14] =	ssyncadd.s32 $0xFFFFEC00  }
0x88: {  	[spmem:s22] =	stream.linear.scatter [tilespmem:s10], [sflag:$0x9], $0x1400, $0x38;
	[tilespmem:$0x1E200] =	vst v63  }
0x89: {  	_ =	swait.ge [sflag:s14], $0x1400  }
0x8a: {  	[sflag:s14] =	ssyncset.done $0x0  }
0x8b: {  	[sflag:s14] =	ssyncadd.s32 $0xFFFFEC00  }
0x8c: {  	[bflag:$0x0] =	sbarrier.arrive $0xFFFF  }
0x8d: {  	s11 =	simm.s32 $0x0;
	s24 =	rddreg [dreg:$0xa]  }
0x8e: {  	[tilespmem:s11], [sflag:$0x9] =	stream.linear.gather [hbm4b:s24+s11], $0x28, $0x38;
	[tilespmem:$0x1E200] =	vst v63  }
0x8f: {  	_ =	swait.ge [sflag:s14], $0x28  }
0x90: {  	[sflag:s14] =	ssyncset.done $0x0  }
0x91: {  	s25 =	rddreg [dreg:$0xb];
	[sflag:s14] =	ssyncadd.s32 $0xFFFFFFD8  }
0x92: {  	[tilespmem:s12], [sflag:$0x9] =	stream.linear.gather [hbm4b:s25+s11], $0x28, $0x38;
	[tilespmem:$0x1E200] =	vst v63  }
0x93: {  	_ =	swait.ge [sflag:s14], $0x28  }
0x94: {  	[sflag:s14] =	ssyncset.done $0x0  }
0x95: {  	[sflag:s14] =	ssyncadd.s32 $0xFFFFFFD8  }
0x96: {  	[tilespmem:s10], [sflag:$0x1] =	stream.indirect.gather [hbm4b:s1+s17], $0x80, s11, s17, $0xb8;
	[tilespmem:$0x1E200] =	vst v63  }
0x97: {  	s13 =	simm.s32 $0x1600  }
0x98: {  	[tilespmem:s13], [sflag:$0x2] =	stream.indirect.gather [hbm4b:s7+s17], $0x80, s12, s17, $0xb8;
	[tilespmem:$0x1E200] =	vst v63  }
0x99: {  	s22 =	simm.s32 $0x2A00;
	s16 =	rddreg [dreg:$0xc]  }
0x9a: {  	[tilespmem:s22], [sflag:$0x3] =	stream.linear.gather [hbm4b:s16+s11], $0x1400, $0x38;
	[tilespmem:$0x1E200] =	vst v63  }
0x9b: {  	s24 =	rddreg [dreg:$0xd]  }
0x9c: {  	[tilespmem:s18], [sflag:$0x8] =	stream.linear.gather [hbm4b:s24+s11], $0x28, $0x38;
	[tilespmem:$0x1E200] =	vst v63  }
0x9d: {  	s25 =	rddreg [dreg:$0xe]  }
0x9e: {  	[tilespmem:s19], [sflag:$0x8] =	stream.linear.gather [hbm4b:s25+s11], $0x28, $0x38;
	[tilespmem:$0x1E200] =	vst v63  }
.LBB2_6:
0x9f: {  	_ =	swait.ge [sflag:s20], $0x28  }
0xa0: {  	[sflag:s20] =	ssyncset.done $0x0  }
0xa1: {  	[sflag:s20] =	ssyncadd.s32 $0xFFFFFFD8  }
0xa2: {  	_ =	swait.ge [sflag:s20], $0x28  }
0xa3: {  	[sflag:s20] =	ssyncset.done $0x0  }
0xa4: {  	s12 =	smul.u32 $0x50, s11;
	[sflag:s20] =	ssyncadd.s32 $0xFFFFFFD8  }
0xa5: {  	[tilespmem:s23], [sflag:$0x4] =	stream.indirect.gather [hbm4b:s1+s17], $0x80, s18, s17, $0xb8;
	[tilespmem:$0x1E200] =	vst v63  }
0xa6: {  	s9 =	simm.s32 $0x5200;
	s25 =	sadd.s32 s12, s15  }
0xa7: {  	[tilespmem:s9], [sflag:$0x5] =	stream.indirect.gather [hbm4b:s7+s17], $0x80, s19, s17, $0xb8;
	[tilespmem:$0x1E200] =	vst v63  }
0xa8: {  	s9 =	sshll.u32 s25, $0x4  }
0xa9: {  	s10 =	simm.s32 $0x6600;
	s9 =	sadd.s32 s8, s9  }
0xaa: {  	[tilespmem:s10], [sflag:$0x6] =	stream.linear.gather [hbm4b:s9+s3], $0x1400, $0x38;
	[tilespmem:$0x1E200] =	vst v63  }
0xab: {  	v2 =	vld [tilespmem:$0x0];
	_ =	sdelay $0x4  }
0xac: {  	(xrf1) =	vunique.msk.u32 $0xffff, v2;
	_ =	sdelay $0xd  }
0xad: {  	_, v3, vm1 =	vpop (xrf1);
	_ =	sdelay $0x2  }
0xae: {  	v3 =	vadd.s32 v0, v3  }
0xaf: {  	v3 =	vcvt.s32.f32 v3;
	_ =	sdelay $0x1  }
0xb0: {  	[tilespmem:v2+s26+$0x0] =	vst.idx.add.f32.msk vm1, v3  }
0xb1: {  	v2 =	vld [tilespmem:$0x10];
	_ =	sdelay $0x4  }
0xb2: {  	(xrf1) =	vunique.msk.u32 $0xffff, v2;
	_ =	sdelay $0xd  }
0xb3: {  	_, v3, vm1 =	vpop (xrf1);
	_ =	sdelay $0x2  }
0xb4: {  	v3 =	vadd.s32 v0, v3  }
0xb5: {  	v3 =	vcvt.s32.f32 v3;
	_ =	sdelay $0x1  }
0xb6: {  	[tilespmem:v2+s26+$0x0] =	vst.idx.add.f32.msk vm1, v3  }
0xb7: {  	v2 =	vld [tilespmem:$0x18];
	_ =	sdelay $0x4  }
0xb8: {  	(xrf1) =	vunique.msk.u32 vm0, v2;
	_ =	sdelay $0xd  }
0xb9: {  	_, v3, vm1 =	vpop (xrf1)  }
0xba: {  	vm1 =	vmand vm1, vm0;
	_ =	sdelay $0x2  }
0xbb: {  	v3 =	vadd.s32 v0, v3  }
0xbc: {  	v3 =	vcvt.s32.f32 v3;
	_ =	sdelay $0x1  }
0xbd: {  	[tilespmem:v2+s26+$0x0] =	vst.idx.add.f32.msk vm1, v3  }
0xbe: {  	_ =	swait.ge [sflag:s28], $0x1400  }
0xbf: {  	[sflag:s28] =	ssyncset.done $0x0  }
0xc0: {  	[sflag:s28] =	ssyncadd.s32 $0xFFFFEC00  }
0xc1: {  	_ =	swait.ge [sflag:s29], $0x1400  }
0xc2: {  	[sflag:s29] =	ssyncset.done $0x0  }
0xc3: {  	[sflag:s29] =	ssyncadd.s32 $0xFFFFEC00  }
0xc4: {  	_ =	swait.ge [sflag:s30], $0x1400  }
0xc5: {  	[sflag:s30] =	ssyncset.done $0x0  }
0xc6: {  	s16 =	simm.s32 $0x300;
	[sflag:s30] =	ssyncadd.s32 $0xFFFFEC00  }
0xc7: {  	s13 =	simm.s32 $0x1700;
	v2 =	vld [tilespmem:s16+$0x80]  }
0xc8: {  	s25 =	simm.s32 $0x2B00;
	v3 =	vld [tilespmem:s13+$0x80]  }
0xc9: {  	v4 =	vld [tilespmem:s25+$0x80]  }
0xca: {  	v5 =	vld [tilespmem:s25+$0xFFFFFF00]  }
0xcb: {  	v7 =	vld [tilespmem:s16+$0xFFFFFF80]  }
0xcc: {  	v9 =	vld [tilespmem:s13+$0xFFFFFF80]  }
0xcd: {  	s9 =	simm.s32 $0x500;
	v10 =	vld [tilespmem:s13+$0x0]  }
0xce: {  	s10 =	simm.s32 $0x1900;
	v14 =	vld [tilespmem:s9+$0x80]  }
0xcf: {  	v15 =	vld [tilespmem:s10+$0x80]  }
0xd0: {  	v17 =	vld [tilespmem:s9+$0xFFFFFF80];
	v2 =	vadd.f32 v3, v2  }
0xd1: {  	v18 =	vld [tilespmem:s10+$0xFFFFFF80]  }
0xd2: {  	v3 =	vld [tilespmem:s13+$0xFFFFFF00];
	v2 =	vadd.f32 v4, v2  }
0xd3: {  	v4 =	vld [tilespmem:s16+$0xFFFFFF00]  }
0xd4: {  	v27 =	vld [tilespmem:s9+$0xFFFFFF10];
	v2 =	vmax.f32 v2, $0.0e+00  }
0xd5: {  	[tilespmem:s16+$0x80] =	vst v2;
	v2 =	vld [tilespmem:s16+$0x90]  }
0xd6: {  	v6 =	vld [tilespmem:s13+$0x90]  }
0xd7: {  	v8 =	vld [tilespmem:s25+$0x90]  }
0xd8: {  	s24 =	simm.s32 $0x2D00;
	v3 =	vadd.f32 v3, v4;
	v4 =	vld [tilespmem:s16+$0x0]  }
0xd9: {  	v19 =	vld [tilespmem:s24+$0x0]  }
0xda: {  	v20 =	vld [tilespmem:s9+$0xFFFFFF90]  }
0xdb: {  	v3 =	vadd.f32 v5, v3;
	v5 =	vld [tilespmem:s25+$0xFFFFFF80];
	v2 =	vadd.f32 v6, v2  }
0xdc: {  	v6 =	vld [tilespmem:s16+$0xFFFFFF10]  }
0xdd: {  	v3 =	vmax.f32 v3, $0.0e+00;
	v4 =	vadd.f32 v10, v4;
	v10 =	vld [tilespmem:s16+$0x10];
	v2 =	vadd.f32 v8, v2  }
0xde: {  	[tilespmem:s16+$0xFFFFFF00] =	vst v3;
	v8 =	vld [tilespmem:s25+$0x0]  }
0xdf: {  	v3 =	vld [tilespmem:s13+$0xFFFFFF10];
	v2 =	vmax.f32 v2, $0.0e+00  }
0xe0: {  	v11 =	vld [tilespmem:s25+$0xFFFFFF10];
	[tilespmem:s16+$0x90] =	vst v2;
	v2 =	vadd.f32 v9, v7  }
0xe1: {  	v7 =	vld [tilespmem:s16+$0xA0]  }
0xe2: {  	v9 =	vld [tilespmem:s13+$0xA0];
	v2 =	vadd.f32 v5, v2  }
0xe3: {  	v5 =	vld [tilespmem:s16+$0xFFFFFF90];
	v4 =	vadd.f32 v8, v4  }
0xe4: {  	v8 =	vld [tilespmem:s25+$0xA0];
	v3 =	vadd.f32 v3, v6;
	v2 =	vmax.f32 v2, $0.0e+00  }
0xe5: {  	v6 =	vld [tilespmem:s16+$0xFFFFFF20];
	[tilespmem:s16+$0xFFFFFF80] =	vst v2;
	v2 =	vmax.f32 v4, $0.0e+00  }
0xe6: {  	v4 =	vld [tilespmem:s13+$0xFFFFFF90];
	[tilespmem:s16+$0x0] =	vst v2;
	v2 =	vadd.f32 v11, v3  }
0xe7: {  	v3 =	vadd.f32 v9, v7;
	v9 =	vld [tilespmem:s25+$0xFFFFFF90]  }
0xe8: {  	v7 =	vld [tilespmem:s13+$0x10];
	v2 =	vmax.f32 v2, $0.0e+00  }
0xe9: {  	v3 =	vadd.f32 v8, v3;
	v8 =	vld [tilespmem:s25+$0x10];
	[tilespmem:s16+$0xFFFFFF10] =	vst v2  }
0xea: {  	v2 =	vld [tilespmem:s13+$0xFFFFFF20]  }
0xeb: {  	v3 =	vmax.f32 v3, $0.0e+00;
	v11 =	vld [tilespmem:s25+$0xFFFFFF20]  }
0xec: {  	[tilespmem:s16+$0xA0] =	vst v3;
	v3 =	vadd.f32 v4, v5;
	v4 =	vld [tilespmem:s16+$0xB0]  }
0xed: {  	v5 =	vadd.f32 v7, v10;
	v7 =	vld [tilespmem:s13+$0xB0]  }
0xee: {  	v10 =	vld [tilespmem:s16+$0xFFFFFFA0];
	v3 =	vadd.f32 v9, v3  }
0xef: {  	v9 =	vld [tilespmem:s16+$0x20]  }
0xf0: {  	v5 =	vadd.f32 v8, v5;
	v8 =	vld [tilespmem:s25+$0xB0];
	v3 =	vmax.f32 v3, $0.0e+00;
	v2 =	vadd.f32 v2, v6  }
0xf1: {  	v6 =	vld [tilespmem:s16+$0xFFFFFF30];
	[tilespmem:s16+$0xFFFFFF90] =	vst v3  }
0xf2: {  	v3 =	vmax.f32 v5, $0.0e+00;
	v5 =	vld [tilespmem:s13+$0xFFFFFFA0];
	v2 =	vadd.f32 v11, v2  }
0xf3: {  	[tilespmem:s16+$0x10] =	vst v3;
	v3 =	vadd.f32 v7, v4;
	v7 =	vld [tilespmem:s25+$0xFFFFFFA0]  }
0xf4: {  	v4 =	vld [tilespmem:s13+$0x20];
	v2 =	vmax.f32 v2, $0.0e+00  }
0xf5: {  	v3 =	vadd.f32 v8, v3;
	v8 =	vld [tilespmem:s25+$0x20];
	[tilespmem:s16+$0xFFFFFF20] =	vst v2  }
0xf6: {  	v2 =	vld [tilespmem:s13+$0xFFFFFF30]  }
0xf7: {  	v3 =	vmax.f32 v3, $0.0e+00;
	v11 =	vld [tilespmem:s25+$0xFFFFFF30]  }
0xf8: {  	[tilespmem:s16+$0xB0] =	vst v3;
	v3 =	vadd.f32 v5, v10;
	v5 =	vld [tilespmem:s16+$0xC0]  }
0xf9: {  	v10 =	vld [tilespmem:s16+$0xFFFFFFB0];
	v4 =	vadd.f32 v4, v9  }
0xfa: {  	v9 =	vld [tilespmem:s13+$0xC0];
	v3 =	vadd.f32 v7, v3  }
0xfb: {  	v7 =	vld [tilespmem:s25+$0xC0];
	v4 =	vadd.f32 v8, v4  }
0xfc: {  	v8 =	vld [tilespmem:s16+$0x30];
	v3 =	vmax.f32 v3, $0.0e+00;
	v2 =	vadd.f32 v2, v6  }
0xfd: {  	v6 =	vld [tilespmem:s16+$0xFFFFFF40];
	[tilespmem:s16+$0xFFFFFFA0] =	vst v3;
	v3 =	vmax.f32 v4, $0.0e+00  }
0xfe: {  	[tilespmem:s16+$0x20] =	vst v3;
	v2 =	vadd.f32 v11, v2;
	v3 =	vld [tilespmem:s13+$0xFFFFFFB0]  }
0xff: {  	v4 =	vadd.f32 v9, v5;
	v5 =	vld [tilespmem:s13+$0x30]  }
0x100: {  	v9 =	vld [tilespmem:s25+$0xFFFFFFB0];
	v2 =	vmax.f32 v2, $0.0e+00  }
0x101: {  	v4 =	vadd.f32 v7, v4;
	[tilespmem:s16+$0xFFFFFF30] =	vst v2;
	v2 =	vld [tilespmem:s25+$0x30]  }
0x102: {  	v7 =	vld [tilespmem:s13+$0xFFFFFF40]  }
0x103: {  	v4 =	vmax.f32 v4, $0.0e+00;
	v11 =	vld [tilespmem:s25+$0xFFFFFF40];
	v3 =	vadd.f32 v3, v10  }
0x104: {  	[tilespmem:s16+$0xC0] =	vst v4;
	v4 =	vadd.f32 v5, v8;
	v5 =	vld [tilespmem:s16+$0xD0]  }
0x105: {  	v8 =	vld [tilespmem:s13+$0xD0];
	v3 =	vadd.f32 v9, v3  }
0x106: {  	v10 =	vld [tilespmem:s16+$0xFFFFFFC0]  }
0x107: {  	v2 =	vadd.f32 v2, v4;
	v4 =	vld [tilespmem:s25+$0xD0];
	v3 =	vmax.f32 v3, $0.0e+00  }
0x108: {  	v9 =	vld [tilespmem:s16+$0x40];
	[tilespmem:s16+$0xFFFFFFB0] =	vst v3  }
0x109: {  	v2 =	vmax.f32 v2, $0.0e+00;
	v3 =	vld [tilespmem:s13+$0xFFFFFFC0]  }
0x10a: {  	[tilespmem:s16+$0x30] =	vst v2;
	v5 =	vadd.f32 v8, v5;
	v8 =	vld [tilespmem:s25+$0xFFFFFFC0]  }
0x10b: {  	v6 =	vadd.f32 v7, v6;
	v2 =	vld [tilespmem:s13+$0x40]  }
0x10c: {  	v7 =	vld [tilespmem:s25+$0x40];
	v4 =	vadd.f32 v4, v5  }
0x10d: {  	v6 =	vadd.f32 v11, v6;
	v5 =	vld [tilespmem:s16+$0xFFFFFF50]  }
0x10e: {  	v4 =	vmax.f32 v4, $0.0e+00;
	v3 =	vadd.f32 v3, v10;
	v10 =	vld [tilespmem:s16+$0xFFFFFFD0]  }
0x10f: {  	[tilespmem:s16+$0xD0] =	vst v4;
	v4 =	vmax.f32 v6, $0.0e+00;
	v6 =	vld [tilespmem:s16+$0xE0]  }
0x110: {  	v2 =	vadd.f32 v2, v9;
	v9 =	vld [tilespmem:s16+$0x50];
	v3 =	vadd.f32 v8, v3  }
0x111: {  	[tilespmem:s16+$0xFFFFFF40] =	vst v4;
	v4 =	vld [tilespmem:s13+$0xE0]  }
0x112: {  	v2 =	vadd.f32 v7, v2;
	v7 =	vld [tilespmem:s13+$0xFFFFFF50];
	v3 =	vmax.f32 v3, $0.0e+00  }
0x113: {  	[tilespmem:s16+$0xFFFFFFC0] =	vst v3;
	v3 =	vld [tilespmem:s25+$0xE0]  }
0x114: {  	v11 =	vld [tilespmem:s25+$0xFFFFFF50];
	v2 =	vmax.f32 v2, $0.0e+00  }
0x115: {  	v8 =	vld [tilespmem:s13+$0xFFFFFFD0];
	[tilespmem:s16+$0x40] =	vst v2  }
0x116: {  	v4 =	vadd.f32 v4, v6;
	v2 =	vld [tilespmem:s13+$0x50]  }
0x117: {  	v6 =	vld [tilespmem:s25+$0xFFFFFFD0]  }
0x118: {  	v12 =	vld [tilespmem:s25+$0x50];
	v3 =	vadd.f32 v3, v4;
	v4 =	vadd.f32 v7, v5  }
0x119: {  	v30 =	vld [tilespmem:s9+$0x10]  }
0x11a: {  	v31 =	vld [tilespmem:s9+$0xFFFFFF20];
	v7 =	vadd.f32 v8, v10;
	v4 =	vadd.f32 v11, v4  }
0x11b: {  	v5 =	vld [tilespmem:s16+$0xFFFFFF60];
	v9 =	vadd.f32 v2, v9  }
0x11c: {  	v8 =	vld [tilespmem:s16+$0xFFFFFFE0];
	v6 =	vadd.f32 v6, v7;
	v4 =	vmax.f32 v4, $0.0e+00  }
0x11d: {  	v7 =	vadd.f32 v12, v9;
	v9 =	vld [tilespmem:s16+$0x60];
	[tilespmem:s16+$0xFFFFFF50] =	vst v4  }
0x11e: {  	v4 =	vmax.f32 v6, $0.0e+00;
	v6 =	vld [tilespmem:s13+$0xFFFFFF60]  }
0x11f: {  	[tilespmem:s16+$0xFFFFFFD0] =	vst v4;
	v4 =	vmax.f32 v7, $0.0e+00;
	v11 =	vld [tilespmem:s25+$0xFFFFFF60]  }
0x120: {  	v7 =	vld [tilespmem:s13+$0xFFFFFFE0];
	[tilespmem:s16+$0x50] =	vst v4  }
0x121: {  	v4 =	vld [tilespmem:s13+$0x60]  }
0x122: {  	v12 =	vld [tilespmem:s25+$0xFFFFFFE0]  }
0x123: {  	v13 =	vld [tilespmem:s25+$0x60];
	v5 =	vadd.f32 v6, v5  }
0x124: {  	v35 =	vld [tilespmem:s9+$0xFFFFFFA0]  }
0x125: {  	v7 =	vadd.f32 v7, v8;
	v8 =	vadd.f32 v11, v5;
	v11 =	vld [tilespmem:s24+$0x80]  }
0x126: {  	v36 =	vld [tilespmem:s9+$0x20];
	v4 =	vadd.f32 v4, v9  }
0x127: {  	v37 =	vld [tilespmem:s9+$0xFFFFFF30];
	v7 =	vadd.f32 v12, v7  }
0x128: {  	v41 =	vld [tilespmem:s9+$0xFFFFFFB0];
	v12 =	vadd.f32 v13, v4;
	v13 =	vadd.f32 v15, v14  }
0x129: {  	v42 =	vld [tilespmem:s9+$0x30]  }
0x12a: {  	v15 =	vld [tilespmem:s24+$0xFFFFFF00];
	v7 =	vmax.f32 v7, $0.0e+00;
	v11 =	vadd.f32 v11, v13  }
0x12b: {  	[tilespmem:s16+$0xFFFFFFE0] =	vst v7;
	v7 =	vmax.f32 v12, $0.0e+00;
	v12 =	vld [tilespmem:s10+$0xFFFFFF00]  }
0x12c: {  	v13 =	vld [tilespmem:s9+$0xFFFFFF00];
	v11 =	vmax.f32 v11, $0.0e+00  }
0x12d: {  	[tilespmem:s9+$0x80] =	vst v11;
	v11 =	vld [tilespmem:s9+$0x90]  }
0x12e: {  	v14 =	vld [tilespmem:s10+$0x90]  }
0x12f: {  	v43 =	vld [tilespmem:s9+$0xFFFFFF40]  }
0x130: {  	v16 =	vld [tilespmem:s24+$0x90]  }
0x131: {  	v46 =	vld [tilespmem:s9+$0xFFFFFFC0];
	v12 =	vadd.f32 v12, v13  }
0x132: {  	v49 =	vld [tilespmem:s9+$0xFFFFFF50]  }
0x133: {  	v13 =	vld [tilespmem:s9+$0x0];
	v12 =	vadd.f32 v15, v12;
	v11 =	vadd.f32 v14, v11  }
0x134: {  	v14 =	vld [tilespmem:s10+$0x0]  }
0x135: {  	v15 =	vld [tilespmem:s24+$0xFFFFFF80];
	v12 =	vmax.f32 v12, $0.0e+00;
	v11 =	vadd.f32 v16, v11  }
0x136: {  	v50 =	vld [tilespmem:s9+$0xFFFFFFD0];
	[tilespmem:s9+$0xFFFFFF00] =	vst v12  }
0x137: {  	v12 =	vld [tilespmem:s10+$0xFFFFFF10];
	v11 =	vmax.f32 v11, $0.0e+00  }
0x138: {  	v17 =	vadd.f32 v18, v17;
	[tilespmem:s9+$0x90] =	vst v11;
	v11 =	vld [tilespmem:s9+$0xA0]  }
0x139: {  	v13 =	vadd.f32 v14, v13;
	v14 =	vld [tilespmem:s24+$0xFFFFFF10]  }
0x13a: {  	v15 =	vadd.f32 v15, v17;
	v28 =	vld [tilespmem:s10+$0xA0]  }
0x13b: {  	v52 =	vld [tilespmem:s9+$0x50];
	v13 =	vadd.f32 v19, v13  }
0x13c: {  	v15 =	vmax.f32 v15, $0.0e+00;
	v29 =	vld [tilespmem:s24+$0xA0];
	v12 =	vadd.f32 v12, v27  }
0x13d: {  	v55 =	vld [tilespmem:s9+$0xFFFFFF60];
	[tilespmem:s9+$0xFFFFFF80] =	vst v15;
	v13 =	vmax.f32 v13, $0.0e+00  }
0x13e: {  	v15 =	vld [tilespmem:s10+$0xFFFFFF90];
	[tilespmem:s9+$0x0] =	vst v13;
	v12 =	vadd.f32 v14, v12  }
0x13f: {  	v11 =	vadd.f32 v28, v11;
	v13 =	vld [tilespmem:s10+$0x10]  }
0x140: {  	v14 =	vld [tilespmem:s24+$0xFFFFFF90];
	v12 =	vmax.f32 v12, $0.0e+00  }
0x141: {  	v32 =	vld [tilespmem:s24+$0x10];
	v11 =	vadd.f32 v29, v11;
	[tilespmem:s9+$0xFFFFFF10] =	vst v12  }
0x142: {  	v12 =	vld [tilespmem:s10+$0xFFFFFF20]  }
0x143: {  	v15 =	vadd.f32 v15, v20;
	v34 =	vld [tilespmem:s24+$0xFFFFFF20];
	v11 =	vmax.f32 v11, $0.0e+00  }
0x144: {  	[tilespmem:s9+$0xA0] =	vst v11;
	v11 =	vld [tilespmem:s9+$0xB0];
	v13 =	vadd.f32 v13, v30  }
0x145: {  	v14 =	vadd.f32 v14, v15;
	v33 =	vld [tilespmem:s10+$0xB0]  }
0x146: {  	v56 =	vld [tilespmem:s9+$0xFFFFFFE0];
	v13 =	vadd.f32 v32, v13  }
0x147: {  	v15 =	vld [tilespmem:s24+$0xB0];
	v14 =	vmax.f32 v14, $0.0e+00;
	v12 =	vadd.f32 v12, v31  }
0x148: {  	v2 =	vld [tilespmem:s16+$0xF0];
	[tilespmem:s9+$0xFFFFFF90] =	vst v14;
	v13 =	vmax.f32 v13, $0.0e+00  }
0x149: {  	v14 =	vld [tilespmem:s10+$0xFFFFFFA0];
	[tilespmem:s9+$0x10] =	vst v13;
	v12 =	vadd.f32 v34, v12  }
0x14a: {  	v11 =	vadd.f32 v33, v11;
	v13 =	vld [tilespmem:s10+$0x20]  }
0x14b: {  	v38 =	vld [tilespmem:s24+$0x20];
	v12 =	vmax.f32 v12, $0.0e+00  }
0x14c: {  	v11 =	vadd.f32 v15, v11;
	v15 =	vld [tilespmem:s24+$0xFFFFFFA0];
	[tilespmem:s9+$0xFFFFFF20] =	vst v12  }
0x14d: {  	v12 =	vld [tilespmem:s10+$0xFFFFFF30]  }
0x14e: {  	v40 =	vld [tilespmem:s24+$0xFFFFFF30];
	v11 =	vmax.f32 v11, $0.0e+00  }
0x14f: {  	v3 =	vmax.f32 v3, $0.0e+00;
	v14 =	vadd.f32 v14, v35;
	[tilespmem:s9+$0xB0] =	vst v11;
	v11 =	vld [tilespmem:s9+$0xC0]  }
0x150: {  	[tilespmem:s16+$0xE0] =	vst v3;
	v13 =	vadd.f32 v13, v36;
	v39 =	vld [tilespmem:s10+$0xC0]  }
0x151: {  	v3 =	vld [tilespmem:s13+$0xF0];
	v14 =	vadd.f32 v15, v14  }
0x152: {  	v15 =	vld [tilespmem:s24+$0xC0];
	v13 =	vadd.f32 v38, v13  }
0x153: {  	v10 =	vld [tilespmem:s25+$0xF0];
	v12 =	vadd.f32 v12, v37;
	v14 =	vmax.f32 v14, $0.0e+00  }
0x154: {  	v6 =	vld [tilespmem:s16+$0xFFFFFF70];
	v13 =	vmax.f32 v13, $0.0e+00;
	[tilespmem:s9+$0xFFFFFFA0] =	vst v14  }
0x155: {  	[tilespmem:s9+$0x20] =	vst v13;
	v12 =	vadd.f32 v40, v12;
	v11 =	vadd.f32 v39, v11;
	v13 =	vld [tilespmem:s10+$0xFFFFFFB0]  }
0x156: {  	v14 =	vld [tilespmem:s10+$0x30]  }
0x157: {  	v2 =	vadd.f32 v3, v2;
	v12 =	vmax.f32 v12, $0.0e+00;
	v11 =	vadd.f32 v15, v11;
	v15 =	vld [tilespmem:s24+$0xFFFFFFB0]  }
0x158: {  	[tilespmem:s9+$0xFFFFFF30] =	vst v12;
	v12 =	vld [tilespmem:s24+$0x30]  }
0x159: {  	v2 =	vadd.f32 v10, v2;
	v10 =	vld [tilespmem:s9+$0xFFFFFFF0];
	v11 =	vmax.f32 v11, $0.0e+00  }
0x15a: {  	v44 =	vld [tilespmem:s10+$0xFFFFFF40];
	[tilespmem:s9+$0xC0] =	vst v11;
	v11 =	vadd.f32 v13, v41  }
0x15b: {  	v13 =	vld [tilespmem:s9+$0xD0];
	v14 =	vadd.f32 v14, v42  }
0x15c: {  	v45 =	vld [tilespmem:s10+$0xD0];
	v11 =	vadd.f32 v15, v11  }
0x15d: {  	v47 =	vld [tilespmem:s24+$0xFFFFFF40];
	v12 =	vadd.f32 v12, v14  }
0x15e: {  	v14 =	vld [tilespmem:s24+$0xD0];
	v11 =	vmax.f32 v11, $0.0e+00  }
0x15f: {  	v15 =	vld [tilespmem:s9+$0x40];
	[tilespmem:s9+$0xFFFFFFB0] =	vst v11;
	v11 =	vmax.f32 v12, $0.0e+00  }
0x160: {  	v12 =	vld [tilespmem:s10+$0xFFFFFFC0];
	[tilespmem:s9+$0x30] =	vst v11  }
0x161: {  	v11 =	vadd.f32 v45, v13;
	v13 =	vld [tilespmem:s10+$0x40]  }
0x162: {  	v48 =	vld [tilespmem:s24+$0xFFFFFFC0]  }
0x163: {  	v5 =	vld [tilespmem:s16+$0xFFFFFFF0];
	v11 =	vadd.f32 v14, v11  }
0x164: {  	v16 =	vadd.f32 v44, v43;
	v14 =	vld [tilespmem:s24+$0x40]  }
0x165: {  	v4 =	vld [tilespmem:s16+$0x70];
	v11 =	vmax.f32 v11, $0.0e+00;
	v12 =	vadd.f32 v12, v46  }
0x166: {  	v8 =	vmax.f32 v8, $0.0e+00;
	[tilespmem:s9+$0xD0] =	vst v11;
	v11 =	vadd.f32 v47, v16;
	v13 =	vadd.f32 v13, v15;
	v15 =	vld [tilespmem:s9+$0xE0]  }
0x167: {  	[tilespmem:s16+$0xFFFFFF60] =	vst v8;
	v51 =	vld [tilespmem:s10+$0xE0];
	v12 =	vadd.f32 v48, v12  }
0x168: {  	v9 =	vld [tilespmem:s13+$0xFFFFFF70];
	v11 =	vmax.f32 v11, $0.0e+00  }
0x169: {  	v13 =	vadd.f32 v14, v13;
	[tilespmem:s9+$0xFFFFFF40] =	vst v11;
	v11 =	vmax.f32 v12, $0.0e+00;
	v12 =	vld [tilespmem:s24+$0xE0]  }
0x16a: {  	v14 =	vld [tilespmem:s10+$0xFFFFFF50]  }
0x16b: {  	v53 =	vld [tilespmem:s24+$0xFFFFFF50];
	[tilespmem:s9+$0xFFFFFFC0] =	vst v11;
	v11 =	vmax.f32 v13, $0.0e+00  }
0x16c: {  	v13 =	vld [tilespmem:s10+$0xFFFFFFD0];
	[tilespmem:s9+$0x40] =	vst v11;
	v15 =	vadd.f32 v51, v15  }
0x16d: {  	v11 =	vld [tilespmem:s10+$0x50]  }
0x16e: {  	v54 =	vld [tilespmem:s24+$0xFFFFFFD0];
	v12 =	vadd.f32 v12, v15  }
0x16f: {  	v15 =	vld [tilespmem:s24+$0x50];
	v14 =	vadd.f32 v14, v49  }
0x170: {  	v62 =	vld [tilespmem:s25+$0xFFFFFF70];
	v12 =	vmax.f32 v12, $0.0e+00  }
0x171: {  	v8 =	vld [tilespmem:s13+$0xFFFFFFF0];
	v13 =	vadd.f32 v13, v50;
	[tilespmem:s9+$0xE0] =	vst v12;
	v12 =	vadd.f32 v53, v14  }
0x172: {  	v11 =	vadd.f32 v11, v52;
	v14 =	vld [tilespmem:s9+$0xF0]  }
0x173: {  	v13 =	vadd.f32 v54, v13;
	v57 =	vld [tilespmem:s10+$0xF0];
	v12 =	vmax.f32 v12, $0.0e+00  }
0x174: {  	v11 =	vadd.f32 v15, v11;
	v15 =	vld [tilespmem:s9+$0x60];
	[tilespmem:s9+$0xFFFFFF50] =	vst v12  }
0x175: {  	v12 =	vmax.f32 v13, $0.0e+00;
	v13 =	vld [tilespmem:s10+$0xFFFFFF60]  }
0x176: {  	[tilespmem:s9+$0xFFFFFFD0] =	vst v12;
	v11 =	vmax.f32 v11, $0.0e+00;
	v21 =	vld [tilespmem:s24+$0xFFFFFF60]  }
0x177: {  	v59 =	vld [tilespmem:s10+$0xFFFFFFE0];
	[tilespmem:s9+$0x50] =	vst v11  }
0x178: {  	v11 =	vld [tilespmem:s10+$0x60]  }
0x179: {  	v22 =	vld [tilespmem:s24+$0xFFFFFFE0]  }
0x17a: {  	v3 =	vld [tilespmem:s24+$0x60]  }
0x17b: {  	[tilespmem:s16+$0x60] =	vst v7;
	v58 =	vld [tilespmem:s24+$0xF0];
	v13 =	vadd.f32 v13, v55  }
0x17c: {  	v7 =	vld [tilespmem:s13+$0x70];
	v60 =	vadd.f32 v59, v56  }
0x17d: {  	v12 =	vld [tilespmem:s9+$0xFFFFFF70];
	v15 =	vadd.f32 v11, v15;
	v13 =	vadd.f32 v21, v13  }
0x17e: {  	v2 =	vmax.f32 v2, $0.0e+00;
	v14 =	vadd.f32 v57, v14;
	v11 =	vld [tilespmem:s9+$0x70];
	v61 =	vadd.f32 v22, v60  }
0x17f: {  	[tilespmem:s16+$0xF0] =	vst v2;
	v2 =	vmax.f32 v13, $0.0e+00;
	v3 =	vadd.f32 v3, v15;
	v13 =	vld [tilespmem:s25+$0xFFFFFFF0]  }
0x180: {  	v15 =	vadd.f32 v58, v14;
	v14 =	vld [tilespmem:s25+$0x70];
	[tilespmem:s9+$0xFFFFFF60] =	vst v2;
	v2 =	vmax.f32 v61, $0.0e+00  }
0x181: {  	v63 =	vadd.f32 v9, v6;
	[tilespmem:s9+$0xFFFFFFE0] =	vst v2;
	v9 =	vld [tilespmem:s10+$0xFFFFFF70];
	v3 =	vmax.f32 v3, $0.0e+00  }
0x182: {  	v2 =	vadd.f32 v8, v5;
	v6 =	vmax.f32 v15, $0.0e+00;
	v5 =	vld [tilespmem:s10+$0xFFFFFFF0];
	[tilespmem:s9+$0x60] =	vst v3  }
0x183: {  	s22 =	simm.s32 $0x700;
	s13 =	simm.s32 $0x2D00;
	s25 =	simm.s32 $0x4;
	v3 =	vadd.f32 v7, v4;
	[tilespmem:s9+$0xF0] =	vst v6;
	v4 =	vadd.f32 v62, v63;
	v6 =	vld [tilespmem:s10+$0x70]  }
.LBB2_7:
0x184: {  	v7 =	vld [tilespmem:s22+$0x80];
	s10 =	sadd.s32 $0x200, s10;
	v2 =	vadd.f32 v13, v2  }
0x185: {  	s25 =	sadd.s32 $0x4, s25;
	v8 =	vld [tilespmem:s10+$0x80];
	v13 =	vmax.f32 v4, $0.0e+00;
	v3 =	vadd.f32 v14, v3  }
0x186: {  	s24 =	sadd.s32 $0x200, s24;
	p0 =	slt.u32 s25, $0x24;
	v14 =	vld [tilespmem:s10+$0xFFFFFF00];
	v4 =	vadd.f32 v9, v12;
	[tilespmem:s16+$0xFFFFFF70] =	vst v13;
	v9 =	vmax.f32 v2, $0.0e+00  }
0x187: {  	v12 =	vld [tilespmem:s24+$0x80];
	v2 =	vadd.f32 v5, v10;
	[tilespmem:s16+$0xFFFFFFF0] =	vst v9;
	v5 =	vmax.f32 v3, $0.0e+00  }
0x188: {  	v9 =	vld [tilespmem:s22+$0xFFFFFF80];
	v3 =	vadd.f32 v6, v11;
	[tilespmem:s16+$0x70] =	vst v5;
	s16 =	smov.u32 s9;
	s9 =	smov.u32 s22  }
0x189: {  	v5 =	vld [tilespmem:s10+$0xFFFFFF80]  }
0x18a: {  	v6 =	vld [tilespmem:s22+$0x0];
	v7 =	vadd.f32 v8, v7  }
0x18b: {  	v8 =	vld [tilespmem:s10+$0x0]  }
0x18c: {  	v10 =	vld [tilespmem:s22+$0xFFFFFF00];
	v7 =	vadd.f32 v12, v7  }
0x18d: {  	v11 =	vld [tilespmem:s24+$0xFFFFFF00]  }
0x18e: {  	v5 =	vadd.f32 v5, v9;
	v9 =	vld [tilespmem:s24+$0xFFFFFF80];
	v7 =	vmax.f32 v7, $0.0e+00  }
0x18f: {  	[tilespmem:s22+$0x80] =	vst v7;
	v7 =	vld [tilespmem:s22+$0x90]  }
0x190: {  	v6 =	vadd.f32 v8, v6;
	v8 =	vld [tilespmem:s10+$0x90]  }
0x191: {  	v10 =	vadd.f32 v14, v10;
	v12 =	vld [tilespmem:s24+$0x0]  }
0x192: {  	v13 =	vld [tilespmem:s24+$0x90]  }
0x193: {  	v10 =	vadd.f32 v11, v10;
	v11 =	vld [tilespmem:s22+$0xFFFFFF10];
	v5 =	vadd.f32 v9, v5  }
0x194: {  	v9 =	vld [tilespmem:s22+$0xFFFFFF90]  }
0x195: {  	v10 =	vmax.f32 v10, $0.0e+00;
	v5 =	vmax.f32 v5, $0.0e+00;
	v14 =	vld [tilespmem:s22+$0x10];
	v7 =	vadd.f32 v8, v7  }
0x196: {  	[tilespmem:s22+$0xFFFFFF00] =	vst v10;
	v8 =	vld [tilespmem:s22+$0xFFFFFF20];
	v6 =	vadd.f32 v12, v6  }
0x197: {  	v10 =	vld [tilespmem:s10+$0xFFFFFF10];
	[tilespmem:s22+$0xFFFFFF80] =	vst v5;
	v5 =	vadd.f32 v13, v7  }
0x198: {  	v7 =	vld [tilespmem:s10+$0xFFFFFF90];
	v6 =	vmax.f32 v6, $0.0e+00  }
0x199: {  	v12 =	vld [tilespmem:s24+$0xFFFFFF10];
	[tilespmem:s22+$0x0] =	vst v6;
	v5 =	vmax.f32 v5, $0.0e+00  }
0x19a: {  	[tilespmem:s22+$0x90] =	vst v5;
	v5 =	vld [tilespmem:s22+$0xA0]  }
0x19b: {  	v6 =	vld [tilespmem:s10+$0xA0]  }
0x19c: {  	v10 =	vadd.f32 v10, v11;
	v11 =	vld [tilespmem:s10+$0x10]  }
0x19d: {  	v7 =	vadd.f32 v7, v9;
	v9 =	vld [tilespmem:s24+$0xA0]  }
0x19e: {  	v10 =	vadd.f32 v12, v10;
	v12 =	vld [tilespmem:s24+$0xFFFFFF90]  }
0x19f: {  	v13 =	vld [tilespmem:s24+$0x10]  }
0x1a0: {  	v10 =	vmax.f32 v10, $0.0e+00;
	v15 =	vld [tilespmem:s22+$0xFFFFFFA0];
	v5 =	vadd.f32 v6, v5  }
0x1a1: {  	[tilespmem:s22+$0xFFFFFF10] =	vst v10;
	v6 =	vadd.f32 v11, v14;
	v10 =	vld [tilespmem:s22+$0x20]  }
0x1a2: {  	v11 =	vld [tilespmem:s10+$0xFFFFFF20];
	v5 =	vadd.f32 v9, v5  }
0x1a3: {  	v9 =	vld [tilespmem:s24+$0xFFFFFF20];
	v7 =	vadd.f32 v12, v7  }
0x1a4: {  	v12 =	vld [tilespmem:s22+$0xFFFFFF30];
	v6 =	vadd.f32 v13, v6;
	v5 =	vmax.f32 v5, $0.0e+00  }
0x1a5: {  	v7 =	vmax.f32 v7, $0.0e+00;
	[tilespmem:s22+$0xA0] =	vst v5;
	v5 =	vld [tilespmem:s22+$0xB0]  }
0x1a6: {  	[tilespmem:s22+$0xFFFFFF90] =	vst v7;
	v6 =	vmax.f32 v6, $0.0e+00;
	v7 =	vld [tilespmem:s10+$0xB0]  }
0x1a7: {  	v8 =	vadd.f32 v11, v8;
	v11 =	vld [tilespmem:s10+$0xFFFFFFA0];
	[tilespmem:s22+$0x10] =	vst v6  }
0x1a8: {  	v6 =	vld [tilespmem:s24+$0xB0]  }
0x1a9: {  	v8 =	vadd.f32 v9, v8;
	v9 =	vld [tilespmem:s10+$0x20]  }
0x1aa: {  	v13 =	vld [tilespmem:s24+$0xFFFFFFA0]  }
0x1ab: {  	v8 =	vmax.f32 v8, $0.0e+00;
	v14 =	vld [tilespmem:s24+$0x20];
	v5 =	vadd.f32 v7, v5  }
0x1ac: {  	[tilespmem:s22+$0xFFFFFF20] =	vst v8;
	v7 =	vadd.f32 v11, v15;
	v8 =	vld [tilespmem:s22+$0xFFFFFFB0]  }
0x1ad: {  	v11 =	vld [tilespmem:s10+$0xFFFFFF30];
	v5 =	vadd.f32 v6, v5  }
0x1ae: {  	v6 =	vadd.f32 v9, v10;
	v9 =	vld [tilespmem:s22+$0x30]  }
0x1af: {  	v10 =	vld [tilespmem:s24+$0xFFFFFF30];
	v7 =	vadd.f32 v13, v7;
	v5 =	vmax.f32 v5, $0.0e+00  }
0x1b0: {  	v6 =	vadd.f32 v14, v6;
	[tilespmem:s22+$0xB0] =	vst v5;
	v5 =	vld [tilespmem:s22+$0xC0]  }
0x1b1: {  	v7 =	vmax.f32 v7, $0.0e+00;
	v13 =	vld [tilespmem:s10+$0xC0]  }
0x1b2: {  	v11 =	vadd.f32 v11, v12;
	v12 =	vld [tilespmem:s22+$0xFFFFFF40];
	[tilespmem:s22+$0xFFFFFFA0] =	vst v7;
	v6 =	vmax.f32 v6, $0.0e+00  }
0x1b3: {  	[tilespmem:s22+$0x20] =	vst v6;
	v6 =	vld [tilespmem:s24+$0xC0]  }
0x1b4: {  	v7 =	vadd.f32 v10, v11;
	v10 =	vld [tilespmem:s10+$0xFFFFFFB0]  }
0x1b5: {  	v11 =	vld [tilespmem:s10+$0x30]  }
0x1b6: {  	v7 =	vmax.f32 v7, $0.0e+00;
	v14 =	vld [tilespmem:s24+$0xFFFFFFB0];
	v5 =	vadd.f32 v13, v5  }
0x1b7: {  	[tilespmem:s22+$0xFFFFFF30] =	vst v7;
	v7 =	vld [tilespmem:s24+$0x30]  }
0x1b8: {  	v13 =	vld [tilespmem:s10+$0xFFFFFF40];
	v5 =	vadd.f32 v6, v5  }
0x1b9: {  	v6 =	vadd.f32 v10, v8;
	v8 =	vld [tilespmem:s22+$0xFFFFFFC0]  }
0x1ba: {  	v9 =	vadd.f32 v11, v9;
	v10 =	vld [tilespmem:s22+$0x40];
	v5 =	vmax.f32 v5, $0.0e+00  }
0x1bb: {  	v6 =	vadd.f32 v14, v6;
	[tilespmem:s22+$0xC0] =	vst v5;
	v5 =	vld [tilespmem:s22+$0xD0]  }
0x1bc: {  	v7 =	vadd.f32 v7, v9;
	v9 =	vld [tilespmem:s10+$0xD0]  }
0x1bd: {  	v11 =	vadd.f32 v13, v12;
	v12 =	vld [tilespmem:s24+$0xFFFFFF40];
	v6 =	vmax.f32 v6, $0.0e+00  }
0x1be: {  	[tilespmem:s22+$0xFFFFFFB0] =	vst v6;
	v6 =	vmax.f32 v7, $0.0e+00;
	v7 =	vld [tilespmem:s24+$0xD0]  }
0x1bf: {  	v13 =	vld [tilespmem:s10+$0xFFFFFFC0];
	[tilespmem:s22+$0x30] =	vst v6  }
0x1c0: {  	v6 =	vld [tilespmem:s10+$0x40]  }
0x1c1: {  	v14 =	vld [tilespmem:s24+$0xFFFFFFC0];
	v5 =	vadd.f32 v9, v5  }
0x1c2: {  	v9 =	vadd.f32 v12, v11;
	v11 =	vld [tilespmem:s24+$0x40]  }
0x1c3: {  	v12 =	vld [tilespmem:s22+$0xFFFFFF50];
	v5 =	vadd.f32 v7, v5  }
0x1c4: {  	v7 =	vmax.f32 v9, $0.0e+00;
	v8 =	vadd.f32 v13, v8;
	v9 =	vld [tilespmem:s22+$0xFFFFFFD0]  }
0x1c5: {  	[tilespmem:s22+$0xFFFFFF40] =	vst v7;
	v6 =	vadd.f32 v6, v10;
	v7 =	vld [tilespmem:s22+$0x50];
	v5 =	vmax.f32 v5, $0.0e+00  }
0x1c6: {  	v8 =	vadd.f32 v14, v8;
	[tilespmem:s22+$0xD0] =	vst v5;
	v5 =	vld [tilespmem:s22+$0xE0]  }
0x1c7: {  	v6 =	vadd.f32 v11, v6;
	v10 =	vld [tilespmem:s10+$0xE0]  }
0x1c8: {  	v11 =	vld [tilespmem:s10+$0xFFFFFF50];
	v8 =	vmax.f32 v8, $0.0e+00  }
0x1c9: {  	[tilespmem:s22+$0xFFFFFFC0] =	vst v8;
	v6 =	vmax.f32 v6, $0.0e+00;
	v8 =	vld [tilespmem:s24+$0xE0]  }
0x1ca: {  	v13 =	vld [tilespmem:s10+$0xFFFFFFD0];
	[tilespmem:s22+$0x40] =	vst v6  }
0x1cb: {  	v6 =	vld [tilespmem:s10+$0x50]  }
0x1cc: {  	v14 =	vld [tilespmem:s24+$0xFFFFFF50];
	v5 =	vadd.f32 v10, v5  }
0x1cd: {  	v10 =	vadd.f32 v11, v12;
	v11 =	vld [tilespmem:s24+$0xFFFFFFD0]  }
0x1ce: {  	v12 =	vld [tilespmem:s24+$0x50];
	v5 =	vadd.f32 v8, v5  }
0x1cf: {  	v8 =	vld [tilespmem:s22+$0xFFFFFF60];
	v9 =	vadd.f32 v13, v9  }
0x1d0: {  	v13 =	vld [tilespmem:s22+$0xFFFFFFE0];
	v6 =	vadd.f32 v6, v7;
	v5 =	vmax.f32 v5, $0.0e+00  }
0x1d1: {  	v7 =	vadd.f32 v14, v10;
	[tilespmem:s22+$0xE0] =	vst v5;
	v5 =	vld [tilespmem:s22+$0xF0]  }
0x1d2: {  	v9 =	vadd.f32 v11, v9;
	v10 =	vld [tilespmem:s10+$0xF0]  }
0x1d3: {  	v7 =	vmax.f32 v7, $0.0e+00;
	v6 =	vadd.f32 v12, v6;
	v11 =	vld [tilespmem:s22+$0x60]  }
0x1d4: {  	[tilespmem:s22+$0xFFFFFF50] =	vst v7;
	v7 =	vmax.f32 v9, $0.0e+00;
	v9 =	vld [tilespmem:s24+$0xF0]  }
0x1d5: {  	v12 =	vld [tilespmem:s10+$0xFFFFFF60];
	[tilespmem:s22+$0xFFFFFFD0] =	vst v7;
	v6 =	vmax.f32 v6, $0.0e+00  }
0x1d6: {  	v7 =	vld [tilespmem:s10+$0xFFFFFFE0];
	[tilespmem:s22+$0x50] =	vst v6  }
0x1d7: {  	v6 =	vld [tilespmem:s10+$0x60];
	v5 =	vadd.f32 v10, v5  }
0x1d8: {  	v14 =	vld [tilespmem:s24+$0xFFFFFF60]  }
0x1d9: {  	v15 =	vld [tilespmem:s24+$0xFFFFFFE0];
	v5 =	vadd.f32 v9, v5  }
0x1da: {  	v8 =	vadd.f32 v12, v8;
	v9 =	vld [tilespmem:s24+$0x60]  }
0x1db: {  	v12 =	vld [tilespmem:s22+$0xFFFFFF70];
	v7 =	vadd.f32 v7, v13;
	v5 =	vmax.f32 v5, $0.0e+00  }
0x1dc: {  	v10 =	vld [tilespmem:s22+$0xFFFFFFF0];
	v6 =	vadd.f32 v6, v11;
	[tilespmem:s22+$0xF0] =	vst v5  }
0x1dd: {  	v5 =	vadd.f32 v14, v8;
	v11 =	vld [tilespmem:s22+$0x70]  }
0x1de: {  	v7 =	vadd.f32 v15, v7;
	v8 =	vld [tilespmem:s13+$0xFFFFFF70]  }
.Ltmp4:
0x1df: {  	v5 =	vmax.f32 v5, $0.0e+00;
	v6 =	vadd.f32 v9, v6;
	v13 =	vld [tilespmem:s13+$0xFFFFFFF0];
	(pc) =	sbr.rel @p0 .LBB2_7-.Ltmp4, $4  }
0x1e0: {  	[tilespmem:s22+$0xFFFFFF60] =	vst v5;
	v5 =	vmax.f32 v7, $0.0e+00;
	v14 =	vld [tilespmem:s13+$0x70];
	s13 =	smov.u32 s24  }
0x1e1: {  	v9 =	vld [tilespmem:s10+$0xFFFFFF70];
	[tilespmem:s22+$0xFFFFFFE0] =	vst v5;
	v6 =	vmax.f32 v6, $0.0e+00  }
0x1e2: {  	v5 =	vld [tilespmem:s10+$0xFFFFFFF0];
	[tilespmem:s22+$0x60] =	vst v6  }
0x1e3: {  	s22 =	sadd.s32 $0x200, s22;
	v6 =	vld [tilespmem:s10+$0x70];
	v4 =	vadd.f32 v8, v4  }
0x1e4: {  	v7 =	vld [tilespmem:s13+$0xFFFFFF70]  }
0x1e5: {  	v8 =	vld [tilespmem:s13+$0xFFFFFFF0]  }
0x1e6: {  	v15 =	vld [tilespmem:s13+$0x70]  }
0x1e7: {  	v2 =	vadd.f32 v13, v2;
	v9 =	vadd.f32 v9, v12  }
0x1e8: {  	v4 =	vmax.f32 v4, $0.0e+00;
	v3 =	vadd.f32 v14, v3;
	v5 =	vadd.f32 v5, v10  }
0x1e9: {  	[tilespmem:s16+$0xFFFFFF70] =	vst v4;
	v2 =	vmax.f32 v2, $0.0e+00;
	v4 =	vadd.f32 v6, v11;
	v6 =	vadd.f32 v7, v9  }
0x1ea: {  	[tilespmem:s16+$0xFFFFFFF0] =	vst v2;
	v2 =	vmax.f32 v3, $0.0e+00;
	v3 =	vadd.f32 v8, v5  }
0x1eb: {  	[tilespmem:s16+$0x70] =	vst v2;
	v4 =	vadd.f32 v15, v4;
	v2 =	vmax.f32 v6, $0.0e+00  }
0x1ec: {  	[tilespmem:s9+$0xFFFFFF70] =	vst v2;
	v2 =	vmax.f32 v3, $0.0e+00  }
0x1ed: {  	[tilespmem:s9+$0xFFFFFFF0] =	vst v2;
	v2 =	vmax.f32 v4, $0.0e+00  }
0x1ee: {  	p0 =	seq.s32 s11, $0x7C;
	s16 =	simm.s32 $0x200;
	[tilespmem:s9+$0x70] =	vst v2  }
0x1ef: {  	[spmem:s2] =	stream.indirect.scatter.add.f32 [tilespmem:s16], [sflag:$0x9], $0x80, s3, s17, $0xb8;
	[tilespmem:$0x1E200] =	vst v63  }
0x1f0: {  	s9 =	sadd.s32 @!p0 s12, s21;
	_ =	swait.ge [sflag:s14], $0x1400  }
0x1f1: {  	s10 =	sshrl.u32 @!p0 s9, $0x3;
	[sflag:s14] =	ssyncset.done $0x0  }
0x1f2: {  	s16 =	simm.s32 @!p0 $0x0;
	s13 =	sadd.s32 @!p0 s5, s10;
	[sflag:s14] =	ssyncadd.s32 $0xFFFFEC00  }
0x1f3: {  	[tilespmem:s16], [sflag:$0x7] =	stream.linear.gather @!p0 [hbm4b:s13+s16], $0x28, $0x38;
	[tilespmem:$0x1E200] =	vst v63  }
0x1f4: {  	s10 =	sadd.s32 @!p0 s6, s10;
	s13 =	simm.s32 @!p0 $0x80  }
0x1f5: {  	[tilespmem:s13], [sflag:$0x7] =	stream.linear.gather @!p0 [hbm4b:s10+s16], $0x28, $0x38;
	[tilespmem:$0x1E200] =	vst v63  }
0x1f6: {  	s10 =	simm.s32 @!p0 $0x7  }
0x1f7: {  	_ =	swait.ge @!p0 [sflag:s10], $0x28  }
0x1f8: {  	[sflag:s10] =	ssyncset.done @!p0 $0x0  }
0x1f9: {  	[sflag:s10] =	ssyncadd.s32 @!p0 $0xFFFFFFD8  }
0x1fa: {  	_ =	swait.ge @!p0 [sflag:s10], $0x28  }
0x1fb: {  	[sflag:s10] =	ssyncset.done @!p0 $0x0  }
0x1fc: {  	s22 =	simm.s32 @!p0 $0x200;
	[sflag:s10] =	ssyncadd.s32 @!p0 $0xFFFFFFD8;
	s10 =	simm.s32 @!p0 $0x28  }
0x1fd: {  	[tilespmem:s22], [sflag:$0x1] =	stream.indirect.gather @!p0 [hbm4b:s1+s10], $0x80, s16, s10, $0xb8;
	[tilespmem:$0x1E200] =	vst v63  }
0x1fe: {  	s9 =	sshll.u32 @!p0 s9, $0x4;
	s22 =	simm.s32 @!p0 $0x1600  }
0x1ff: {  	[tilespmem:s22], [sflag:$0x2] =	stream.indirect.gather @!p0 [hbm4b:s7+s10], $0x80, s13, s10, $0xb8;
	[tilespmem:$0x1E200] =	vst v63  }
0x200: {  	s9 =	sadd.s32 @!p0 s8, s9;
	s10 =	simm.s32 @!p0 $0x2A00  }
0x201: {  	[tilespmem:s10], [sflag:$0x3] =	stream.linear.gather @!p0 [hbm4b:s9+s16], $0x1400, $0x38;
	[tilespmem:$0x1E200] =	vst v63  }
0x202: {  	v2 =	vld [tilespmem:$0x100];
	_ =	sdelay $0x4  }
0x203: {  	(xrf1) =	vunique.msk.u32 $0xffff, v2;
	_ =	sdelay $0xd  }
0x204: {  	_, v3, vm1 =	vpop (xrf1);
	_ =	sdelay $0x2  }
0x205: {  	v3 =	vadd.s32 v0, v3  }
0x206: {  	v3 =	vcvt.s32.f32 v3;
	_ =	sdelay $0x1  }
0x207: {  	[tilespmem:v2+s26+$0x0] =	vst.idx.add.f32.msk vm1, v3  }
0x208: {  	v2 =	vld [tilespmem:$0x110];
	_ =	sdelay $0x4  }
0x209: {  	(xrf1) =	vunique.msk.u32 $0xffff, v2;
	_ =	sdelay $0xd  }
0x20a: {  	_, v3, vm1 =	vpop (xrf1);
	_ =	sdelay $0x2  }
0x20b: {  	v3 =	vadd.s32 v0, v3  }
0x20c: {  	v3 =	vcvt.s32.f32 v3;
	_ =	sdelay $0x1  }
0x20d: {  	[tilespmem:v2+s26+$0x0] =	vst.idx.add.f32.msk vm1, v3  }
0x20e: {  	v2 =	vld [tilespmem:$0x118];
	_ =	sdelay $0x4  }
0x20f: {  	(xrf1) =	vunique.msk.u32 vm0, v2;
	_ =	sdelay $0xd  }
0x210: {  	_, v3, vm1 =	vpop (xrf1)  }
0x211: {  	vm1 =	vmand vm1, vm0;
	_ =	sdelay $0x2  }
0x212: {  	v3 =	vadd.s32 v0, v3  }
0x213: {  	v3 =	vcvt.s32.f32 v3;
	_ =	sdelay $0x1  }
0x214: {  	[tilespmem:v2+s26+$0x0] =	vst.idx.add.f32.msk vm1, v3  }
0x215: {  	_ =	swait.ge [sflag:s31], $0x1400  }
0x216: {  	[sflag:s31] =	ssyncset.done $0x0  }
0x217: {  	[sflag:s31] =	ssyncadd.s32 $0xFFFFEC00  }
0x218: {  	_ =	swait.ge [sflag:s0], $0x1400  }
0x219: {  	[sflag:s0] =	ssyncset.done $0x0  }
0x21a: {  	[sflag:s0] =	ssyncadd.s32 $0xFFFFEC00  }
0x21b: {  	_ =	swait.ge [sflag:s4], $0x1400  }
0x21c: {  	[sflag:s4] =	ssyncset.done $0x0  }
0x21d: {  	s16 =	simm.s32 $0x3F00;
	[sflag:s4] =	ssyncadd.s32 $0xFFFFEC00  }
0x21e: {  	s22 =	simm.s32 $0x5300;
	v2 =	vld [tilespmem:s16+$0x80]  }
0x21f: {  	s25 =	simm.s32 $0x6700;
	v3 =	vld [tilespmem:s22+$0x80]  }
0x220: {  	v4 =	vld [tilespmem:s25+$0x80]  }
0x221: {  	v5 =	vld [tilespmem:s25+$0xFFFFFF00]  }
0x222: {  	v7 =	vld [tilespmem:s16+$0xFFFFFF80]  }
0x223: {  	v9 =	vld [tilespmem:s22+$0xFFFFFF80]  }
0x224: {  	s9 =	simm.s32 $0x4100;
	v10 =	vld [tilespmem:s22+$0x0]  }
0x225: {  	s10 =	simm.s32 $0x5500;
	v14 =	vld [tilespmem:s9+$0x80]  }
0x226: {  	v15 =	vld [tilespmem:s10+$0x80]  }
0x227: {  	v17 =	vld [tilespmem:s9+$0xFFFFFF80];
	v2 =	vadd.f32 v3, v2  }
0x228: {  	v18 =	vld [tilespmem:s10+$0xFFFFFF80]  }
0x229: {  	v3 =	vld [tilespmem:s22+$0xFFFFFF00];
	v2 =	vadd.f32 v4, v2  }
0x22a: {  	v4 =	vld [tilespmem:s16+$0xFFFFFF00]  }
0x22b: {  	v27 =	vld [tilespmem:s9+$0xFFFFFF10];
	v2 =	vmax.f32 v2, $0.0e+00  }
0x22c: {  	[tilespmem:s16+$0x80] =	vst v2;
	v2 =	vld [tilespmem:s16+$0x90]  }
0x22d: {  	v6 =	vld [tilespmem:s22+$0x90]  }
0x22e: {  	v8 =	vld [tilespmem:s25+$0x90]  }
0x22f: {  	s24 =	simm.s32 $0x6900;
	v3 =	vadd.f32 v3, v4;
	v4 =	vld [tilespmem:s16+$0x0]  }
0x230: {  	v19 =	vld [tilespmem:s24+$0x0]  }
0x231: {  	v20 =	vld [tilespmem:s9+$0xFFFFFF90]  }
0x232: {  	v3 =	vadd.f32 v5, v3;
	v5 =	vld [tilespmem:s25+$0xFFFFFF80];
	v2 =	vadd.f32 v6, v2  }
0x233: {  	v6 =	vld [tilespmem:s16+$0xFFFFFF10]  }
0x234: {  	v3 =	vmax.f32 v3, $0.0e+00;
	v4 =	vadd.f32 v10, v4;
	v10 =	vld [tilespmem:s16+$0x10];
	v2 =	vadd.f32 v8, v2  }
0x235: {  	[tilespmem:s16+$0xFFFFFF00] =	vst v3;
	v8 =	vld [tilespmem:s25+$0x0]  }
0x236: {  	v3 =	vld [tilespmem:s22+$0xFFFFFF10];
	v2 =	vmax.f32 v2, $0.0e+00  }
0x237: {  	v11 =	vld [tilespmem:s25+$0xFFFFFF10];
	[tilespmem:s16+$0x90] =	vst v2;
	v2 =	vadd.f32 v9, v7  }
0x238: {  	v7 =	vld [tilespmem:s16+$0xA0]  }
0x239: {  	v9 =	vld [tilespmem:s22+$0xA0];
	v2 =	vadd.f32 v5, v2  }
0x23a: {  	v5 =	vld [tilespmem:s16+$0xFFFFFF90];
	v4 =	vadd.f32 v8, v4  }
0x23b: {  	v8 =	vld [tilespmem:s25+$0xA0];
	v3 =	vadd.f32 v3, v6;
	v2 =	vmax.f32 v2, $0.0e+00  }
0x23c: {  	v6 =	vld [tilespmem:s16+$0xFFFFFF20];
	[tilespmem:s16+$0xFFFFFF80] =	vst v2;
	v2 =	vmax.f32 v4, $0.0e+00  }
0x23d: {  	v4 =	vld [tilespmem:s22+$0xFFFFFF90];
	[tilespmem:s16+$0x0] =	vst v2;
	v2 =	vadd.f32 v11, v3  }
0x23e: {  	v3 =	vadd.f32 v9, v7;
	v9 =	vld [tilespmem:s25+$0xFFFFFF90]  }
0x23f: {  	v7 =	vld [tilespmem:s22+$0x10];
	v2 =	vmax.f32 v2, $0.0e+00  }
0x240: {  	v3 =	vadd.f32 v8, v3;
	v8 =	vld [tilespmem:s25+$0x10];
	[tilespmem:s16+$0xFFFFFF10] =	vst v2  }
0x241: {  	v2 =	vld [tilespmem:s22+$0xFFFFFF20]  }
0x242: {  	v3 =	vmax.f32 v3, $0.0e+00;
	v11 =	vld [tilespmem:s25+$0xFFFFFF20]  }
0x243: {  	[tilespmem:s16+$0xA0] =	vst v3;
	v3 =	vadd.f32 v4, v5;
	v4 =	vld [tilespmem:s16+$0xB0]  }
0x244: {  	v5 =	vadd.f32 v7, v10;
	v7 =	vld [tilespmem:s22+$0xB0]  }
0x245: {  	v10 =	vld [tilespmem:s16+$0xFFFFFFA0];
	v3 =	vadd.f32 v9, v3  }
0x246: {  	v9 =	vld [tilespmem:s16+$0x20]  }
0x247: {  	v5 =	vadd.f32 v8, v5;
	v8 =	vld [tilespmem:s25+$0xB0];
	v3 =	vmax.f32 v3, $0.0e+00;
	v2 =	vadd.f32 v2, v6  }
0x248: {  	v6 =	vld [tilespmem:s16+$0xFFFFFF30];
	[tilespmem:s16+$0xFFFFFF90] =	vst v3  }
0x249: {  	v3 =	vmax.f32 v5, $0.0e+00;
	v5 =	vld [tilespmem:s22+$0xFFFFFFA0];
	v2 =	vadd.f32 v11, v2  }
0x24a: {  	[tilespmem:s16+$0x10] =	vst v3;
	v3 =	vadd.f32 v7, v4;
	v7 =	vld [tilespmem:s25+$0xFFFFFFA0]  }
0x24b: {  	v4 =	vld [tilespmem:s22+$0x20];
	v2 =	vmax.f32 v2, $0.0e+00  }
0x24c: {  	v3 =	vadd.f32 v8, v3;
	v8 =	vld [tilespmem:s25+$0x20];
	[tilespmem:s16+$0xFFFFFF20] =	vst v2  }
0x24d: {  	v2 =	vld [tilespmem:s22+$0xFFFFFF30]  }
0x24e: {  	v3 =	vmax.f32 v3, $0.0e+00;
	v11 =	vld [tilespmem:s25+$0xFFFFFF30]  }
0x24f: {  	[tilespmem:s16+$0xB0] =	vst v3;
	v3 =	vadd.f32 v5, v10;
	v5 =	vld [tilespmem:s16+$0xC0]  }
0x250: {  	v10 =	vld [tilespmem:s16+$0xFFFFFFB0];
	v4 =	vadd.f32 v4, v9  }
0x251: {  	v9 =	vld [tilespmem:s22+$0xC0];
	v3 =	vadd.f32 v7, v3  }
0x252: {  	v7 =	vld [tilespmem:s25+$0xC0];
	v4 =	vadd.f32 v8, v4  }
0x253: {  	v8 =	vld [tilespmem:s16+$0x30];
	v3 =	vmax.f32 v3, $0.0e+00;
	v2 =	vadd.f32 v2, v6  }
0x254: {  	v6 =	vld [tilespmem:s16+$0xFFFFFF40];
	[tilespmem:s16+$0xFFFFFFA0] =	vst v3;
	v3 =	vmax.f32 v4, $0.0e+00  }
0x255: {  	[tilespmem:s16+$0x20] =	vst v3;
	v2 =	vadd.f32 v11, v2;
	v3 =	vld [tilespmem:s22+$0xFFFFFFB0]  }
0x256: {  	v4 =	vadd.f32 v9, v5;
	v5 =	vld [tilespmem:s22+$0x30]  }
0x257: {  	v9 =	vld [tilespmem:s25+$0xFFFFFFB0];
	v2 =	vmax.f32 v2, $0.0e+00  }
0x258: {  	v4 =	vadd.f32 v7, v4;
	[tilespmem:s16+$0xFFFFFF30] =	vst v2;
	v2 =	vld [tilespmem:s25+$0x30]  }
0x259: {  	v7 =	vld [tilespmem:s22+$0xFFFFFF40]  }
0x25a: {  	v4 =	vmax.f32 v4, $0.0e+00;
	v11 =	vld [tilespmem:s25+$0xFFFFFF40];
	v3 =	vadd.f32 v3, v10  }
0x25b: {  	[tilespmem:s16+$0xC0] =	vst v4;
	v4 =	vadd.f32 v5, v8;
	v5 =	vld [tilespmem:s16+$0xD0]  }
0x25c: {  	v8 =	vld [tilespmem:s22+$0xD0];
	v3 =	vadd.f32 v9, v3  }
0x25d: {  	v10 =	vld [tilespmem:s16+$0xFFFFFFC0]  }
0x25e: {  	v2 =	vadd.f32 v2, v4;
	v4 =	vld [tilespmem:s25+$0xD0];
	v3 =	vmax.f32 v3, $0.0e+00  }
0x25f: {  	v9 =	vld [tilespmem:s16+$0x40];
	[tilespmem:s16+$0xFFFFFFB0] =	vst v3  }
0x260: {  	v2 =	vmax.f32 v2, $0.0e+00;
	v3 =	vld [tilespmem:s22+$0xFFFFFFC0]  }
0x261: {  	[tilespmem:s16+$0x30] =	vst v2;
	v5 =	vadd.f32 v8, v5;
	v8 =	vld [tilespmem:s25+$0xFFFFFFC0]  }
0x262: {  	v6 =	vadd.f32 v7, v6;
	v2 =	vld [tilespmem:s22+$0x40]  }
0x263: {  	v7 =	vld [tilespmem:s25+$0x40];
	v4 =	vadd.f32 v4, v5  }
0x264: {  	v6 =	vadd.f32 v11, v6;
	v5 =	vld [tilespmem:s16+$0xFFFFFF50]  }
0x265: {  	v4 =	vmax.f32 v4, $0.0e+00;
	v3 =	vadd.f32 v3, v10;
	v10 =	vld [tilespmem:s16+$0xFFFFFFD0]  }
0x266: {  	[tilespmem:s16+$0xD0] =	vst v4;
	v4 =	vmax.f32 v6, $0.0e+00;
	v6 =	vld [tilespmem:s16+$0xE0]  }
0x267: {  	v2 =	vadd.f32 v2, v9;
	v9 =	vld [tilespmem:s16+$0x50];
	v3 =	vadd.f32 v8, v3  }
0x268: {  	[tilespmem:s16+$0xFFFFFF40] =	vst v4;
	v4 =	vld [tilespmem:s22+$0xE0]  }
0x269: {  	v2 =	vadd.f32 v7, v2;
	v7 =	vld [tilespmem:s22+$0xFFFFFF50];
	v3 =	vmax.f32 v3, $0.0e+00  }
0x26a: {  	[tilespmem:s16+$0xFFFFFFC0] =	vst v3;
	v3 =	vld [tilespmem:s25+$0xE0]  }
0x26b: {  	v11 =	vld [tilespmem:s25+$0xFFFFFF50];
	v2 =	vmax.f32 v2, $0.0e+00  }
0x26c: {  	v8 =	vld [tilespmem:s22+$0xFFFFFFD0];
	[tilespmem:s16+$0x40] =	vst v2  }
0x26d: {  	v4 =	vadd.f32 v4, v6;
	v2 =	vld [tilespmem:s22+$0x50]  }
0x26e: {  	v6 =	vld [tilespmem:s25+$0xFFFFFFD0]  }
0x26f: {  	v12 =	vld [tilespmem:s25+$0x50];
	v3 =	vadd.f32 v3, v4;
	v4 =	vadd.f32 v7, v5  }
0x270: {  	v30 =	vld [tilespmem:s9+$0x10]  }
0x271: {  	v31 =	vld [tilespmem:s9+$0xFFFFFF20];
	v7 =	vadd.f32 v8, v10;
	v4 =	vadd.f32 v11, v4  }
0x272: {  	v5 =	vld [tilespmem:s16+$0xFFFFFF60];
	v9 =	vadd.f32 v2, v9  }
0x273: {  	v8 =	vld [tilespmem:s16+$0xFFFFFFE0];
	v6 =	vadd.f32 v6, v7;
	v4 =	vmax.f32 v4, $0.0e+00  }
0x274: {  	v7 =	vadd.f32 v12, v9;
	v9 =	vld [tilespmem:s16+$0x60];
	[tilespmem:s16+$0xFFFFFF50] =	vst v4  }
0x275: {  	v4 =	vmax.f32 v6, $0.0e+00;
	v6 =	vld [tilespmem:s22+$0xFFFFFF60]  }
0x276: {  	[tilespmem:s16+$0xFFFFFFD0] =	vst v4;
	v4 =	vmax.f32 v7, $0.0e+00;
	v11 =	vld [tilespmem:s25+$0xFFFFFF60]  }
0x277: {  	v7 =	vld [tilespmem:s22+$0xFFFFFFE0];
	[tilespmem:s16+$0x50] =	vst v4  }
0x278: {  	v4 =	vld [tilespmem:s22+$0x60]  }
0x279: {  	v12 =	vld [tilespmem:s25+$0xFFFFFFE0]  }
0x27a: {  	v13 =	vld [tilespmem:s25+$0x60];
	v5 =	vadd.f32 v6, v5  }
0x27b: {  	v35 =	vld [tilespmem:s9+$0xFFFFFFA0]  }
0x27c: {  	v7 =	vadd.f32 v7, v8;
	v8 =	vadd.f32 v11, v5;
	v11 =	vld [tilespmem:s24+$0x80]  }
0x27d: {  	v36 =	vld [tilespmem:s9+$0x20];
	v4 =	vadd.f32 v4, v9  }
0x27e: {  	v37 =	vld [tilespmem:s9+$0xFFFFFF30];
	v7 =	vadd.f32 v12, v7  }
0x27f: {  	v41 =	vld [tilespmem:s9+$0xFFFFFFB0];
	v12 =	vadd.f32 v13, v4;
	v13 =	vadd.f32 v15, v14  }
0x280: {  	v42 =	vld [tilespmem:s9+$0x30]  }
0x281: {  	v15 =	vld [tilespmem:s24+$0xFFFFFF00];
	v7 =	vmax.f32 v7, $0.0e+00;
	v11 =	vadd.f32 v11, v13  }
0x282: {  	[tilespmem:s16+$0xFFFFFFE0] =	vst v7;
	v7 =	vmax.f32 v12, $0.0e+00;
	v12 =	vld [tilespmem:s10+$0xFFFFFF00]  }
0x283: {  	v13 =	vld [tilespmem:s9+$0xFFFFFF00];
	v11 =	vmax.f32 v11, $0.0e+00  }
0x284: {  	[tilespmem:s9+$0x80] =	vst v11;
	v11 =	vld [tilespmem:s9+$0x90]  }
0x285: {  	v14 =	vld [tilespmem:s10+$0x90]  }
0x286: {  	v43 =	vld [tilespmem:s9+$0xFFFFFF40]  }
0x287: {  	v16 =	vld [tilespmem:s24+$0x90]  }
0x288: {  	v46 =	vld [tilespmem:s9+$0xFFFFFFC0];
	v12 =	vadd.f32 v12, v13  }
0x289: {  	v49 =	vld [tilespmem:s9+$0xFFFFFF50]  }
0x28a: {  	v13 =	vld [tilespmem:s9+$0x0];
	v12 =	vadd.f32 v15, v12;
	v11 =	vadd.f32 v14, v11  }
0x28b: {  	v14 =	vld [tilespmem:s10+$0x0]  }
0x28c: {  	v15 =	vld [tilespmem:s24+$0xFFFFFF80];
	v12 =	vmax.f32 v12, $0.0e+00;
	v11 =	vadd.f32 v16, v11  }
0x28d: {  	v50 =	vld [tilespmem:s9+$0xFFFFFFD0];
	[tilespmem:s9+$0xFFFFFF00] =	vst v12  }
0x28e: {  	v12 =	vld [tilespmem:s10+$0xFFFFFF10];
	v11 =	vmax.f32 v11, $0.0e+00  }
0x28f: {  	v17 =	vadd.f32 v18, v17;
	[tilespmem:s9+$0x90] =	vst v11;
	v11 =	vld [tilespmem:s9+$0xA0]  }
0x290: {  	v13 =	vadd.f32 v14, v13;
	v14 =	vld [tilespmem:s24+$0xFFFFFF10]  }
0x291: {  	v15 =	vadd.f32 v15, v17;
	v28 =	vld [tilespmem:s10+$0xA0]  }
0x292: {  	v52 =	vld [tilespmem:s9+$0x50];
	v13 =	vadd.f32 v19, v13  }
0x293: {  	v15 =	vmax.f32 v15, $0.0e+00;
	v29 =	vld [tilespmem:s24+$0xA0];
	v12 =	vadd.f32 v12, v27  }
0x294: {  	v55 =	vld [tilespmem:s9+$0xFFFFFF60];
	[tilespmem:s9+$0xFFFFFF80] =	vst v15;
	v13 =	vmax.f32 v13, $0.0e+00  }
0x295: {  	v15 =	vld [tilespmem:s10+$0xFFFFFF90];
	[tilespmem:s9+$0x0] =	vst v13;
	v12 =	vadd.f32 v14, v12  }
0x296: {  	v11 =	vadd.f32 v28, v11;
	v13 =	vld [tilespmem:s10+$0x10]  }
0x297: {  	v14 =	vld [tilespmem:s24+$0xFFFFFF90];
	v12 =	vmax.f32 v12, $0.0e+00  }
0x298: {  	v32 =	vld [tilespmem:s24+$0x10];
	v11 =	vadd.f32 v29, v11;
	[tilespmem:s9+$0xFFFFFF10] =	vst v12  }
0x299: {  	v12 =	vld [tilespmem:s10+$0xFFFFFF20]  }
0x29a: {  	v15 =	vadd.f32 v15, v20;
	v34 =	vld [tilespmem:s24+$0xFFFFFF20];
	v11 =	vmax.f32 v11, $0.0e+00  }
0x29b: {  	[tilespmem:s9+$0xA0] =	vst v11;
	v11 =	vld [tilespmem:s9+$0xB0];
	v13 =	vadd.f32 v13, v30  }
0x29c: {  	v14 =	vadd.f32 v14, v15;
	v33 =	vld [tilespmem:s10+$0xB0]  }
0x29d: {  	v56 =	vld [tilespmem:s9+$0xFFFFFFE0];
	v13 =	vadd.f32 v32, v13  }
0x29e: {  	v15 =	vld [tilespmem:s24+$0xB0];
	v14 =	vmax.f32 v14, $0.0e+00;
	v12 =	vadd.f32 v12, v31  }
0x29f: {  	v2 =	vld [tilespmem:s16+$0xF0];
	[tilespmem:s9+$0xFFFFFF90] =	vst v14;
	v13 =	vmax.f32 v13, $0.0e+00  }
0x2a0: {  	v14 =	vld [tilespmem:s10+$0xFFFFFFA0];
	[tilespmem:s9+$0x10] =	vst v13;
	v12 =	vadd.f32 v34, v12  }
0x2a1: {  	v11 =	vadd.f32 v33, v11;
	v13 =	vld [tilespmem:s10+$0x20]  }
0x2a2: {  	v38 =	vld [tilespmem:s24+$0x20];
	v12 =	vmax.f32 v12, $0.0e+00  }
0x2a3: {  	v11 =	vadd.f32 v15, v11;
	v15 =	vld [tilespmem:s24+$0xFFFFFFA0];
	[tilespmem:s9+$0xFFFFFF20] =	vst v12  }
0x2a4: {  	v12 =	vld [tilespmem:s10+$0xFFFFFF30]  }
0x2a5: {  	v40 =	vld [tilespmem:s24+$0xFFFFFF30];
	v11 =	vmax.f32 v11, $0.0e+00  }
0x2a6: {  	v3 =	vmax.f32 v3, $0.0e+00;
	v14 =	vadd.f32 v14, v35;
	[tilespmem:s9+$0xB0] =	vst v11;
	v11 =	vld [tilespmem:s9+$0xC0]  }
0x2a7: {  	[tilespmem:s16+$0xE0] =	vst v3;
	v13 =	vadd.f32 v13, v36;
	v39 =	vld [tilespmem:s10+$0xC0]  }
0x2a8: {  	v3 =	vld [tilespmem:s22+$0xF0];
	v14 =	vadd.f32 v15, v14  }
0x2a9: {  	v15 =	vld [tilespmem:s24+$0xC0];
	v13 =	vadd.f32 v38, v13  }
0x2aa: {  	v10 =	vld [tilespmem:s25+$0xF0];
	v12 =	vadd.f32 v12, v37;
	v14 =	vmax.f32 v14, $0.0e+00  }
0x2ab: {  	v6 =	vld [tilespmem:s16+$0xFFFFFF70];
	v13 =	vmax.f32 v13, $0.0e+00;
	[tilespmem:s9+$0xFFFFFFA0] =	vst v14  }
0x2ac: {  	[tilespmem:s9+$0x20] =	vst v13;
	v12 =	vadd.f32 v40, v12;
	v11 =	vadd.f32 v39, v11;
	v13 =	vld [tilespmem:s10+$0xFFFFFFB0]  }
0x2ad: {  	v14 =	vld [tilespmem:s10+$0x30]  }
0x2ae: {  	v2 =	vadd.f32 v3, v2;
	v12 =	vmax.f32 v12, $0.0e+00;
	v11 =	vadd.f32 v15, v11;
	v15 =	vld [tilespmem:s24+$0xFFFFFFB0]  }
0x2af: {  	[tilespmem:s9+$0xFFFFFF30] =	vst v12;
	v12 =	vld [tilespmem:s24+$0x30]  }
0x2b0: {  	v2 =	vadd.f32 v10, v2;
	v10 =	vld [tilespmem:s9+$0xFFFFFFF0];
	v11 =	vmax.f32 v11, $0.0e+00  }
0x2b1: {  	v44 =	vld [tilespmem:s10+$0xFFFFFF40];
	[tilespmem:s9+$0xC0] =	vst v11;
	v11 =	vadd.f32 v13, v41  }
0x2b2: {  	v13 =	vld [tilespmem:s9+$0xD0];
	v14 =	vadd.f32 v14, v42  }
0x2b3: {  	v45 =	vld [tilespmem:s10+$0xD0];
	v11 =	vadd.f32 v15, v11  }
0x2b4: {  	v47 =	vld [tilespmem:s24+$0xFFFFFF40];
	v12 =	vadd.f32 v12, v14  }
0x2b5: {  	v14 =	vld [tilespmem:s24+$0xD0];
	v11 =	vmax.f32 v11, $0.0e+00  }
0x2b6: {  	v15 =	vld [tilespmem:s9+$0x40];
	[tilespmem:s9+$0xFFFFFFB0] =	vst v11;
	v11 =	vmax.f32 v12, $0.0e+00  }
0x2b7: {  	v12 =	vld [tilespmem:s10+$0xFFFFFFC0];
	[tilespmem:s9+$0x30] =	vst v11  }
0x2b8: {  	v11 =	vadd.f32 v45, v13;
	v13 =	vld [tilespmem:s10+$0x40]  }
0x2b9: {  	v48 =	vld [tilespmem:s24+$0xFFFFFFC0]  }
0x2ba: {  	v5 =	vld [tilespmem:s16+$0xFFFFFFF0];
	v11 =	vadd.f32 v14, v11  }
0x2bb: {  	v16 =	vadd.f32 v44, v43;
	v14 =	vld [tilespmem:s24+$0x40]  }
0x2bc: {  	v4 =	vld [tilespmem:s16+$0x70];
	v11 =	vmax.f32 v11, $0.0e+00;
	v12 =	vadd.f32 v12, v46  }
0x2bd: {  	v8 =	vmax.f32 v8, $0.0e+00;
	[tilespmem:s9+$0xD0] =	vst v11;
	v11 =	vadd.f32 v47, v16;
	v13 =	vadd.f32 v13, v15;
	v15 =	vld [tilespmem:s9+$0xE0]  }
0x2be: {  	[tilespmem:s16+$0xFFFFFF60] =	vst v8;
	v51 =	vld [tilespmem:s10+$0xE0];
	v12 =	vadd.f32 v48, v12  }
0x2bf: {  	v9 =	vld [tilespmem:s22+$0xFFFFFF70];
	v11 =	vmax.f32 v11, $0.0e+00  }
0x2c0: {  	v13 =	vadd.f32 v14, v13;
	[tilespmem:s9+$0xFFFFFF40] =	vst v11;
	v11 =	vmax.f32 v12, $0.0e+00;
	v12 =	vld [tilespmem:s24+$0xE0]  }
0x2c1: {  	v14 =	vld [tilespmem:s10+$0xFFFFFF50]  }
0x2c2: {  	v53 =	vld [tilespmem:s24+$0xFFFFFF50];
	[tilespmem:s9+$0xFFFFFFC0] =	vst v11;
	v11 =	vmax.f32 v13, $0.0e+00  }
0x2c3: {  	v13 =	vld [tilespmem:s10+$0xFFFFFFD0];
	[tilespmem:s9+$0x40] =	vst v11;
	v15 =	vadd.f32 v51, v15  }
0x2c4: {  	v11 =	vld [tilespmem:s10+$0x50]  }
0x2c5: {  	v54 =	vld [tilespmem:s24+$0xFFFFFFD0];
	v12 =	vadd.f32 v12, v15  }
0x2c6: {  	v15 =	vld [tilespmem:s24+$0x50];
	v14 =	vadd.f32 v14, v49  }
0x2c7: {  	v62 =	vld [tilespmem:s25+$0xFFFFFF70];
	v12 =	vmax.f32 v12, $0.0e+00  }
0x2c8: {  	v8 =	vld [tilespmem:s22+$0xFFFFFFF0];
	v13 =	vadd.f32 v13, v50;
	[tilespmem:s9+$0xE0] =	vst v12;
	v12 =	vadd.f32 v53, v14  }
0x2c9: {  	v11 =	vadd.f32 v11, v52;
	v14 =	vld [tilespmem:s9+$0xF0]  }
0x2ca: {  	v13 =	vadd.f32 v54, v13;
	v57 =	vld [tilespmem:s10+$0xF0];
	v12 =	vmax.f32 v12, $0.0e+00  }
0x2cb: {  	v11 =	vadd.f32 v15, v11;
	v15 =	vld [tilespmem:s9+$0x60];
	[tilespmem:s9+$0xFFFFFF50] =	vst v12  }
0x2cc: {  	v12 =	vmax.f32 v13, $0.0e+00;
	v13 =	vld [tilespmem:s10+$0xFFFFFF60]  }
0x2cd: {  	[tilespmem:s9+$0xFFFFFFD0] =	vst v12;
	v11 =	vmax.f32 v11, $0.0e+00;
	v21 =	vld [tilespmem:s24+$0xFFFFFF60]  }
0x2ce: {  	v59 =	vld [tilespmem:s10+$0xFFFFFFE0];
	[tilespmem:s9+$0x50] =	vst v11  }
0x2cf: {  	v11 =	vld [tilespmem:s10+$0x60]  }
0x2d0: {  	v22 =	vld [tilespmem:s24+$0xFFFFFFE0]  }
0x2d1: {  	v3 =	vld [tilespmem:s24+$0x60]  }
0x2d2: {  	[tilespmem:s16+$0x60] =	vst v7;
	v58 =	vld [tilespmem:s24+$0xF0];
	v13 =	vadd.f32 v13, v55  }
0x2d3: {  	v7 =	vld [tilespmem:s22+$0x70];
	v60 =	vadd.f32 v59, v56  }
0x2d4: {  	v12 =	vld [tilespmem:s9+$0xFFFFFF70];
	v15 =	vadd.f32 v11, v15;
	v13 =	vadd.f32 v21, v13  }
0x2d5: {  	v2 =	vmax.f32 v2, $0.0e+00;
	v14 =	vadd.f32 v57, v14;
	v11 =	vld [tilespmem:s9+$0x70];
	v61 =	vadd.f32 v22, v60  }
0x2d6: {  	[tilespmem:s16+$0xF0] =	vst v2;
	v2 =	vmax.f32 v13, $0.0e+00;
	v3 =	vadd.f32 v3, v15;
	v13 =	vld [tilespmem:s25+$0xFFFFFFF0]  }
0x2d7: {  	v15 =	vadd.f32 v58, v14;
	v14 =	vld [tilespmem:s25+$0x70];
	[tilespmem:s9+$0xFFFFFF60] =	vst v2;
	v2 =	vmax.f32 v61, $0.0e+00  }
0x2d8: {  	v63 =	vadd.f32 v9, v6;
	[tilespmem:s9+$0xFFFFFFE0] =	vst v2;
	v9 =	vld [tilespmem:s10+$0xFFFFFF70];
	v3 =	vmax.f32 v3, $0.0e+00  }
0x2d9: {  	v2 =	vadd.f32 v8, v5;
	v6 =	vmax.f32 v15, $0.0e+00;
	v5 =	vld [tilespmem:s10+$0xFFFFFFF0];
	[tilespmem:s9+$0x60] =	vst v3  }
0x2da: {  	s13 =	simm.s32 $0x6900;
	s22 =	simm.s32 $0x4300;
	s25 =	simm.s32 $0x4;
	v3 =	vadd.f32 v7, v4;
	[tilespmem:s9+$0xF0] =	vst v6;
	v4 =	vadd.f32 v62, v63;
	v6 =	vld [tilespmem:s10+$0x70]  }
.LBB2_9:
0x2db: {  	v7 =	vld [tilespmem:s22+$0x80];
	s10 =	sadd.s32 $0x200, s10;
	v2 =	vadd.f32 v13, v2  }
0x2dc: {  	s25 =	sadd.s32 $0x4, s25;
	v8 =	vld [tilespmem:s10+$0x80];
	v13 =	vmax.f32 v4, $0.0e+00;
	v3 =	vadd.f32 v14, v3  }
0x2dd: {  	s24 =	sadd.s32 $0x200, s24;
	p1 =	slt.u32 s25, $0x24;
	v14 =	vld [tilespmem:s10+$0xFFFFFF00];
	v4 =	vadd.f32 v9, v12;
	[tilespmem:s16+$0xFFFFFF70] =	vst v13;
	v9 =	vmax.f32 v2, $0.0e+00  }
0x2de: {  	v12 =	vld [tilespmem:s24+$0x80];
	v2 =	vadd.f32 v5, v10;
	[tilespmem:s16+$0xFFFFFFF0] =	vst v9;
	v5 =	vmax.f32 v3, $0.0e+00  }
0x2df: {  	v9 =	vld [tilespmem:s22+$0xFFFFFF80];
	v3 =	vadd.f32 v6, v11;
	[tilespmem:s16+$0x70] =	vst v5;
	s16 =	smov.u32 s9;
	s9 =	smov.u32 s22  }
0x2e0: {  	v5 =	vld [tilespmem:s10+$0xFFFFFF80]  }
0x2e1: {  	v6 =	vld [tilespmem:s22+$0x0];
	v7 =	vadd.f32 v8, v7  }
0x2e2: {  	v8 =	vld [tilespmem:s10+$0x0]  }
0x2e3: {  	v10 =	vld [tilespmem:s22+$0xFFFFFF00];
	v7 =	vadd.f32 v12, v7  }
0x2e4: {  	v11 =	vld [tilespmem:s24+$0xFFFFFF00]  }
0x2e5: {  	v5 =	vadd.f32 v5, v9;
	v9 =	vld [tilespmem:s24+$0xFFFFFF80];
	v7 =	vmax.f32 v7, $0.0e+00  }
0x2e6: {  	[tilespmem:s22+$0x80] =	vst v7;
	v7 =	vld [tilespmem:s22+$0x90]  }
0x2e7: {  	v6 =	vadd.f32 v8, v6;
	v8 =	vld [tilespmem:s10+$0x90]  }
0x2e8: {  	v10 =	vadd.f32 v14, v10;
	v12 =	vld [tilespmem:s24+$0x0]  }
0x2e9: {  	v13 =	vld [tilespmem:s24+$0x90]  }
0x2ea: {  	v10 =	vadd.f32 v11, v10;
	v11 =	vld [tilespmem:s22+$0xFFFFFF10];
	v5 =	vadd.f32 v9, v5  }
0x2eb: {  	v9 =	vld [tilespmem:s22+$0xFFFFFF90]  }
0x2ec: {  	v10 =	vmax.f32 v10, $0.0e+00;
	v5 =	vmax.f32 v5, $0.0e+00;
	v14 =	vld [tilespmem:s22+$0x10];
	v7 =	vadd.f32 v8, v7  }
0x2ed: {  	[tilespmem:s22+$0xFFFFFF00] =	vst v10;
	v8 =	vld [tilespmem:s22+$0xFFFFFF20];
	v6 =	vadd.f32 v12, v6  }
0x2ee: {  	v10 =	vld [tilespmem:s10+$0xFFFFFF10];
	[tilespmem:s22+$0xFFFFFF80] =	vst v5;
	v5 =	vadd.f32 v13, v7  }
0x2ef: {  	v7 =	vld [tilespmem:s10+$0xFFFFFF90];
	v6 =	vmax.f32 v6, $0.0e+00  }
0x2f0: {  	v12 =	vld [tilespmem:s24+$0xFFFFFF10];
	[tilespmem:s22+$0x0] =	vst v6;
	v5 =	vmax.f32 v5, $0.0e+00  }
0x2f1: {  	[tilespmem:s22+$0x90] =	vst v5;
	v5 =	vld [tilespmem:s22+$0xA0]  }
0x2f2: {  	v6 =	vld [tilespmem:s10+$0xA0]  }
0x2f3: {  	v10 =	vadd.f32 v10, v11;
	v11 =	vld [tilespmem:s10+$0x10]  }
0x2f4: {  	v7 =	vadd.f32 v7, v9;
	v9 =	vld [tilespmem:s24+$0xA0]  }
0x2f5: {  	v10 =	vadd.f32 v12, v10;
	v12 =	vld [tilespmem:s24+$0xFFFFFF90]  }
0x2f6: {  	v13 =	vld [tilespmem:s24+$0x10]  }
0x2f7: {  	v10 =	vmax.f32 v10, $0.0e+00;
	v15 =	vld [tilespmem:s22+$0xFFFFFFA0];
	v5 =	vadd.f32 v6, v5  }
0x2f8: {  	[tilespmem:s22+$0xFFFFFF10] =	vst v10;
	v6 =	vadd.f32 v11, v14;
	v10 =	vld [tilespmem:s22+$0x20]  }
0x2f9: {  	v11 =	vld [tilespmem:s10+$0xFFFFFF20];
	v5 =	vadd.f32 v9, v5  }
0x2fa: {  	v9 =	vld [tilespmem:s24+$0xFFFFFF20];
	v7 =	vadd.f32 v12, v7  }
0x2fb: {  	v12 =	vld [tilespmem:s22+$0xFFFFFF30];
	v6 =	vadd.f32 v13, v6;
	v5 =	vmax.f32 v5, $0.0e+00  }
0x2fc: {  	v7 =	vmax.f32 v7, $0.0e+00;
	[tilespmem:s22+$0xA0] =	vst v5;
	v5 =	vld [tilespmem:s22+$0xB0]  }
0x2fd: {  	[tilespmem:s22+$0xFFFFFF90] =	vst v7;
	v6 =	vmax.f32 v6, $0.0e+00;
	v7 =	vld [tilespmem:s10+$0xB0]  }
0x2fe: {  	v8 =	vadd.f32 v11, v8;
	v11 =	vld [tilespmem:s10+$0xFFFFFFA0];
	[tilespmem:s22+$0x10] =	vst v6  }
0x2ff: {  	v6 =	vld [tilespmem:s24+$0xB0]  }
0x300: {  	v8 =	vadd.f32 v9, v8;
	v9 =	vld [tilespmem:s10+$0x20]  }
0x301: {  	v13 =	vld [tilespmem:s24+$0xFFFFFFA0]  }
0x302: {  	v8 =	vmax.f32 v8, $0.0e+00;
	v14 =	vld [tilespmem:s24+$0x20];
	v5 =	vadd.f32 v7, v5  }
0x303: {  	[tilespmem:s22+$0xFFFFFF20] =	vst v8;
	v7 =	vadd.f32 v11, v15;
	v8 =	vld [tilespmem:s22+$0xFFFFFFB0]  }
0x304: {  	v11 =	vld [tilespmem:s10+$0xFFFFFF30];
	v5 =	vadd.f32 v6, v5  }
0x305: {  	v6 =	vadd.f32 v9, v10;
	v9 =	vld [tilespmem:s22+$0x30]  }
0x306: {  	v10 =	vld [tilespmem:s24+$0xFFFFFF30];
	v7 =	vadd.f32 v13, v7;
	v5 =	vmax.f32 v5, $0.0e+00  }
0x307: {  	v6 =	vadd.f32 v14, v6;
	[tilespmem:s22+$0xB0] =	vst v5;
	v5 =	vld [tilespmem:s22+$0xC0]  }
0x308: {  	v7 =	vmax.f32 v7, $0.0e+00;
	v13 =	vld [tilespmem:s10+$0xC0]  }
0x309: {  	v11 =	vadd.f32 v11, v12;
	v12 =	vld [tilespmem:s22+$0xFFFFFF40];
	[tilespmem:s22+$0xFFFFFFA0] =	vst v7;
	v6 =	vmax.f32 v6, $0.0e+00  }
0x30a: {  	[tilespmem:s22+$0x20] =	vst v6;
	v6 =	vld [tilespmem:s24+$0xC0]  }
0x30b: {  	v7 =	vadd.f32 v10, v11;
	v10 =	vld [tilespmem:s10+$0xFFFFFFB0]  }
0x30c: {  	v11 =	vld [tilespmem:s10+$0x30]  }
0x30d: {  	v7 =	vmax.f32 v7, $0.0e+00;
	v14 =	vld [tilespmem:s24+$0xFFFFFFB0];
	v5 =	vadd.f32 v13, v5  }
0x30e: {  	[tilespmem:s22+$0xFFFFFF30] =	vst v7;
	v7 =	vld [tilespmem:s24+$0x30]  }
0x30f: {  	v13 =	vld [tilespmem:s10+$0xFFFFFF40];
	v5 =	vadd.f32 v6, v5  }
0x310: {  	v6 =	vadd.f32 v10, v8;
	v8 =	vld [tilespmem:s22+$0xFFFFFFC0]  }
0x311: {  	v9 =	vadd.f32 v11, v9;
	v10 =	vld [tilespmem:s22+$0x40];
	v5 =	vmax.f32 v5, $0.0e+00  }
0x312: {  	v6 =	vadd.f32 v14, v6;
	[tilespmem:s22+$0xC0] =	vst v5;
	v5 =	vld [tilespmem:s22+$0xD0]  }
0x313: {  	v7 =	vadd.f32 v7, v9;
	v9 =	vld [tilespmem:s10+$0xD0]  }
0x314: {  	v11 =	vadd.f32 v13, v12;
	v12 =	vld [tilespmem:s24+$0xFFFFFF40];
	v6 =	vmax.f32 v6, $0.0e+00  }
0x315: {  	[tilespmem:s22+$0xFFFFFFB0] =	vst v6;
	v6 =	vmax.f32 v7, $0.0e+00;
	v7 =	vld [tilespmem:s24+$0xD0]  }
0x316: {  	v13 =	vld [tilespmem:s10+$0xFFFFFFC0];
	[tilespmem:s22+$0x30] =	vst v6  }
0x317: {  	v6 =	vld [tilespmem:s10+$0x40]  }
0x318: {  	v14 =	vld [tilespmem:s24+$0xFFFFFFC0];
	v5 =	vadd.f32 v9, v5  }
0x319: {  	v9 =	vadd.f32 v12, v11;
	v11 =	vld [tilespmem:s24+$0x40]  }
0x31a: {  	v12 =	vld [tilespmem:s22+$0xFFFFFF50];
	v5 =	vadd.f32 v7, v5  }
0x31b: {  	v7 =	vmax.f32 v9, $0.0e+00;
	v8 =	vadd.f32 v13, v8;
	v9 =	vld [tilespmem:s22+$0xFFFFFFD0]  }
0x31c: {  	[tilespmem:s22+$0xFFFFFF40] =	vst v7;
	v6 =	vadd.f32 v6, v10;
	v7 =	vld [tilespmem:s22+$0x50];
	v5 =	vmax.f32 v5, $0.0e+00  }
0x31d: {  	v8 =	vadd.f32 v14, v8;
	[tilespmem:s22+$0xD0] =	vst v5;
	v5 =	vld [tilespmem:s22+$0xE0]  }
0x31e: {  	v6 =	vadd.f32 v11, v6;
	v10 =	vld [tilespmem:s10+$0xE0]  }
0x31f: {  	v11 =	vld [tilespmem:s10+$0xFFFFFF50];
	v8 =	vmax.f32 v8, $0.0e+00  }
0x320: {  	[tilespmem:s22+$0xFFFFFFC0] =	vst v8;
	v6 =	vmax.f32 v6, $0.0e+00;
	v8 =	vld [tilespmem:s24+$0xE0]  }
0x321: {  	v13 =	vld [tilespmem:s10+$0xFFFFFFD0];
	[tilespmem:s22+$0x40] =	vst v6  }
0x322: {  	v6 =	vld [tilespmem:s10+$0x50]  }
0x323: {  	v14 =	vld [tilespmem:s24+$0xFFFFFF50];
	v5 =	vadd.f32 v10, v5  }
0x324: {  	v10 =	vadd.f32 v11, v12;
	v11 =	vld [tilespmem:s24+$0xFFFFFFD0]  }
0x325: {  	v12 =	vld [tilespmem:s24+$0x50];
	v5 =	vadd.f32 v8, v5  }
0x326: {  	v8 =	vld [tilespmem:s22+$0xFFFFFF60];
	v9 =	vadd.f32 v13, v9  }
0x327: {  	v13 =	vld [tilespmem:s22+$0xFFFFFFE0];
	v6 =	vadd.f32 v6, v7;
	v5 =	vmax.f32 v5, $0.0e+00  }
0x328: {  	v7 =	vadd.f32 v14, v10;
	[tilespmem:s22+$0xE0] =	vst v5;
	v5 =	vld [tilespmem:s22+$0xF0]  }
0x329: {  	v9 =	vadd.f32 v11, v9;
	v10 =	vld [tilespmem:s10+$0xF0]  }
0x32a: {  	v7 =	vmax.f32 v7, $0.0e+00;
	v6 =	vadd.f32 v12, v6;
	v11 =	vld [tilespmem:s22+$0x60]  }
0x32b: {  	[tilespmem:s22+$0xFFFFFF50] =	vst v7;
	v7 =	vmax.f32 v9, $0.0e+00;
	v9 =	vld [tilespmem:s24+$0xF0]  }
0x32c: {  	v12 =	vld [tilespmem:s10+$0xFFFFFF60];
	[tilespmem:s22+$0xFFFFFFD0] =	vst v7;
	v6 =	vmax.f32 v6, $0.0e+00  }
0x32d: {  	v7 =	vld [tilespmem:s10+$0xFFFFFFE0];
	[tilespmem:s22+$0x50] =	vst v6  }
0x32e: {  	v6 =	vld [tilespmem:s10+$0x60];
	v5 =	vadd.f32 v10, v5  }
0x32f: {  	v14 =	vld [tilespmem:s24+$0xFFFFFF60]  }
0x330: {  	v15 =	vld [tilespmem:s24+$0xFFFFFFE0];
	v5 =	vadd.f32 v9, v5  }
0x331: {  	v8 =	vadd.f32 v12, v8;
	v9 =	vld [tilespmem:s24+$0x60]  }
0x332: {  	v12 =	vld [tilespmem:s22+$0xFFFFFF70];
	v7 =	vadd.f32 v7, v13;
	v5 =	vmax.f32 v5, $0.0e+00  }
0x333: {  	v10 =	vld [tilespmem:s22+$0xFFFFFFF0];
	v6 =	vadd.f32 v6, v11;
	[tilespmem:s22+$0xF0] =	vst v5  }
0x334: {  	v5 =	vadd.f32 v14, v8;
	v11 =	vld [tilespmem:s22+$0x70]  }
0x335: {  	v7 =	vadd.f32 v15, v7;
	v8 =	vld [tilespmem:s13+$0xFFFFFF70]  }
.Ltmp5:
0x336: {  	v5 =	vmax.f32 v5, $0.0e+00;
	v6 =	vadd.f32 v9, v6;
	v13 =	vld [tilespmem:s13+$0xFFFFFFF0];
	(pc) =	sbr.rel @p1 .LBB2_9-.Ltmp5, $4  }
0x337: {  	[tilespmem:s22+$0xFFFFFF60] =	vst v5;
	v5 =	vmax.f32 v7, $0.0e+00;
	v14 =	vld [tilespmem:s13+$0x70];
	s13 =	smov.u32 s24  }
0x338: {  	v9 =	vld [tilespmem:s10+$0xFFFFFF70];
	[tilespmem:s22+$0xFFFFFFE0] =	vst v5;
	v6 =	vmax.f32 v6, $0.0e+00  }
0x339: {  	v5 =	vld [tilespmem:s10+$0xFFFFFFF0];
	[tilespmem:s22+$0x60] =	vst v6  }
0x33a: {  	s22 =	sadd.s32 $0x200, s22;
	v6 =	vld [tilespmem:s10+$0x70];
	v4 =	vadd.f32 v8, v4  }
0x33b: {  	v7 =	vld [tilespmem:s13+$0xFFFFFF70]  }
0x33c: {  	v8 =	vld [tilespmem:s13+$0xFFFFFFF0]  }
0x33d: {  	v15 =	vld [tilespmem:s13+$0x70]  }
0x33e: {  	v2 =	vadd.f32 v13, v2;
	v9 =	vadd.f32 v9, v12  }
0x33f: {  	v3 =	vadd.f32 v14, v3;
	v4 =	vmax.f32 v4, $0.0e+00;
	v5 =	vadd.f32 v5, v10  }
0x340: {  	[tilespmem:s16+$0xFFFFFF70] =	vst v4;
	v2 =	vmax.f32 v2, $0.0e+00;
	v62 =	vadd.f32 v6, v11;
	v63 =	vadd.f32 v7, v9  }
0x341: {  	[tilespmem:s16+$0xFFFFFFF0] =	vst v2;
	v2 =	vmax.f32 v3, $0.0e+00;
	v3 =	vadd.f32 v8, v5  }
0x342: {  	[tilespmem:s16+$0x70] =	vst v2;
	v4 =	vadd.f32 v15, v62;
	v2 =	vmax.f32 v63, $0.0e+00  }
0x343: {  	[tilespmem:s9+$0xFFFFFF70] =	vst v2;
	v2 =	vmax.f32 v3, $0.0e+00  }
0x344: {  	[tilespmem:s9+$0xFFFFFFF0] =	vst v2;
	v2 =	vmax.f32 v4, $0.0e+00  }
.Ltmp6:
0x345: {  	[tilespmem:s9+$0x70] =	vst v2;
	(pc) =	sbr.rel @p0 .LBB2_12-.Ltmp6, $4  }
0x346: {  	[spmem:s2] =	stream.indirect.scatter.add.f32 [tilespmem:s23], [sflag:$0x9], $0x80, s18, s17, $0xb8;
	[tilespmem:$0x1E200] =	vst v63  }
0x347: {  	_ =	swait.ge [sflag:s14], $0x1400  }
0x348: {  	[sflag:s14] =	ssyncset.done $0x0  }
0x349: {  	[sflag:s14] =	ssyncadd.s32 $0xFFFFEC00  }
0x34a: {  	s9 =	rddreg [dreg:$0xf]  }
0x34b: {  	s9 =	sadd.s32 s12, s9  }
.Ltmp7:
0x34c: {  	s9 =	sshrl.u32 s9, $0x3;
	(pc) =	sbr.rel .LBB2_6-.Ltmp7, $4  }
0x34d: {  	s10 =	sadd.s32 s5, s9  }
0x34e: {  	[tilespmem:s18], [sflag:$0x8] =	stream.linear.gather [hbm4b:s10+s3], $0x28, $0x38;
	[tilespmem:$0x1E200] =	vst v63  }
0x34f: {  	s11 =	sadd.s32 $0x1, s11;
	s9 =	sadd.s32 s6, s9  }
0x350: {  	[tilespmem:s19], [sflag:$0x8] =	stream.linear.gather [hbm4b:s9+s3], $0x28, $0x38;
	[tilespmem:$0x1E200] =	vst v63  }
.LBB2_13:
0x351: {  	_ =	sfence.sel $0x180000  }
0x352: {  	[bflag:$0x0] =	sbarrier.arrive $0xFFFF  }
0x353: {  	_ =	strace $0x90000047  }
0x354: {  	s0 =	stileid.u32;
	[bflag:$0x2] =	sbarrier.arrive $0xFFFF  }
0x355: {  	p0 =	sne.s32 s0, $0x0;
	s0 =	rddreg [dreg:$0x3]  }
0x356: {  	s0 =	sadd.s32 @!p0 $0x100000, s0  }
0x357: {  	[sflag:s0] =	ssyncadd.tile.s32 @!p0 $0x1;
	_ =	shalt  }
.Lfunc_end2:
_tile_overlayer_lowered:
.L_overlay_start_2:
0x358: {  	(tag) =	ssettag $0x2  }
0x359: {  	s0 =	rddreg [dreg:$0x0];
	s2 =	stileid.u32  }
0x35a: {  	s1 =	rddreg [dreg:$0x1];
	p0 =	sne.s32 s2, $0x0  }
0x35b: {  	s3 =	rddreg [dreg:$0x2];
	[bflag:$0x3] =	sbarrier.arrive $0xFFFF;
	s2 =	simm.s32 @!p0 $0x1C09  }
0x35c: {  	[timem:s3], [sflag:s2] =	dma.local @!p0 [hbm:s0], s1  }
0x35d: {  	s0 =	simm.s32 @!p0 $0x9  }
0x35e: {  	_ =	swait.ge @!p0 [sflag:s0], s1  }
0x35f: {  	s1 =	ssub.s32 @!p0 $0x0, s1;
	[sflag:s0] =	ssyncset.done @!p0 $0x0  }
0x360: {  	[sflag:s0] =	ssyncadd.s32 @!p0 s1  }
0x361: {  	[bflag:$0x3] =	sbarrier.arrive $0xFFFF  }
0x362: {  	_ =	shalt  }

</sc_bundles>
